<compile_context>
chip_gen: v7x
topology: tpu7x:2x2x1
jax: 0.10.2.dev20260603
libtpu: 0.0.44.dev20260713+nightly
codegen_flags: <defaults>
</compile_context>

<pallas_src>
import functools

import jax
import jax.numpy as jnp
import numpy as np
from jax import lax
from jax.experimental import pallas as pl
from jax.experimental.pallas import tpu as pltpu
from jax.experimental.pallas import tpu_sc as plsc

B0, L0, C0 = 64, 1024, 64
K0, R0 = 3, 3
EPS = 1e-5
N2 = L0 // 2
P_MAX = L0 // 2
PAD = R0 * P_MAX
LPAD = L0 + 2 * PAD
LPITCH = LPAD + 1
NW = 32
NG = (B0 * C0) // 16
GPW = NG // NW

_GW = [float(np.exp(-1.0 * i * i / 2.0) / np.sqrt(2.0 * np.pi))
       for i in range(1, R0 + 1)]


def _l2norm_cols(v):
    n = jnp.sqrt(jnp.sum(v * v, axis=0, keepdims=True))
    return v / jnp.maximum(n, 1e-12)


def _roll_lanes(v, shift):
    if shift == 1:
        return jnp.concatenate([v[:, -1:], v[:, :-1]], axis=1)
    return jnp.concatenate([v[:, 1:], v[:, :1]], axis=1)


def _conv_over_l(v, w8):
    t0 = jnp.sum(v * w8[:, 0:1], axis=0, keepdims=True)
    t1 = jnp.sum(v * w8[:, 1:2], axis=0, keepdims=True)
    t2 = jnp.sum(v * w8[:, 2:3], axis=0, keepdims=True)
    return _roll_lanes(t0, 1) + t1 + _roll_lanes(t2, -1)


def _mlp23(h, w1t, b1, w2t, b2, w3t):
    h = jax.nn.relu(jnp.dot(h, w1t, preferred_element_type=jnp.float32) + b1)
    h = jax.nn.relu(jnp.dot(h, w2t, preferred_element_type=jnp.float32) + b2)
    return jnp.dot(h, w3t, preferred_element_type=jnp.float32)


def _k1_body(x_ref, xi_ref, cos_ref, sin_ref,
             cvt_ref, w1t_t, b1_t, w2t_t, b2_t, w3t_t,
             cvp_ref, w1t_p, b1_p, w2t_p, b2_p, w3t_p,
             cvx_ref,
             p_out, a_out, misc_out):
    x = x_ref[0]
    xi = xi_ref[0]
    xd = _l2norm_cols(x)
    xint = _l2norm_cols(xi)

    re = jnp.dot(cos_ref[...], xi, preferred_element_type=jnp.float32,
                 precision=jax.lax.Precision.HIGHEST)
    im = jnp.dot(sin_ref[...], xi, preferred_element_type=jnp.float32,
                 precision=jax.lax.Precision.HIGHEST)
    amp = jnp.sqrt(re * re + im * im)

    iota = lax.broadcasted_iota(jnp.int32, (N2, C0), 0)

    def pick_max(a):
        m = jnp.max(a, axis=0, keepdims=True)
        idx = jnp.min(jnp.where(a == m, iota, N2), axis=0, keepdims=True)
        a2 = jnp.where(iota == idx, -1.0, a)
        return m, idx, a2

    m1, i1, amp_r = pick_max(amp)
    m2, i2, amp_r = pick_max(amp_r)
    m3, i3, _ = pick_max(amp_r)
    amp_sum = m1 + m2 + m3 + EPS

    def period_of(idx):
        jf = idx.astype(jnp.float32)
        return jnp.where(idx <= 1, 1.0, jnp.round(1024.0 / jf))

    mps = [period_of(i1), period_of(i2), period_of(i3)]
    rates = [m1 / amp_sum, m2 / amp_sum, m3 / amp_sum]

    s_trend = _conv_over_l(xd, cvt_ref[...])
    s_per = _conv_over_l(xint, cvp_ref[...])
    sx = _conv_over_l(xint, cvx_ref[...])

    ones_c = jnp.ones((1, C0), jnp.float32)
    multi_trend = jnp.exp(jnp.tanh(_mlp23(
        jnp.concatenate([s_trend, ones_c], axis=1),
        w1t_t[...], b1_t[...], w2t_t[...], b2_t[...], w3t_t[...])))

    a_ks = []
    for k in range(K0):
        mk = jnp.exp(jnp.tanh(_mlp23(
            jnp.concatenate([s_per, mps[k]], axis=1),
            w1t_p[...], b1_p[...], w2t_p[...], b2_p[...], w3t_p[...])))
        a_ks.append(rates[k] * mk)

    r0 = rates[0] + rates[1] + rates[2]

    p_out[0] = jnp.concatenate(mps, axis=1)
    a_out[0] = jnp.concatenate(a_ks, axis=1)
    misc_out[0] = jnp.concatenate([r0, multi_trend, sx], axis=1)


_UNROLL = 4


def _sc_weight_body(zero_hbm, z_hbm, p_hbm, a_hbm, r0_hbm, out_hbm,
                    zbuf, obuf, ibuf, fbuf):
    cid = lax.axis_index("c")
    sid = lax.axis_index("s")
    wid = sid * 2 + cid
    lane = lax.broadcasted_iota(jnp.int32, (16,), 0)
    pltpu.sync_copy(zero_hbm, zbuf)

    def do_group(g, carry):
        pltpu.sync_copy(z_hbm.at[g], zbuf.at[:, pl.ds(PAD, L0)])
        for k in range(K0):
            pltpu.sync_copy(p_hbm.at[k, g], ibuf.at[k])
            pltpu.sync_copy(a_hbm.at[k, g], fbuf.at[k])
        pltpu.sync_copy(r0_hbm.at[g], fbuf.at[K0])
        pks = [ibuf[k] for k in range(K0)]
        aks = [fbuf[k] for k in range(K0)]
        r0v = fbuf[K0]
        offs = [[i * pks[k] for i in range(1, R0 + 1)] for k in range(K0)]

        @plsc.parallel_loop(0, L0, step=1, unroll=_UNROLL)
        def do_s(s):
            col = jnp.full((16,), s + PAD, jnp.int32)
            acc = r0v
            for k in range(K0):
                gs = jnp.zeros((16,), jnp.float32)
                for i in range(1, R0 + 1):
                    off = offs[k][i - 1]
                    gs = gs + _GW[i - 1] * (
                        plsc.load_gather(zbuf, [lane, col - off])
                        + plsc.load_gather(zbuf, [lane, col + off]))
                acc = acc + aks[k] * gs
            plsc.store_scatter(
                obuf, [jnp.full((16,), s, jnp.int32), lane], acc)
        pltpu.sync_copy(obuf, out_hbm.at[g])
        return carry

    lax.fori_loop(wid * GPW, (wid + 1) * GPW, do_group, 0)


def _sc_weight(ztp, p_arr, a_arr, r0_arr, interpret=False):
    mesh = plsc.VectorSubcoreMesh(core_axis_name="c", subcore_axis_name="s")
    fn = pl.kernel(
        _sc_weight_body,
        out_type=jax.ShapeDtypeStruct((NG, L0, 16), jnp.float32),
        mesh=mesh,
        scratch_types=[
            pltpu.VMEM((16, LPITCH), jnp.float32),
            pltpu.VMEM((L0, 16), jnp.float32),
            pltpu.VMEM((K0, 16), jnp.int32),
            pltpu.VMEM((K0 + 1, 16), jnp.float32),
        ],
        compiler_params=pltpu.CompilerParams(use_tc_tiling_on_sc=False, needs_layout_passes=False),
        interpret=interpret,
    )
    zero16 = jnp.zeros((16, LPITCH), jnp.float32)
    return fn(zero16, ztp, p_arr, a_arr, r0_arr)


def _k3_body(x_ref, m_ref, pw_ref, misc_ref,
             cvt_ref, cvp_ref, w1t_r, b1_r, w2t_r, b2_r, w3t_r,
             xn_out, w_out):
    x = x_ref[0]
    maskv = m_ref[0]
    pw = pw_ref[0]
    misc = misc_ref[0, 0]
    multi_trend = misc[C0:2 * C0][None]
    sx = misc[2 * C0:3 * C0][None]

    z = 1.0 - maskv
    gsum = jnp.zeros_like(z)
    zrow = jnp.zeros((1, C0), jnp.float32)
    for i in range(1, R0 + 1):
        zpadi = jnp.concatenate([zrow] * i, axis=0)
        down = jnp.concatenate([zpadi, z[:L0 - i]], axis=0)
        up = jnp.concatenate([z[i:], zpadi], axis=0)
        gsum = gsum + _GW[i - 1] * (down + up)
    tw = 1.0 + multi_trend * gsum

    s_t = _conv_over_l(tw, cvt_ref[...])
    s_p = _conv_over_l(pw, cvp_ref[...])
    h = jnp.concatenate([sx, s_t, s_p], axis=1)
    logits = _mlp23(h, w1t_r[...], b1_r[...], w2t_r[...], b2_r[...], w3t_r[...])
    ratio = 1.0 / (1.0 + jnp.exp(-logits))

    w = tw * ratio + pw * (1.0 - ratio)
    w = w * maskv
    xw = x * w
    cnt = jnp.sum(w, axis=0, keepdims=True)
    cnt = jnp.where(cnt == 0.0, 1.0, cnt)
    mean = jnp.sum(xw, axis=0, keepdims=True) / cnt
    xc = x - mean
    xc = jnp.where(maskv == 0.0, 0.0, xc)
    xw2 = xc * w
    stdev = jnp.sqrt(jnp.sum(xw2 * xw2, axis=0, keepdims=True) / cnt + EPS)
    xn_out[0] = xc / stdev
    w_out[0] = w


def _pad38(conv):
    return jnp.pad(conv, ((0, 0), (0, 5)))


def _row(v):
    return v[None].astype(jnp.float32)


@jax.jit
def kernel(x, mask, x_interpolate, params):
    jt = np.arange(N2, dtype=np.float64)[:, None]
    tt = np.arange(L0, dtype=np.float64)[None, :]
    ang = 2.0 * np.pi * jt * tt / L0
    cos_m = jnp.asarray(np.cos(ang), jnp.float32)
    sin_m = jnp.asarray(np.sin(ang), jnp.float32)

    ptm = params['trend_multi']
    ppm = params['period_multi']
    pr = params['ratio']

    full = lambda s: pl.BlockSpec(s, lambda b: (0,) * len(s))
    bspec = pl.BlockSpec((1, L0, C0), lambda b: (b, 0, 0))
    out_small = pl.BlockSpec((1, 1, 3 * C0), lambda b: (b, 0, 0))

    k1_in_specs = [bspec, bspec, full((N2, L0)), full((N2, L0))]
    k1_args = [x, x_interpolate, cos_m, sin_m]
    for p in (ptm, ppm):
        k1_args += [_pad38(p['conv']), p['w1'].T, _row(p['b1']),
                    p['w2'].T, _row(p['b2']), p['w3'].T]
        k1_in_specs += [full((L0, 8)), full((2 * C0, 16)), full((1, 16)),
                        full((16, 16)), full((1, 16)), full((16, C0))]
    k1_args.append(_pad38(pr['conv_x']))
    k1_in_specs.append(full((L0, 8)))

    p_pack, a_pack, misc = pl.pallas_call(
        _k1_body,
        grid=(B0,),
        in_specs=k1_in_specs,
        out_specs=[out_small, out_small, out_small],
        out_shape=[jax.ShapeDtypeStruct((B0, 1, 3 * C0), jnp.float32)] * 3,
    )(*k1_args)

    mp = p_pack.reshape(B0, K0, C0)
    p_arr = mp.astype(jnp.int32).transpose(1, 0, 2).reshape(K0, NG, 16)
    a_arr = a_pack.reshape(B0, K0, C0).transpose(1, 0, 2).reshape(K0, NG, 16)
    r0_arr = misc[:, 0, :C0].reshape(NG, 16)
    z = 1.0 - mask
    ztp = jnp.swapaxes(z, 1, 2).reshape(NG, 16, L0)

    pw_g = _sc_weight(ztp, p_arr, a_arr, r0_arr)
    pw = pw_g.transpose(0, 2, 1).reshape(B0, C0, L0).swapaxes(1, 2)

    k3_in_specs = [bspec, bspec, bspec, out_small,
                   full((L0, 8)), full((L0, 8)), full((3 * C0, 16)),
                   full((1, 16)), full((16, 16)), full((1, 16)),
                   full((16, C0))]
    xn, w = pl.pallas_call(
        _k3_body,
        grid=(B0,),
        in_specs=k3_in_specs,
        out_specs=[bspec, bspec],
        out_shape=[jax.ShapeDtypeStruct((B0, L0, C0), jnp.float32)] * 2,
    )(x, mask, pw, misc,
      _pad38(pr['conv_t']), _pad38(pr['conv_p']), pr['w1'].T, _row(pr['b1']),
      pr['w2'].T, _row(pr['b2']), pr['w3'].T)
    return xn, w

# --- scband reference (transcript-rebuilt; emitter-appended) ---
"""Pipeline reference for scband-rev-in-weight-27453430956433 (READ-ONLY COPY).

The authoritative reference and input builder live on the scoring server;
editing this copy changes nothing except your own understanding.
"""

import jax, jax.numpy as jnp
import numpy as np

B, L, C = 64, 1024, 64
K, R = 3, 3
EPS = 1e-5

def l2norm(x, axis=1, eps=1e-12):
    n = jnp.sqrt(jnp.sum(x * x, axis=axis, keepdims=True))
    return x / jnp.maximum(n, eps)

def circ_conv(x, W):
    xp = jnp.concatenate([x[:, :, -1:], x, x[:, :, :1]], axis=2)
    win = jnp.stack([xp[:, :, k:k + x.shape[2]] for k in range(3)], axis=-1)
    return jnp.einsum('blck,lk->bc', win, W)

def mlp_multi(xd, period, p):
    s = circ_conv(xd, p['conv'])
    h = jnp.concatenate([s, period], axis=1)
    h = jax.nn.relu(h @ p['w1'].T + p['b1'])
    h = jax.nn.relu(h @ p['w2'].T + p['b2'])
    return jnp.tanh(h @ p['w3'].T)

def mlp_ratio(xd, trend, period, p):
    sx = circ_conv(xd, p['conv_x'])
    st = circ_conv(trend, p['conv_t'])
    sp = circ_conv(period, p['conv_p'])
    h = jnp.concatenate([sx, st, sp], axis=1)
    h = jax.nn.relu(h @ p['w1'].T + p['b1'])
    h = jax.nn.relu(h @ p['w2'].T + p['b2'])
    return jax.nn.sigmoid(h @ p['w3'].T)

def normal_dist(i, multi, sigma=1.0):
    return multi * float(np.exp(-1.0 * i * i / (2 * sigma * sigma)) / (np.sqrt(2 * np.pi) * sigma))

def get_weight_general(x, mask, period, multi, r):
    b, l, c = x.shape
    weight = jnp.ones_like(x)
    zero = (mask == 0)
    t = jnp.arange(l)[None, :, None]
    p = period.astype(jnp.int32)[:, None, :]
    bi = jnp.broadcast_to(jnp.arange(b)[:, None, None], (b, l, c))
    ci = jnp.broadcast_to(jnp.arange(c)[None, None, :], (b, l, c))
    for i in range(-r, r + 1):
        if i == 0:
            continue
        tt = t + i * p
        valid = zero & (tt >= 0) & (tt < l)
        ttc = jnp.clip(tt, 0, l - 1)
        val = jnp.where(valid, jnp.broadcast_to(normal_dist(i, multi)[:, None, :], (b, l, c)), 0.0)
        weight = weight.at[bi, ttc, ci].add(val)
    return weight

def get_weight(x, mask, x_interpolate, params):
    b, l, c = x.shape
    xd = l2norm(jax.lax.stop_gradient(x))
    ones = jnp.ones((b, c), dtype=x.dtype)
    multi_trend = jnp.exp(mlp_multi(xd, ones, params['trend_multi']))
    weight_trend = get_weight_general(x, mask, ones, multi_trend, R)
    n2 = l // 2
    xf = jnp.abs(jnp.fft.fft(x_interpolate, axis=1))[:, :n2, :]
    freq = jnp.fft.fftfreq(l)[:n2].astype(x.dtype)
    amp_t, idx_t = jax.lax.top_k(jnp.swapaxes(xf, 1, 2), K)
    amplitudes = jnp.swapaxes(amp_t, 1, 2)
    index = jnp.swapaxes(idx_t, 1, 2)
    amp_sum = jnp.sum(amplitudes, axis=1) + EPS
    x_int = l2norm(jax.lax.stop_gradient(x_interpolate))
    weight_period = jnp.zeros_like(x)
    for i in range(K):
        mp = 1.0 / freq[index[:, i, :]]
        mp = jnp.where(mp >= L, 1.0, mp)
        mp = jnp.round(mp)
        rate = (amplitudes[:, i, :] / amp_sum)[:, None, :]
        multi_p = jnp.exp(mlp_multi(x_int, mp, params['period_multi']))
        sub = get_weight_general(x, mask, mp, multi_p, R)
        weight_period = weight_period + sub * rate
    ratio = mlp_ratio(x_int, weight_trend, weight_period, params['ratio'])[:, None, :]
    weight = weight_trend * ratio + weight_period * (1.0 - ratio)
    return weight * mask

def forward_norm(x, mask, x_interpolate, params):
    weight = get_weight(x, mask, x_interpolate, params)
    xw = x * weight
    cnt = jnp.sum(weight, axis=1)
    cnt = jnp.where(cnt == 0, 1.0, cnt)
    mean = (jnp.sum(xw, axis=1) / cnt)[:, None, :]
    xc = x - mean
    xc = jnp.where(mask == 0, 0.0, xc)
    xw2 = xc * weight
    stdev = jnp.sqrt(jnp.sum(xw2 * xw2, axis=1) / cnt + EPS)[:, None, :]
    xn = xc / stdev
    return xn, weight * mask

def make_multi_params(key, c, l):
    ks = jax.random.split(key, 5)
    return {
        'conv': jax.random.normal(ks[0], (l, 3), dtype=jnp.float32) / np.sqrt(3.0 * l),
        'w1': jax.random.normal(ks[1], (16, 2 * c), dtype=jnp.float32) * 0.05,
        'b1': jnp.zeros((16,), dtype=jnp.float32),
        'w2': jax.random.normal(ks[2], (16, 16), dtype=jnp.float32) * 0.1,
        'b2': jnp.zeros((16,), dtype=jnp.float32),
        'w3': jax.random.normal(ks[3], (c, 16), dtype=jnp.float32) * 0.1,
    }

def make_ratio_params(key, c, l):
    ks = jax.random.split(key, 7)
    return {
        'conv_x': jax.random.normal(ks[0], (l, 3), dtype=jnp.float32) / np.sqrt(3.0 * l),
        'conv_t': jax.random.normal(ks[1], (l, 3), dtype=jnp.float32) / np.sqrt(3.0 * l),
        'conv_p': jax.random.normal(ks[2], (l, 3), dtype=jnp.float32) / np.sqrt(3.0 * l),
        'w1': jax.random.normal(ks[3], (16, 3 * c), dtype=jnp.float32) * 0.05,
        'b1': jnp.zeros((16,), dtype=jnp.float32),
        'w2': jax.random.normal(ks[4], (16, 16), dtype=jnp.float32) * 0.1,
        'b2': jnp.zeros((16,), dtype=jnp.float32),
        'w3': jax.random.normal(ks[5], (c, 16), dtype=jnp.float32) * 0.1,
    }

def setup_inputs(seed: int = 0):
    key = jax.random.key(seed)
    k1, k2, k3, k4, k5, k6 = jax.random.split(key, 6)
    x = jax.random.normal(k1, (B, L, C), dtype=jnp.float32)
    mask = jax.random.randint(k2, (B, L, C), 0, 2).astype(jnp.float32)
    x_interpolate = jax.random.normal(k3, (B, L, C), dtype=jnp.float32)
    params = {
        'trend_multi': make_multi_params(k4, C, L),
        'period_multi': make_multi_params(k5, C, L),
        'ratio': make_ratio_params(k6, C, L),
    }
    return {'x': x, 'mask': mask, 'x_interpolate': x_interpolate, 'params': params}

def reference(x, mask, x_interpolate, params):
    return forward_norm(x, mask, x_interpolate, params)

if __name__ == "__main__":
    import jax
    _d = setup_inputs()
    print(jax.jit(kernel)(*tuple(_d.values())))

</pallas_src>

<mosaic_0001>
#map = affine_map<(d0, d1) -> (0, 0)>
#map1 = affine_map<(d0, d1) -> (0, 0, 0)>
module attributes {stable_mosaic.version = 14 : i64} {
  func.func @_sc_weight_body(%arg0: i32, %arg1: i32, %arg2: memref<16x4097xf32, #tpu.memory_space<hbm>>, %arg3: memref<256x16x1024xf32, #tpu.memory_space<hbm>>, %arg4: memref<3x256x16xi32, #tpu.memory_space<hbm>>, %arg5: memref<3x256x16xf32, #tpu.memory_space<hbm>>, %arg6: memref<256x16xf32, #tpu.memory_space<hbm>>, %arg7: memref<256x1024x16xf32, #tpu.memory_space<hbm>>, %arg8: memref<16x4097xf32, #tpu.memory_space<vmem>>, %arg9: memref<1024x16xf32, #tpu.memory_space<vmem>>, %arg10: memref<3x16xi32, #tpu.memory_space<vmem>>, %arg11: memref<4x16xf32, #tpu.memory_space<vmem>>) attributes {dimension_semantics = [#tpu.dimension_semantics<core_parallel>, #tpu.dimension_semantics<subcore_parallel>], iteration_bounds = array<i64: 2, 16>, scalar_prefetch = 0 : i64, scratch_operands = 4 : i64, tpu.core_type = #tpu.core_type<sc_vector_subcore>, window_params = [{transform_indices = #map}, {transform_indices = #map1}, {transform_indices = #map1}, {transform_indices = #map1}, {transform_indices = #map}, {transform_indices = #map1}]} {
    %mul3A = arith.constant 2 : i32
    %mul3A_0 = arith.muli %arg1, %mul3A : i32
    %add3A = arith.addi %mul3A_0, %arg0 : i32
    %iota3A = tpu.iota {dimensions = array<i32: 0>} : vector<16xi32>
    "tpu.region"() ({
      %run_scoped3A = tpu.sem_alloc : memref<!tpu.dma_semaphore, #tpu.memory_space<semaphore_mem>>
      tpu.enqueue_dma source(%arg2 : memref<16x4097xf32, #tpu.memory_space<hbm>>) target(%arg8 : memref<16x4097xf32, #tpu.memory_space<vmem>>) target_semaphore(%run_scoped3A : memref<!tpu.dma_semaphore, #tpu.memory_space<semaphore_mem>>)
      tpu.wait_dma2 semaphore(%run_scoped3A : memref<!tpu.dma_semaphore, #tpu.memory_space<semaphore_mem>>) src(%arg2 : memref<16x4097xf32, #tpu.memory_space<hbm>>) dst(%arg8 : memref<16x4097xf32, #tpu.memory_space<vmem>>)
      tpu.yield
    }) : () -> ()
    %mul3A_1 = arith.constant 8 : i32
    %mul3A_2 = arith.muli %add3A, %mul3A_1 : i32
    %add3A_3 = arith.constant 1 : i32
    %add3A_4 = arith.addi %add3A, %add3A_3 : i32
    %mul3A_5 = arith.constant 8 : i32
    %mul3A_6 = arith.muli %add3A_4, %mul3A_5 : i32
    %while3A = arith.constant 0 : i32
    %while3A_7 = arith.subi %mul3A_6, %mul3A_2 : i32
    %while3A_8 = arith.addi %mul3A_2, %while3A_7 : i32
    %while3A_9 = arith.constant 1 : i32
    %while3A_10 = arith.divsi %while3A_7, %while3A_9 : i32
    %while3A_11 = arith.muli %while3A_10, %while3A_9 : i32
    %while3A_12 = arith.addi %mul3A_2, %while3A_11 : i32
    %while3A_13 = arith.constant 1 : i32
    scf.for %while3A_15 = %mul3A_2 to %while3A_12 step %while3A_13  : i32 {
      "tpu.region"() ({
        %run_scoped3A_84 = tpu.sem_alloc : memref<!tpu.dma_semaphore, #tpu.memory_space<semaphore_mem>>
        %dma_start3A = arith.constant 0 : i32
        %dma_start3A_85 = arith.constant 1536 : i32
        %dma_start3A_86 = tpu.memref_slice %arg8[%dma_start3A, %dma_start3A_85] : memref<16x4097xf32, #tpu.memory_space<vmem>> -> memref<16x1024xf32, #tpu.memory_space<vmem>>
        %dma_start3A_87 = arith.constant 0 : i32
        %dma_start3A_88 = arith.constant 0 : i32
        %dma_start3A_89 = tpu.memref_slice %arg3[%while3A_15, %dma_start3A_87, %dma_start3A_88] : memref<256x16x1024xf32, #tpu.memory_space<hbm>> -> memref<1x16x1024xf32, #tpu.memory_space<hbm>>
        %dma_start3A_90 = tpu.memref_squeeze %dma_start3A_89 : memref<1x16x1024xf32, #tpu.memory_space<hbm>> -> memref<16x1024xf32, #tpu.memory_space<hbm>>
        %dma_start3A_91 = arith.constant 0 : i32
        %dma_start3A_92 = arith.constant 1536 : i32
        %dma_start3A_93 = tpu.memref_slice %arg8[%dma_start3A_91, %dma_start3A_92] : memref<16x4097xf32, #tpu.memory_space<vmem>> -> memref<16x1024xf32, #tpu.memory_space<vmem>>
        %dma_start3A_94 = arith.constant 0 : i32
        %dma_start3A_95 = arith.constant 0 : i32
        %dma_start3A_96 = tpu.memref_slice %arg3[%while3A_15, %dma_start3A_94, %dma_start3A_95] : memref<256x16x1024xf32, #tpu.memory_space<hbm>> -> memref<1x16x1024xf32, #tpu.memory_space<hbm>>
        %dma_start3A_97 = tpu.memref_squeeze %dma_start3A_96 : memref<1x16x1024xf32, #tpu.memory_space<hbm>> -> memref<16x1024xf32, #tpu.memory_space<hbm>>
        tpu.enqueue_dma source(%dma_start3A_97 : memref<16x1024xf32, #tpu.memory_space<hbm>>) target(%dma_start3A_93 : memref<16x1024xf32, #tpu.memory_space<vmem>>) target_semaphore(%run_scoped3A_84 : memref<!tpu.dma_semaphore, #tpu.memory_space<semaphore_mem>>)
        %dma_wait3A = arith.constant 0 : i32
        %dma_wait3A_98 = arith.constant 1536 : i32
        %dma_wait3A_99 = tpu.memref_slice %arg8[%dma_wait3A, %dma_wait3A_98] : memref<16x4097xf32, #tpu.memory_space<vmem>> -> memref<16x1024xf32, #tpu.memory_space<vmem>>
        %dma_wait3A_100 = arith.constant 0 : i32
        %dma_wait3A_101 = arith.constant 0 : i32
        %dma_wait3A_102 = tpu.memref_slice %arg3[%while3A_15, %dma_wait3A_100, %dma_wait3A_101] : memref<256x16x1024xf32, #tpu.memory_space<hbm>> -> memref<1x16x1024xf32, #tpu.memory_space<hbm>>
        %dma_wait3A_103 = tpu.memref_squeeze %dma_wait3A_102 : memref<1x16x1024xf32, #tpu.memory_space<hbm>> -> memref<16x1024xf32, #tpu.memory_space<hbm>>
        %dma_wait3A_104 = arith.constant 0 : i32
        %dma_wait3A_105 = arith.constant 1536 : i32
        %dma_wait3A_106 = tpu.memref_slice %arg8[%dma_wait3A_104, %dma_wait3A_105] : memref<16x4097xf32, #tpu.memory_space<vmem>> -> memref<16x1024xf32, #tpu.memory_space<vmem>>
        %dma_wait3A_107 = arith.constant 0 : i32
        %dma_wait3A_108 = arith.constant 0 : i32
        %dma_wait3A_109 = tpu.memref_slice %arg3[%while3A_15, %dma_wait3A_107, %dma_wait3A_108] : memref<256x16x1024xf32, #tpu.memory_space<hbm>> -> memref<1x16x1024xf32, #tpu.memory_space<hbm>>
        %dma_wait3A_110 = tpu.memref_squeeze %dma_wait3A_109 : memref<1x16x1024xf32, #tpu.memory_space<hbm>> -> memref<16x1024xf32, #tpu.memory_space<hbm>>
        tpu.wait_dma2 semaphore(%run_scoped3A_84 : memref<!tpu.dma_semaphore, #tpu.memory_space<semaphore_mem>>) src(%dma_wait3A_110 : memref<16x1024xf32, #tpu.memory_space<hbm>>) dst(%dma_wait3A_106 : memref<16x1024xf32, #tpu.memory_space<vmem>>)
        tpu.yield
      }) : () -> ()
      %run_scoped3A = arith.constant 0 : i32
      %run_scoped3A_16 = arith.constant 0 : i32
      "tpu.region"() ({
        %run_scoped3A_84 = tpu.sem_alloc : memref<!tpu.dma_semaphore, #tpu.memory_space<semaphore_mem>>
        %dma_start3A = arith.constant 0 : i32
        %dma_start3A_85 = tpu.memref_slice %arg10[%run_scoped3A_16, %dma_start3A] : memref<3x16xi32, #tpu.memory_space<vmem>> -> memref<1x16xi32, #tpu.memory_space<vmem>>
        %dma_start3A_86 = tpu.memref_squeeze %dma_start3A_85 : memref<1x16xi32, #tpu.memory_space<vmem>> -> memref<16xi32, #tpu.memory_space<vmem>>
        %dma_start3A_87 = arith.constant 0 : i32
        %dma_start3A_88 = tpu.memref_slice %arg4[%run_scoped3A, %while3A_15, %dma_start3A_87] : memref<3x256x16xi32, #tpu.memory_space<hbm>> -> memref<1x1x16xi32, #tpu.memory_space<hbm>>
        %dma_start3A_89 = tpu.memref_squeeze %dma_start3A_88 : memref<1x1x16xi32, #tpu.memory_space<hbm>> -> memref<16xi32, #tpu.memory_space<hbm>>
        %dma_start3A_90 = arith.constant 0 : i32
        %dma_start3A_91 = tpu.memref_slice %arg10[%run_scoped3A_16, %dma_start3A_90] : memref<3x16xi32, #tpu.memory_space<vmem>> -> memref<1x16xi32, #tpu.memory_space<vmem>>
        %dma_start3A_92 = tpu.memref_squeeze %dma_start3A_91 : memref<1x16xi32, #tpu.memory_space<vmem>> -> memref<16xi32, #tpu.memory_space<vmem>>
        %dma_start3A_93 = arith.constant 0 : i32
        %dma_start3A_94 = tpu.memref_slice %arg4[%run_scoped3A, %while3A_15, %dma_start3A_93] : memref<3x256x16xi32, #tpu.memory_space<hbm>> -> memref<1x1x16xi32, #tpu.memory_space<hbm>>
        %dma_start3A_95 = tpu.memref_squeeze %dma_start3A_94 : memref<1x1x16xi32, #tpu.memory_space<hbm>> -> memref<16xi32, #tpu.memory_space<hbm>>
        tpu.enqueue_dma source(%dma_start3A_95 : memref<16xi32, #tpu.memory_space<hbm>>) target(%dma_start3A_92 : memref<16xi32, #tpu.memory_space<vmem>>) target_semaphore(%run_scoped3A_84 : memref<!tpu.dma_semaphore, #tpu.memory_space<semaphore_mem>>)
        %dma_wait3A = arith.constant 0 : i32
        %dma_wait3A_96 = tpu.memref_slice %arg10[%run_scoped3A_16, %dma_wait3A] : memref<3x16xi32, #tpu.memory_space<vmem>> -> memref<1x16xi32, #tpu.memory_space<vmem>>
        %dma_wait3A_97 = tpu.memref_squeeze %dma_wait3A_96 : memref<1x16xi32, #tpu.memory_space<vmem>> -> memref<16xi32, #tpu.memory_space<vmem>>
        %dma_wait3A_98 = arith.constant 0 : i32
        %dma_wait3A_99 = tpu.memref_slice %arg4[%run_scoped3A, %while3A_15, %dma_wait3A_98] : memref<3x256x16xi32, #tpu.memory_space<hbm>> -> memref<1x1x16xi32, #tpu.memory_space<hbm>>
        %dma_wait3A_100 = tpu.memref_squeeze %dma_wait3A_99 : memref<1x1x16xi32, #tpu.memory_space<hbm>> -> memref<16xi32, #tpu.memory_space<hbm>>
        %dma_wait3A_101 = arith.constant 0 : i32
        %dma_wait3A_102 = tpu.memref_slice %arg10[%run_scoped3A_16, %dma_wait3A_101] : memref<3x16xi32, #tpu.memory_space<vmem>> -> memref<1x16xi32, #tpu.memory_space<vmem>>
        %dma_wait3A_103 = tpu.memref_squeeze %dma_wait3A_102 : memref<1x16xi32, #tpu.memory_space<vmem>> -> memref<16xi32, #tpu.memory_space<vmem>>
        %dma_wait3A_104 = arith.constant 0 : i32
        %dma_wait3A_105 = tpu.memref_slice %arg4[%run_scoped3A, %while3A_15, %dma_wait3A_104] : memref<3x256x16xi32, #tpu.memory_space<hbm>> -> memref<1x1x16xi32, #tpu.memory_space<hbm>>
        %dma_wait3A_106 = tpu.memref_squeeze %dma_wait3A_105 : memref<1x1x16xi32, #tpu.memory_space<hbm>> -> memref<16xi32, #tpu.memory_space<hbm>>
        tpu.wait_dma2 semaphore(%run_scoped3A_84 : memref<!tpu.dma_semaphore, #tpu.memory_space<semaphore_mem>>) src(%dma_wait3A_106 : memref<16xi32, #tpu.memory_space<hbm>>) dst(%dma_wait3A_103 : memref<16xi32, #tpu.memory_space<vmem>>)
        tpu.yield
      }) : () -> ()
      %run_scoped3A_17 = arith.constant 0 : i32
      %run_scoped3A_18 = arith.constant 0 : i32
      "tpu.region"() ({
        %run_scoped3A_84 = tpu.sem_alloc : memref<!tpu.dma_semaphore, #tpu.memory_space<semaphore_mem>>
        %dma_start3A = arith.constant 0 : i32
        %dma_start3A_85 = tpu.memref_slice %arg11[%run_scoped3A_18, %dma_start3A] : memref<4x16xf32, #tpu.memory_space<vmem>> -> memref<1x16xf32, #tpu.memory_space<vmem>>
        %dma_start3A_86 = tpu.memref_squeeze %dma_start3A_85 : memref<1x16xf32, #tpu.memory_space<vmem>> -> memref<16xf32, #tpu.memory_space<vmem>>
        %dma_start3A_87 = arith.constant 0 : i32
        %dma_start3A_88 = tpu.memref_slice %arg5[%run_scoped3A_17, %while3A_15, %dma_start3A_87] : memref<3x256x16xf32, #tpu.memory_space<hbm>> -> memref<1x1x16xf32, #tpu.memory_space<hbm>>
        %dma_start3A_89 = tpu.memref_squeeze %dma_start3A_88 : memref<1x1x16xf32, #tpu.memory_space<hbm>> -> memref<16xf32, #tpu.memory_space<hbm>>
        %dma_start3A_90 = arith.constant 0 : i32
        %dma_start3A_91 = tpu.memref_slice %arg11[%run_scoped3A_18, %dma_start3A_90] : memref<4x16xf32, #tpu.memory_space<vmem>> -> memref<1x16xf32, #tpu.memory_space<vmem>>
        %dma_start3A_92 = tpu.memref_squeeze %dma_start3A_91 : memref<1x16xf32, #tpu.memory_space<vmem>> -> memref<16xf32, #tpu.memory_space<vmem>>
        %dma_start3A_93 = arith.constant 0 : i32
        %dma_start3A_94 = tpu.memref_slice %arg5[%run_scoped3A_17, %while3A_15, %dma_start3A_93] : memref<3x256x16xf32, #tpu.memory_space<hbm>> -> memref<1x1x16xf32, #tpu.memory_space<hbm>>
        %dma_start3A_95 = tpu.memref_squeeze %dma_start3A_94 : memref<1x1x16xf32, #tpu.memory_space<hbm>> -> memref<16xf32, #tpu.memory_space<hbm>>
        tpu.enqueue_dma source(%dma_start3A_95 : memref<16xf32, #tpu.memory_space<hbm>>) target(%dma_start3A_92 : memref<16xf32, #tpu.memory_space<vmem>>) target_semaphore(%run_scoped3A_84 : memref<!tpu.dma_semaphore, #tpu.memory_space<semaphore_mem>>)
        %dma_wait3A = arith.constant 0 : i32
        %dma_wait3A_96 = tpu.memref_slice %arg11[%run_scoped3A_18, %dma_wait3A] : memref<4x16xf32, #tpu.memory_space<vmem>> -> memref<1x16xf32, #tpu.memory_space<vmem>>
        %dma_wait3A_97 = tpu.memref_squeeze %dma_wait3A_96 : memref<1x16xf32, #tpu.memory_space<vmem>> -> memref<16xf32, #tpu.memory_space<vmem>>
        %dma_wait3A_98 = arith.constant 0 : i32
        %dma_wait3A_99 = tpu.memref_slice %arg5[%run_scoped3A_17, %while3A_15, %dma_wait3A_98] : memref<3x256x16xf32, #tpu.memory_space<hbm>> -> memref<1x1x16xf32, #tpu.memory_space<hbm>>
        %dma_wait3A_100 = tpu.memref_squeeze %dma_wait3A_99 : memref<1x1x16xf32, #tpu.memory_space<hbm>> -> memref<16xf32, #tpu.memory_space<hbm>>
        %dma_wait3A_101 = arith.constant 0 : i32
        %dma_wait3A_102 = tpu.memref_slice %arg11[%run_scoped3A_18, %dma_wait3A_101] : memref<4x16xf32, #tpu.memory_space<vmem>> -> memref<1x16xf32, #tpu.memory_space<vmem>>
        %dma_wait3A_103 = tpu.memref_squeeze %dma_wait3A_102 : memref<1x16xf32, #tpu.memory_space<vmem>> -> memref<16xf32, #tpu.memory_space<vmem>>
        %dma_wait3A_104 = arith.constant 0 : i32
        %dma_wait3A_105 = tpu.memref_slice %arg5[%run_scoped3A_17, %while3A_15, %dma_wait3A_104] : memref<3x256x16xf32, #tpu.memory_space<hbm>> -> memref<1x1x16xf32, #tpu.memory_space<hbm>>
        %dma_wait3A_106 = tpu.memref_squeeze %dma_wait3A_105 : memref<1x1x16xf32, #tpu.memory_space<hbm>> -> memref<16xf32, #tpu.memory_space<hbm>>
        tpu.wait_dma2 semaphore(%run_scoped3A_84 : memref<!tpu.dma_semaphore, #tpu.memory_space<semaphore_mem>>) src(%dma_wait3A_106 : memref<16xf32, #tpu.memory_space<hbm>>) dst(%dma_wait3A_103 : memref<16xf32, #tpu.memory_space<vmem>>)
        tpu.yield
      }) : () -> ()
      %run_scoped3A_19 = arith.constant 1 : i32
      %run_scoped3A_20 = arith.constant 1 : i32
      "tpu.region"() ({
        %run_scoped3A_84 = tpu.sem_alloc : memref<!tpu.dma_semaphore, #tpu.memory_space<semaphore_mem>>
        %dma_start3A = arith.constant 0 : i32
        %dma_start3A_85 = tpu.memref_slice %arg10[%run_scoped3A_20, %dma_start3A] : memref<3x16xi32, #tpu.memory_space<vmem>> -> memref<1x16xi32, #tpu.memory_space<vmem>>
        %dma_start3A_86 = tpu.memref_squeeze %dma_start3A_85 : memref<1x16xi32, #tpu.memory_space<vmem>> -> memref<16xi32, #tpu.memory_space<vmem>>
        %dma_start3A_87 = arith.constant 0 : i32
        %dma_start3A_88 = tpu.memref_slice %arg4[%run_scoped3A_19, %while3A_15, %dma_start3A_87] : memref<3x256x16xi32, #tpu.memory_space<hbm>> -> memref<1x1x16xi32, #tpu.memory_space<hbm>>
        %dma_start3A_89 = tpu.memref_squeeze %dma_start3A_88 : memref<1x1x16xi32, #tpu.memory_space<hbm>> -> memref<16xi32, #tpu.memory_space<hbm>>
        %dma_start3A_90 = arith.constant 0 : i32
        %dma_start3A_91 = tpu.memref_slice %arg10[%run_scoped3A_20, %dma_start3A_90] : memref<3x16xi32, #tpu.memory_space<vmem>> -> memref<1x16xi32, #tpu.memory_space<vmem>>
        %dma_start3A_92 = tpu.memref_squeeze %dma_start3A_91 : memref<1x16xi32, #tpu.memory_space<vmem>> -> memref<16xi32, #tpu.memory_space<vmem>>
        %dma_start3A_93 = arith.constant 0 : i32
        %dma_start3A_94 = tpu.memref_slice %arg4[%run_scoped3A_19, %while3A_15, %dma_start3A_93] : memref<3x256x16xi32, #tpu.memory_space<hbm>> -> memref<1x1x16xi32, #tpu.memory_space<hbm>>
        %dma_start3A_95 = tpu.memref_squeeze %dma_start3A_94 : memref<1x1x16xi32, #tpu.memory_space<hbm>> -> memref<16xi32, #tpu.memory_space<hbm>>
        tpu.enqueue_dma source(%dma_start3A_95 : memref<16xi32, #tpu.memory_space<hbm>>) target(%dma_start3A_92 : memref<16xi32, #tpu.memory_space<vmem>>) target_semaphore(%run_scoped3A_84 : memref<!tpu.dma_semaphore, #tpu.memory_space<semaphore_mem>>)
        %dma_wait3A = arith.constant 0 : i32
        %dma_wait3A_96 = tpu.memref_slice %arg10[%run_scoped3A_20, %dma_wait3A] : memref<3x16xi32, #tpu.memory_space<vmem>> -> memref<1x16xi32, #tpu.memory_space<vmem>>
        %dma_wait3A_97 = tpu.memref_squeeze %dma_wait3A_96 : memref<1x16xi32, #tpu.memory_space<vmem>> -> memref<16xi32, #tpu.memory_space<vmem>>
        %dma_wait3A_98 = arith.constant 0 : i32
        %dma_wait3A_99 = tpu.memref_slice %arg4[%run_scoped3A_19, %while3A_15, %dma_wait3A_98] : memref<3x256x16xi32, #tpu.memory_space<hbm>> -> memref<1x1x16xi32, #tpu.memory_space<hbm>>
        %dma_wait3A_100 = tpu.memref_squeeze %dma_wait3A_99 : memref<1x1x16xi32, #tpu.memory_space<hbm>> -> memref<16xi32, #tpu.memory_space<hbm>>
        %dma_wait3A_101 = arith.constant 0 : i32
        %dma_wait3A_102 = tpu.memref_slice %arg10[%run_scoped3A_20, %dma_wait3A_101] : memref<3x16xi32, #tpu.memory_space<vmem>> -> memref<1x16xi32, #tpu.memory_space<vmem>>
        %dma_wait3A_103 = tpu.memref_squeeze %dma_wait3A_102 : memref<1x16xi32, #tpu.memory_space<vmem>> -> memref<16xi32, #tpu.memory_space<vmem>>
        %dma_wait3A_104 = arith.constant 0 : i32
        %dma_wait3A_105 = tpu.memref_slice %arg4[%run_scoped3A_19, %while3A_15, %dma_wait3A_104] : memref<3x256x16xi32, #tpu.memory_space<hbm>> -> memref<1x1x16xi32, #tpu.memory_space<hbm>>
        %dma_wait3A_106 = tpu.memref_squeeze %dma_wait3A_105 : memref<1x1x16xi32, #tpu.memory_space<hbm>> -> memref<16xi32, #tpu.memory_space<hbm>>
        tpu.wait_dma2 semaphore(%run_scoped3A_84 : memref<!tpu.dma_semaphore, #tpu.memory_space<semaphore_mem>>) src(%dma_wait3A_106 : memref<16xi32, #tpu.memory_space<hbm>>) dst(%dma_wait3A_103 : memref<16xi32, #tpu.memory_space<vmem>>)
        tpu.yield
      }) : () -> ()
      %run_scoped3A_21 = arith.constant 1 : i32
      %run_scoped3A_22 = arith.constant 1 : i32
      "tpu.region"() ({
        %run_scoped3A_84 = tpu.sem_alloc : memref<!tpu.dma_semaphore, #tpu.memory_space<semaphore_mem>>
        %dma_start3A = arith.constant 0 : i32
        %dma_start3A_85 = tpu.memref_slice %arg11[%run_scoped3A_22, %dma_start3A] : memref<4x16xf32, #tpu.memory_space<vmem>> -> memref<1x16xf32, #tpu.memory_space<vmem>>
        %dma_start3A_86 = tpu.memref_squeeze %dma_start3A_85 : memref<1x16xf32, #tpu.memory_space<vmem>> -> memref<16xf32, #tpu.memory_space<vmem>>
        %dma_start3A_87 = arith.constant 0 : i32
        %dma_start3A_88 = tpu.memref_slice %arg5[%run_scoped3A_21, %while3A_15, %dma_start3A_87] : memref<3x256x16xf32, #tpu.memory_space<hbm>> -> memref<1x1x16xf32, #tpu.memory_space<hbm>>
        %dma_start3A_89 = tpu.memref_squeeze %dma_start3A_88 : memref<1x1x16xf32, #tpu.memory_space<hbm>> -> memref<16xf32, #tpu.memory_space<hbm>>
        %dma_start3A_90 = arith.constant 0 : i32
        %dma_start3A_91 = tpu.memref_slice %arg11[%run_scoped3A_22, %dma_start3A_90] : memref<4x16xf32, #tpu.memory_space<vmem>> -> memref<1x16xf32, #tpu.memory_space<vmem>>
        %dma_start3A_92 = tpu.memref_squeeze %dma_start3A_91 : memref<1x16xf32, #tpu.memory_space<vmem>> -> memref<16xf32, #tpu.memory_space<vmem>>
        %dma_start3A_93 = arith.constant 0 : i32
        %dma_start3A_94 = tpu.memref_slice %arg5[%run_scoped3A_21, %while3A_15, %dma_start3A_93] : memref<3x256x16xf32, #tpu.memory_space<hbm>> -> memref<1x1x16xf32, #tpu.memory_space<hbm>>
        %dma_start3A_95 = tpu.memref_squeeze %dma_start3A_94 : memref<1x1x16xf32, #tpu.memory_space<hbm>> -> memref<16xf32, #tpu.memory_space<hbm>>
        tpu.enqueue_dma source(%dma_start3A_95 : memref<16xf32, #tpu.memory_space<hbm>>) target(%dma_start3A_92 : memref<16xf32, #tpu.memory_space<vmem>>) target_semaphore(%run_scoped3A_84 : memref<!tpu.dma_semaphore, #tpu.memory_space<semaphore_mem>>)
        %dma_wait3A = arith.constant 0 : i32
        %dma_wait3A_96 = tpu.memref_slice %arg11[%run_scoped3A_22, %dma_wait3A] : memref<4x16xf32, #tpu.memory_space<vmem>> -> memref<1x16xf32, #tpu.memory_space<vmem>>
        %dma_wait3A_97 = tpu.memref_squeeze %dma_wait3A_96 : memref<1x16xf32, #tpu.memory_space<vmem>> -> memref<16xf32, #tpu.memory_space<vmem>>
        %dma_wait3A_98 = arith.constant 0 : i32
        %dma_wait3A_99 = tpu.memref_slice %arg5[%run_scoped3A_21, %while3A_15, %dma_wait3A_98] : memref<3x256x16xf32, #tpu.memory_space<hbm>> -> memref<1x1x16xf32, #tpu.memory_space<hbm>>
        %dma_wait3A_100 = tpu.memref_squeeze %dma_wait3A_99 : memref<1x1x16xf32, #tpu.memory_space<hbm>> -> memref<16xf32, #tpu.memory_space<hbm>>
        %dma_wait3A_101 = arith.constant 0 : i32
        %dma_wait3A_102 = tpu.memref_slice %arg11[%run_scoped3A_22, %dma_wait3A_101] : memref<4x16xf32, #tpu.memory_space<vmem>> -> memref<1x16xf32, #tpu.memory_space<vmem>>
        %dma_wait3A_103 = tpu.memref_squeeze %dma_wait3A_102 : memref<1x16xf32, #tpu.memory_space<vmem>> -> memref<16xf32, #tpu.memory_space<vmem>>
        %dma_wait3A_104 = arith.constant 0 : i32
        %dma_wait3A_105 = tpu.memref_slice %arg5[%run_scoped3A_21, %while3A_15, %dma_wait3A_104] : memref<3x256x16xf32, #tpu.memory_space<hbm>> -> memref<1x1x16xf32, #tpu.memory_space<hbm>>
        %dma_wait3A_106 = tpu.memref_squeeze %dma_wait3A_105 : memref<1x1x16xf32, #tpu.memory_space<hbm>> -> memref<16xf32, #tpu.memory_space<hbm>>
        tpu.wait_dma2 semaphore(%run_scoped3A_84 : memref<!tpu.dma_semaphore, #tpu.memory_space<semaphore_mem>>) src(%dma_wait3A_106 : memref<16xf32, #tpu.memory_space<hbm>>) dst(%dma_wait3A_103 : memref<16xf32, #tpu.memory_space<vmem>>)
        tpu.yield
      }) : () -> ()
      %run_scoped3A_23 = arith.constant 2 : i32
      %run_scoped3A_24 = arith.constant 2 : i32
      "tpu.region"() ({
        %run_scoped3A_84 = tpu.sem_alloc : memref<!tpu.dma_semaphore, #tpu.memory_space<semaphore_mem>>
        %dma_start3A = arith.constant 0 : i32
        %dma_start3A_85 = tpu.memref_slice %arg10[%run_scoped3A_24, %dma_start3A] : memref<3x16xi32, #tpu.memory_space<vmem>> -> memref<1x16xi32, #tpu.memory_space<vmem>>
        %dma_start3A_86 = tpu.memref_squeeze %dma_start3A_85 : memref<1x16xi32, #tpu.memory_space<vmem>> -> memref<16xi32, #tpu.memory_space<vmem>>
        %dma_start3A_87 = arith.constant 0 : i32
        %dma_start3A_88 = tpu.memref_slice %arg4[%run_scoped3A_23, %while3A_15, %dma_start3A_87] : memref<3x256x16xi32, #tpu.memory_space<hbm>> -> memref<1x1x16xi32, #tpu.memory_space<hbm>>
        %dma_start3A_89 = tpu.memref_squeeze %dma_start3A_88 : memref<1x1x16xi32, #tpu.memory_space<hbm>> -> memref<16xi32, #tpu.memory_space<hbm>>
        %dma_start3A_90 = arith.constant 0 : i32
        %dma_start3A_91 = tpu.memref_slice %arg10[%run_scoped3A_24, %dma_start3A_90] : memref<3x16xi32, #tpu.memory_space<vmem>> -> memref<1x16xi32, #tpu.memory_space<vmem>>
        %dma_start3A_92 = tpu.memref_squeeze %dma_start3A_91 : memref<1x16xi32, #tpu.memory_space<vmem>> -> memref<16xi32, #tpu.memory_space<vmem>>
        %dma_start3A_93 = arith.constant 0 : i32
        %dma_start3A_94 = tpu.memref_slice %arg4[%run_scoped3A_23, %while3A_15, %dma_start3A_93] : memref<3x256x16xi32, #tpu.memory_space<hbm>> -> memref<1x1x16xi32, #tpu.memory_space<hbm>>
        %dma_start3A_95 = tpu.memref_squeeze %dma_start3A_94 : memref<1x1x16xi32, #tpu.memory_space<hbm>> -> memref<16xi32, #tpu.memory_space<hbm>>
        tpu.enqueue_dma source(%dma_start3A_95 : memref<16xi32, #tpu.memory_space<hbm>>) target(%dma_start3A_92 : memref<16xi32, #tpu.memory_space<vmem>>) target_semaphore(%run_scoped3A_84 : memref<!tpu.dma_semaphore, #tpu.memory_space<semaphore_mem>>)
        %dma_wait3A = arith.constant 0 : i32
        %dma_wait3A_96 = tpu.memref_slice %arg10[%run_scoped3A_24, %dma_wait3A] : memref<3x16xi32, #tpu.memory_space<vmem>> -> memref<1x16xi32, #tpu.memory_space<vmem>>
        %dma_wait3A_97 = tpu.memref_squeeze %dma_wait3A_96 : memref<1x16xi32, #tpu.memory_space<vmem>> -> memref<16xi32, #tpu.memory_space<vmem>>
        %dma_wait3A_98 = arith.constant 0 : i32
        %dma_wait3A_99 = tpu.memref_slice %arg4[%run_scoped3A_23, %while3A_15, %dma_wait3A_98] : memref<3x256x16xi32, #tpu.memory_space<hbm>> -> memref<1x1x16xi32, #tpu.memory_space<hbm>>
        %dma_wait3A_100 = tpu.memref_squeeze %dma_wait3A_99 : memref<1x1x16xi32, #tpu.memory_space<hbm>> -> memref<16xi32, #tpu.memory_space<hbm>>
        %dma_wait3A_101 = arith.constant 0 : i32
        %dma_wait3A_102 = tpu.memref_slice %arg10[%run_scoped3A_24, %dma_wait3A_101] : memref<3x16xi32, #tpu.memory_space<vmem>> -> memref<1x16xi32, #tpu.memory_space<vmem>>
        %dma_wait3A_103 = tpu.memref_squeeze %dma_wait3A_102 : memref<1x16xi32, #tpu.memory_space<vmem>> -> memref<16xi32, #tpu.memory_space<vmem>>
        %dma_wait3A_104 = arith.constant 0 : i32
        %dma_wait3A_105 = tpu.memref_slice %arg4[%run_scoped3A_23, %while3A_15, %dma_wait3A_104] : memref<3x256x16xi32, #tpu.memory_space<hbm>> -> memref<1x1x16xi32, #tpu.memory_space<hbm>>
        %dma_wait3A_106 = tpu.memref_squeeze %dma_wait3A_105 : memref<1x1x16xi32, #tpu.memory_space<hbm>> -> memref<16xi32, #tpu.memory_space<hbm>>
        tpu.wait_dma2 semaphore(%run_scoped3A_84 : memref<!tpu.dma_semaphore, #tpu.memory_space<semaphore_mem>>) src(%dma_wait3A_106 : memref<16xi32, #tpu.memory_space<hbm>>) dst(%dma_wait3A_103 : memref<16xi32, #tpu.memory_space<vmem>>)
        tpu.yield
      }) : () -> ()
      %run_scoped3A_25 = arith.constant 2 : i32
      %run_scoped3A_26 = arith.constant 2 : i32
      "tpu.region"() ({
        %run_scoped3A_84 = tpu.sem_alloc : memref<!tpu.dma_semaphore, #tpu.memory_space<semaphore_mem>>
        %dma_start3A = arith.constant 0 : i32
        %dma_start3A_85 = tpu.memref_slice %arg11[%run_scoped3A_26, %dma_start3A] : memref<4x16xf32, #tpu.memory_space<vmem>> -> memref<1x16xf32, #tpu.memory_space<vmem>>
        %dma_start3A_86 = tpu.memref_squeeze %dma_start3A_85 : memref<1x16xf32, #tpu.memory_space<vmem>> -> memref<16xf32, #tpu.memory_space<vmem>>
        %dma_start3A_87 = arith.constant 0 : i32
        %dma_start3A_88 = tpu.memref_slice %arg5[%run_scoped3A_25, %while3A_15, %dma_start3A_87] : memref<3x256x16xf32, #tpu.memory_space<hbm>> -> memref<1x1x16xf32, #tpu.memory_space<hbm>>
        %dma_start3A_89 = tpu.memref_squeeze %dma_start3A_88 : memref<1x1x16xf32, #tpu.memory_space<hbm>> -> memref<16xf32, #tpu.memory_space<hbm>>
        %dma_start3A_90 = arith.constant 0 : i32
        %dma_start3A_91 = tpu.memref_slice %arg11[%run_scoped3A_26, %dma_start3A_90] : memref<4x16xf32, #tpu.memory_space<vmem>> -> memref<1x16xf32, #tpu.memory_space<vmem>>
        %dma_start3A_92 = tpu.memref_squeeze %dma_start3A_91 : memref<1x16xf32, #tpu.memory_space<vmem>> -> memref<16xf32, #tpu.memory_space<vmem>>
        %dma_start3A_93 = arith.constant 0 : i32
        %dma_start3A_94 = tpu.memref_slice %arg5[%run_scoped3A_25, %while3A_15, %dma_start3A_93] : memref<3x256x16xf32, #tpu.memory_space<hbm>> -> memref<1x1x16xf32, #tpu.memory_space<hbm>>
        %dma_start3A_95 = tpu.memref_squeeze %dma_start3A_94 : memref<1x1x16xf32, #tpu.memory_space<hbm>> -> memref<16xf32, #tpu.memory_space<hbm>>
        tpu.enqueue_dma source(%dma_start3A_95 : memref<16xf32, #tpu.memory_space<hbm>>) target(%dma_start3A_92 : memref<16xf32, #tpu.memory_space<vmem>>) target_semaphore(%run_scoped3A_84 : memref<!tpu.dma_semaphore, #tpu.memory_space<semaphore_mem>>)
        %dma_wait3A = arith.constant 0 : i32
        %dma_wait3A_96 = tpu.memref_slice %arg11[%run_scoped3A_26, %dma_wait3A] : memref<4x16xf32, #tpu.memory_space<vmem>> -> memref<1x16xf32, #tpu.memory_space<vmem>>
        %dma_wait3A_97 = tpu.memref_squeeze %dma_wait3A_96 : memref<1x16xf32, #tpu.memory_space<vmem>> -> memref<16xf32, #tpu.memory_space<vmem>>
        %dma_wait3A_98 = arith.constant 0 : i32
        %dma_wait3A_99 = tpu.memref_slice %arg5[%run_scoped3A_25, %while3A_15, %dma_wait3A_98] : memref<3x256x16xf32, #tpu.memory_space<hbm>> -> memref<1x1x16xf32, #tpu.memory_space<hbm>>
        %dma_wait3A_100 = tpu.memref_squeeze %dma_wait3A_99 : memref<1x1x16xf32, #tpu.memory_space<hbm>> -> memref<16xf32, #tpu.memory_space<hbm>>
        %dma_wait3A_101 = arith.constant 0 : i32
        %dma_wait3A_102 = tpu.memref_slice %arg11[%run_scoped3A_26, %dma_wait3A_101] : memref<4x16xf32, #tpu.memory_space<vmem>> -> memref<1x16xf32, #tpu.memory_space<vmem>>
        %dma_wait3A_103 = tpu.memref_squeeze %dma_wait3A_102 : memref<1x16xf32, #tpu.memory_space<vmem>> -> memref<16xf32, #tpu.memory_space<vmem>>
        %dma_wait3A_104 = arith.constant 0 : i32
        %dma_wait3A_105 = tpu.memref_slice %arg5[%run_scoped3A_25, %while3A_15, %dma_wait3A_104] : memref<3x256x16xf32, #tpu.memory_space<hbm>> -> memref<1x1x16xf32, #tpu.memory_space<hbm>>
        %dma_wait3A_106 = tpu.memref_squeeze %dma_wait3A_105 : memref<1x1x16xf32, #tpu.memory_space<hbm>> -> memref<16xf32, #tpu.memory_space<hbm>>
        tpu.wait_dma2 semaphore(%run_scoped3A_84 : memref<!tpu.dma_semaphore, #tpu.memory_space<semaphore_mem>>) src(%dma_wait3A_106 : memref<16xf32, #tpu.memory_space<hbm>>) dst(%dma_wait3A_103 : memref<16xf32, #tpu.memory_space<vmem>>)
        tpu.yield
      }) : () -> ()
      %run_scoped3A_27 = arith.constant 3 : i32
      "tpu.region"() ({
        %run_scoped3A_84 = tpu.sem_alloc : memref<!tpu.dma_semaphore, #tpu.memory_space<semaphore_mem>>
        %dma_start3A = arith.constant 0 : i32
        %dma_start3A_85 = tpu.memref_slice %arg11[%run_scoped3A_27, %dma_start3A] : memref<4x16xf32, #tpu.memory_space<vmem>> -> memref<1x16xf32, #tpu.memory_space<vmem>>
        %dma_start3A_86 = tpu.memref_squeeze %dma_start3A_85 : memref<1x16xf32, #tpu.memory_space<vmem>> -> memref<16xf32, #tpu.memory_space<vmem>>
        %dma_start3A_87 = arith.constant 0 : i32
        %dma_start3A_88 = tpu.memref_slice %arg6[%while3A_15, %dma_start3A_87] : memref<256x16xf32, #tpu.memory_space<hbm>> -> memref<1x16xf32, #tpu.memory_space<hbm>>
        %dma_start3A_89 = tpu.memref_squeeze %dma_start3A_88 : memref<1x16xf32, #tpu.memory_space<hbm>> -> memref<16xf32, #tpu.memory_space<hbm>>
        %dma_start3A_90 = arith.constant 0 : i32
        %dma_start3A_91 = tpu.memref_slice %arg11[%run_scoped3A_27, %dma_start3A_90] : memref<4x16xf32, #tpu.memory_space<vmem>> -> memref<1x16xf32, #tpu.memory_space<vmem>>
        %dma_start3A_92 = tpu.memref_squeeze %dma_start3A_91 : memref<1x16xf32, #tpu.memory_space<vmem>> -> memref<16xf32, #tpu.memory_space<vmem>>
        %dma_start3A_93 = arith.constant 0 : i32
        %dma_start3A_94 = tpu.memref_slice %arg6[%while3A_15, %dma_start3A_93] : memref<256x16xf32, #tpu.memory_space<hbm>> -> memref<1x16xf32, #tpu.memory_space<hbm>>
        %dma_start3A_95 = tpu.memref_squeeze %dma_start3A_94 : memref<1x16xf32, #tpu.memory_space<hbm>> -> memref<16xf32, #tpu.memory_space<hbm>>
        tpu.enqueue_dma source(%dma_start3A_95 : memref<16xf32, #tpu.memory_space<hbm>>) target(%dma_start3A_92 : memref<16xf32, #tpu.memory_space<vmem>>) target_semaphore(%run_scoped3A_84 : memref<!tpu.dma_semaphore, #tpu.memory_space<semaphore_mem>>)
        %dma_wait3A = arith.constant 0 : i32
        %dma_wait3A_96 = tpu.memref_slice %arg11[%run_scoped3A_27, %dma_wait3A] : memref<4x16xf32, #tpu.memory_space<vmem>> -> memref<1x16xf32, #tpu.memory_space<vmem>>
        %dma_wait3A_97 = tpu.memref_squeeze %dma_wait3A_96 : memref<1x16xf32, #tpu.memory_space<vmem>> -> memref<16xf32, #tpu.memory_space<vmem>>
        %dma_wait3A_98 = arith.constant 0 : i32
        %dma_wait3A_99 = tpu.memref_slice %arg6[%while3A_15, %dma_wait3A_98] : memref<256x16xf32, #tpu.memory_space<hbm>> -> memref<1x16xf32, #tpu.memory_space<hbm>>
        %dma_wait3A_100 = tpu.memref_squeeze %dma_wait3A_99 : memref<1x16xf32, #tpu.memory_space<hbm>> -> memref<16xf32, #tpu.memory_space<hbm>>
        %dma_wait3A_101 = arith.constant 0 : i32
        %dma_wait3A_102 = tpu.memref_slice %arg11[%run_scoped3A_27, %dma_wait3A_101] : memref<4x16xf32, #tpu.memory_space<vmem>> -> memref<1x16xf32, #tpu.memory_space<vmem>>
        %dma_wait3A_103 = tpu.memref_squeeze %dma_wait3A_102 : memref<1x16xf32, #tpu.memory_space<vmem>> -> memref<16xf32, #tpu.memory_space<vmem>>
        %dma_wait3A_104 = arith.constant 0 : i32
        %dma_wait3A_105 = tpu.memref_slice %arg6[%while3A_15, %dma_wait3A_104] : memref<256x16xf32, #tpu.memory_space<hbm>> -> memref<1x16xf32, #tpu.memory_space<hbm>>
        %dma_wait3A_106 = tpu.memref_squeeze %dma_wait3A_105 : memref<1x16xf32, #tpu.memory_space<hbm>> -> memref<16xf32, #tpu.memory_space<hbm>>
        tpu.wait_dma2 semaphore(%run_scoped3A_84 : memref<!tpu.dma_semaphore, #tpu.memory_space<semaphore_mem>>) src(%dma_wait3A_106 : memref<16xf32, #tpu.memory_space<hbm>>) dst(%dma_wait3A_103 : memref<16xf32, #tpu.memory_space<vmem>>)
        tpu.yield
      }) : () -> ()
      %get3A = arith.constant 0 : i32
      %get3A_28 = arith.index_cast %get3A : i32 to index
      %get3A_29 = arith.constant 0 : index
      %get3A_30 = tpu.vector_load %arg10[%get3A_28, %get3A_29] {strides = array<i32>} : memref<3x16xi32, #tpu.memory_space<vmem>>, vector<16xi32>,
      %get3A_31 = arith.constant 1 : i32
      %get3A_32 = arith.index_cast %get3A_31 : i32 to index
      %get3A_33 = arith.constant 0 : index
      %get3A_34 = tpu.vector_load %arg10[%get3A_32, %get3A_33] {strides = array<i32>} : memref<3x16xi32, #tpu.memory_space<vmem>>, vector<16xi32>,
      %get3A_35 = arith.constant 2 : i32
      %get3A_36 = arith.index_cast %get3A_35 : i32 to index
      %get3A_37 = arith.constant 0 : index
      %get3A_38 = tpu.vector_load %arg10[%get3A_36, %get3A_37] {strides = array<i32>} : memref<3x16xi32, #tpu.memory_space<vmem>>, vector<16xi32>,
      %get3A_39 = arith.constant 0 : i32
      %get3A_40 = arith.index_cast %get3A_39 : i32 to index
      %get3A_41 = arith.constant 0 : index
      %get3A_42 = tpu.vector_load %arg11[%get3A_40, %get3A_41] {strides = array<i32>} : memref<4x16xf32, #tpu.memory_space<vmem>>, vector<16xf32>,
      %get3A_43 = arith.constant 1 : i32
      %get3A_44 = arith.index_cast %get3A_43 : i32 to index
      %get3A_45 = arith.constant 0 : index
      %get3A_46 = tpu.vector_load %arg11[%get3A_44, %get3A_45] {strides = array<i32>} : memref<4x16xf32, #tpu.memory_space<vmem>>, vector<16xf32>,
      %get3A_47 = arith.constant 2 : i32
      %get3A_48 = arith.index_cast %get3A_47 : i32 to index
      %get3A_49 = arith.constant 0 : index
      %get3A_50 = tpu.vector_load %arg11[%get3A_48, %get3A_49] {strides = array<i32>} : memref<4x16xf32, #tpu.memory_space<vmem>>, vector<16xf32>,
      %get3A_51 = arith.constant 3 : i32
      %get3A_52 = arith.index_cast %get3A_51 : i32 to index
      %get3A_53 = arith.constant 0 : index
      %get3A_54 = tpu.vector_load %arg11[%get3A_52, %get3A_53] {strides = array<i32>} : memref<4x16xf32, #tpu.memory_space<vmem>>, vector<16xf32>,
      %mul3A_55 = arith.constant 1 : i32
      %mul3A_56 = vector.broadcast %mul3A_55 : i32 to vector<16xi32>
      %mul3A_57 = arith.muli %mul3A_56, %get3A_30 : vector<16xi32>
      %mul3A_58 = arith.constant 2 : i32
      %mul3A_59 = vector.broadcast %mul3A_58 : i32 to vector<16xi32>
      %mul3A_60 = arith.muli %mul3A_59, %get3A_30 : vector<16xi32>
      %mul3A_61 = arith.constant 3 : i32
      %mul3A_62 = vector.broadcast %mul3A_61 : i32 to vector<16xi32>
      %mul3A_63 = arith.muli %mul3A_62, %get3A_30 : vector<16xi32>
      %mul3A_64 = arith.constant 1 : i32
      %mul3A_65 = vector.broadcast %mul3A_64 : i32 to vector<16xi32>
      %mul3A_66 = arith.muli %mul3A_65, %get3A_34 : vector<16xi32>
      %mul3A_67 = arith.constant 2 : i32
      %mul3A_68 = vector.broadcast %mul3A_67 : i32 to vector<16xi32>
      %mul3A_69 = arith.muli %mul3A_68, %get3A_34 : vector<16xi32>
      %mul3A_70 = arith.constant 3 : i32
      %mul3A_71 = vector.broadcast %mul3A_70 : i32 to vector<16xi32>
      %mul3A_72 = arith.muli %mul3A_71, %get3A_34 : vector<16xi32>
      %mul3A_73 = arith.constant 1 : i32
      %mul3A_74 = vector.broadcast %mul3A_73 : i32 to vector<16xi32>
      %mul3A_75 = arith.muli %mul3A_74, %get3A_38 : vector<16xi32>
      %mul3A_76 = arith.constant 2 : i32
      %mul3A_77 = vector.broadcast %mul3A_76 : i32 to vector<16xi32>
      %mul3A_78 = arith.muli %mul3A_77, %get3A_38 : vector<16xi32>
      %mul3A_79 = arith.constant 3 : i32
      %mul3A_80 = vector.broadcast %mul3A_79 : i32 to vector<16xi32>
      %mul3A_81 = arith.muli %mul3A_80, %get3A_38 : vector<16xi32>
      %parallel_loop3A = arith.constant 0 : i32
      %parallel_loop3A_82 = arith.constant 1024 : i32
      %parallel_loop3A_83 = arith.constant 1 : i32
      scf.for %parallel_loop3A_84 = %parallel_loop3A to %parallel_loop3A_82 step %parallel_loop3A_83  : i32 {
        %parallel_loop3A_85 = arith.constant 1536 : i32
        %parallel_loop3A_86 = arith.addi %parallel_loop3A_84, %parallel_loop3A_85 : i32
        %parallel_loop3A_87 = vector.broadcast %parallel_loop3A_86 : i32 to vector<16xi32>
        %parallel_loop3A_88 = arith.constant 0.000000e+00 : f32
        %parallel_loop3A_89 = vector.broadcast %parallel_loop3A_88 : f32 to vector<16xf32>
        %parallel_loop3A_90 = arith.subi %parallel_loop3A_87, %mul3A_57 : vector<16xi32>
        %parallel_loop3A_91 = tpu.vector_load_idx %arg8[%iota3A, %parallel_loop3A_90] : memref<16x4097xf32, #tpu.memory_space<vmem>>[vector<16xi32>, vector<16xi32>], vector<16xf32>,
        %parallel_loop3A_92 = arith.addi %parallel_loop3A_87, %mul3A_57 : vector<16xi32>
        %parallel_loop3A_93 = tpu.vector_load_idx %arg8[%iota3A, %parallel_loop3A_92] : memref<16x4097xf32, #tpu.memory_space<vmem>>[vector<16xi32>, vector<16xi32>], vector<16xf32>,
        %parallel_loop3A_94 = arith.addf %parallel_loop3A_91, %parallel_loop3A_93 : vector<16xf32>
        %parallel_loop3A_95 = arith.constant 0.241970718 : f32
        %parallel_loop3A_96 = vector.broadcast %parallel_loop3A_95 : f32 to vector<16xf32>
        %parallel_loop3A_97 = arith.mulf %parallel_loop3A_96, %parallel_loop3A_94 : vector<16xf32>
        %parallel_loop3A_98 = arith.addf %parallel_loop3A_89, %parallel_loop3A_97 : vector<16xf32>
        %parallel_loop3A_99 = arith.subi %parallel_loop3A_87, %mul3A_60 : vector<16xi32>
        %parallel_loop3A_100 = tpu.vector_load_idx %arg8[%iota3A, %parallel_loop3A_99] : memref<16x4097xf32, #tpu.memory_space<vmem>>[vector<16xi32>, vector<16xi32>], vector<16xf32>,
        %parallel_loop3A_101 = arith.addi %parallel_loop3A_87, %mul3A_60 : vector<16xi32>
        %parallel_loop3A_102 = tpu.vector_load_idx %arg8[%iota3A, %parallel_loop3A_101] : memref<16x4097xf32, #tpu.memory_space<vmem>>[vector<16xi32>, vector<16xi32>], vector<16xf32>,
        %parallel_loop3A_103 = arith.addf %parallel_loop3A_100, %parallel_loop3A_102 : vector<16xf32>
        %parallel_loop3A_104 = arith.constant 0.0539909676 : f32
        %parallel_loop3A_105 = vector.broadcast %parallel_loop3A_104 : f32 to vector<16xf32>
        %parallel_loop3A_106 = arith.mulf %parallel_loop3A_105, %parallel_loop3A_103 : vector<16xf32>
        %parallel_loop3A_107 = arith.addf %parallel_loop3A_98, %parallel_loop3A_106 : vector<16xf32>
        %parallel_loop3A_108 = arith.subi %parallel_loop3A_87, %mul3A_63 : vector<16xi32>
        %parallel_loop3A_109 = tpu.vector_load_idx %arg8[%iota3A, %parallel_loop3A_108] : memref<16x4097xf32, #tpu.memory_space<vmem>>[vector<16xi32>, vector<16xi32>], vector<16xf32>,
        %parallel_loop3A_110 = arith.addi %parallel_loop3A_87, %mul3A_63 : vector<16xi32>
        %parallel_loop3A_111 = tpu.vector_load_idx %arg8[%iota3A, %parallel_loop3A_110] : memref<16x4097xf32, #tpu.memory_space<vmem>>[vector<16xi32>, vector<16xi32>], vector<16xf32>,
        %parallel_loop3A_112 = arith.addf %parallel_loop3A_109, %parallel_loop3A_111 : vector<16xf32>
        %parallel_loop3A_113 = arith.constant 0.00443184841 : f32
        %parallel_loop3A_114 = vector.broadcast %parallel_loop3A_113 : f32 to vector<16xf32>
        %parallel_loop3A_115 = arith.mulf %parallel_loop3A_114, %parallel_loop3A_112 : vector<16xf32>
        %parallel_loop3A_116 = arith.addf %parallel_loop3A_107, %parallel_loop3A_115 : vector<16xf32>
        %parallel_loop3A_117 = arith.mulf %get3A_42, %parallel_loop3A_116 : vector<16xf32>
        %parallel_loop3A_118 = arith.addf %get3A_54, %parallel_loop3A_117 : vector<16xf32>
        %parallel_loop3A_119 = arith.constant 0.000000e+00 : f32
        %parallel_loop3A_120 = vector.broadcast %parallel_loop3A_119 : f32 to vector<16xf32>
        %parallel_loop3A_121 = arith.subi %parallel_loop3A_87, %mul3A_66 : vector<16xi32>
        %parallel_loop3A_122 = tpu.vector_load_idx %arg8[%iota3A, %parallel_loop3A_121] : memref<16x4097xf32, #tpu.memory_space<vmem>>[vector<16xi32>, vector<16xi32>], vector<16xf32>,
        %parallel_loop3A_123 = arith.addi %parallel_loop3A_87, %mul3A_66 : vector<16xi32>
        %parallel_loop3A_124 = tpu.vector_load_idx %arg8[%iota3A, %parallel_loop3A_123] : memref<16x4097xf32, #tpu.memory_space<vmem>>[vector<16xi32>, vector<16xi32>], vector<16xf32>,
        %parallel_loop3A_125 = arith.addf %parallel_loop3A_122, %parallel_loop3A_124 : vector<16xf32>
        %parallel_loop3A_126 = arith.constant 0.241970718 : f32
        %parallel_loop3A_127 = vector.broadcast %parallel_loop3A_126 : f32 to vector<16xf32>
        %parallel_loop3A_128 = arith.mulf %parallel_loop3A_127, %parallel_loop3A_125 : vector<16xf32>
        %parallel_loop3A_129 = arith.addf %parallel_loop3A_120, %parallel_loop3A_128 : vector<16xf32>
        %parallel_loop3A_130 = arith.subi %parallel_loop3A_87, %mul3A_69 : vector<16xi32>
        %parallel_loop3A_131 = tpu.vector_load_idx %arg8[%iota3A, %parallel_loop3A_130] : memref<16x4097xf32, #tpu.memory_space<vmem>>[vector<16xi32>, vector<16xi32>], vector<16xf32>,
        %parallel_loop3A_132 = arith.addi %parallel_loop3A_87, %mul3A_69 : vector<16xi32>
        %parallel_loop3A_133 = tpu.vector_load_idx %arg8[%iota3A, %parallel_loop3A_132] : memref<16x4097xf32, #tpu.memory_space<vmem>>[vector<16xi32>, vector<16xi32>], vector<16xf32>,
        %parallel_loop3A_134 = arith.addf %parallel_loop3A_131, %parallel_loop3A_133 : vector<16xf32>
        %parallel_loop3A_135 = arith.constant 0.0539909676 : f32
        %parallel_loop3A_136 = vector.broadcast %parallel_loop3A_135 : f32 to vector<16xf32>
        %parallel_loop3A_137 = arith.mulf %parallel_loop3A_136, %parallel_loop3A_134 : vector<16xf32>
        %parallel_loop3A_138 = arith.addf %parallel_loop3A_129, %parallel_loop3A_137 : vector<16xf32>
        %parallel_loop3A_139 = arith.subi %parallel_loop3A_87, %mul3A_72 : vector<16xi32>
        %parallel_loop3A_140 = tpu.vector_load_idx %arg8[%iota3A, %parallel_loop3A_139] : memref<16x4097xf32, #tpu.memory_space<vmem>>[vector<16xi32>, vector<16xi32>], vector<16xf32>,
        %parallel_loop3A_141 = arith.addi %parallel_loop3A_87, %mul3A_72 : vector<16xi32>
        %parallel_loop3A_142 = tpu.vector_load_idx %arg8[%iota3A, %parallel_loop3A_141] : memref<16x4097xf32, #tpu.memory_space<vmem>>[vector<16xi32>, vector<16xi32>], vector<16xf32>,
        %parallel_loop3A_143 = arith.addf %parallel_loop3A_140, %parallel_loop3A_142 : vector<16xf32>
        %parallel_loop3A_144 = arith.constant 0.00443184841 : f32
        %parallel_loop3A_145 = vector.broadcast %parallel_loop3A_144 : f32 to vector<16xf32>
        %parallel_loop3A_146 = arith.mulf %parallel_loop3A_145, %parallel_loop3A_143 : vector<16xf32>
        %parallel_loop3A_147 = arith.addf %parallel_loop3A_138, %parallel_loop3A_146 : vector<16xf32>
        %parallel_loop3A_148 = arith.mulf %get3A_46, %parallel_loop3A_147 : vector<16xf32>
        %parallel_loop3A_149 = arith.addf %parallel_loop3A_118, %parallel_loop3A_148 : vector<16xf32>
        %parallel_loop3A_150 = arith.constant 0.000000e+00 : f32
        %parallel_loop3A_151 = vector.broadcast %parallel_loop3A_150 : f32 to vector<16xf32>
        %parallel_loop3A_152 = arith.subi %parallel_loop3A_87, %mul3A_75 : vector<16xi32>
        %parallel_loop3A_153 = tpu.vector_load_idx %arg8[%iota3A, %parallel_loop3A_152] : memref<16x4097xf32, #tpu.memory_space<vmem>>[vector<16xi32>, vector<16xi32>], vector<16xf32>,
        %parallel_loop3A_154 = arith.addi %parallel_loop3A_87, %mul3A_75 : vector<16xi32>
        %parallel_loop3A_155 = tpu.vector_load_idx %arg8[%iota3A, %parallel_loop3A_154] : memref<16x4097xf32, #tpu.memory_space<vmem>>[vector<16xi32>, vector<16xi32>], vector<16xf32>,
        %parallel_loop3A_156 = arith.addf %parallel_loop3A_153, %parallel_loop3A_155 : vector<16xf32>
        %parallel_loop3A_157 = arith.constant 0.241970718 : f32
        %parallel_loop3A_158 = vector.broadcast %parallel_loop3A_157 : f32 to vector<16xf32>
        %parallel_loop3A_159 = arith.mulf %parallel_loop3A_158, %parallel_loop3A_156 : vector<16xf32>
        %parallel_loop3A_160 = arith.addf %parallel_loop3A_151, %parallel_loop3A_159 : vector<16xf32>
        %parallel_loop3A_161 = arith.subi %parallel_loop3A_87, %mul3A_78 : vector<16xi32>
        %parallel_loop3A_162 = tpu.vector_load_idx %arg8[%iota3A, %parallel_loop3A_161] : memref<16x4097xf32, #tpu.memory_space<vmem>>[vector<16xi32>, vector<16xi32>], vector<16xf32>,
        %parallel_loop3A_163 = arith.addi %parallel_loop3A_87, %mul3A_78 : vector<16xi32>
        %parallel_loop3A_164 = tpu.vector_load_idx %arg8[%iota3A, %parallel_loop3A_163] : memref<16x4097xf32, #tpu.memory_space<vmem>>[vector<16xi32>, vector<16xi32>], vector<16xf32>,
        %parallel_loop3A_165 = arith.addf %parallel_loop3A_162, %parallel_loop3A_164 : vector<16xf32>
        %parallel_loop3A_166 = arith.constant 0.0539909676 : f32
        %parallel_loop3A_167 = vector.broadcast %parallel_loop3A_166 : f32 to vector<16xf32>
        %parallel_loop3A_168 = arith.mulf %parallel_loop3A_167, %parallel_loop3A_165 : vector<16xf32>
        %parallel_loop3A_169 = arith.addf %parallel_loop3A_160, %parallel_loop3A_168 : vector<16xf32>
        %parallel_loop3A_170 = arith.subi %parallel_loop3A_87, %mul3A_81 : vector<16xi32>
        %parallel_loop3A_171 = tpu.vector_load_idx %arg8[%iota3A, %parallel_loop3A_170] : memref<16x4097xf32, #tpu.memory_space<vmem>>[vector<16xi32>, vector<16xi32>], vector<16xf32>,
        %parallel_loop3A_172 = arith.addi %parallel_loop3A_87, %mul3A_81 : vector<16xi32>
        %parallel_loop3A_173 = tpu.vector_load_idx %arg8[%iota3A, %parallel_loop3A_172] : memref<16x4097xf32, #tpu.memory_space<vmem>>[vector<16xi32>, vector<16xi32>], vector<16xf32>,
        %parallel_loop3A_174 = arith.addf %parallel_loop3A_171, %parallel_loop3A_173 : vector<16xf32>
        %parallel_loop3A_175 = arith.constant 0.00443184841 : f32
        %parallel_loop3A_176 = vector.broadcast %parallel_loop3A_175 : f32 to vector<16xf32>
        %parallel_loop3A_177 = arith.mulf %parallel_loop3A_176, %parallel_loop3A_174 : vector<16xf32>
        %parallel_loop3A_178 = arith.addf %parallel_loop3A_169, %parallel_loop3A_177 : vector<16xf32>
        %parallel_loop3A_179 = arith.mulf %get3A_50, %parallel_loop3A_178 : vector<16xf32>
        %parallel_loop3A_180 = arith.addf %parallel_loop3A_149, %parallel_loop3A_179 : vector<16xf32>
        %parallel_loop3A_181 = vector.broadcast %parallel_loop3A_84 : i32 to vector<16xi32>
        tpu.vector_store_idx %arg9[%parallel_loop3A_181, %iota3A], %parallel_loop3A_180 : memref<1024x16xf32, #tpu.memory_space<vmem>>[vector<16xi32>, vector<16xi32>], vector<16xf32>,
      } {sc.loop_unroll_factor = 4 : i64, sc.parallel_access}
      "tpu.region"() ({
        %run_scoped3A_84 = tpu.sem_alloc : memref<!tpu.dma_semaphore, #tpu.memory_space<semaphore_mem>>
        %dma_start3A = arith.constant 0 : i32
        %dma_start3A_85 = arith.constant 0 : i32
        %dma_start3A_86 = tpu.memref_slice %arg7[%while3A_15, %dma_start3A, %dma_start3A_85] : memref<256x1024x16xf32, #tpu.memory_space<hbm>> -> memref<1x1024x16xf32, #tpu.memory_space<hbm>>
        %dma_start3A_87 = tpu.memref_squeeze %dma_start3A_86 : memref<1x1024x16xf32, #tpu.memory_space<hbm>> -> memref<1024x16xf32, #tpu.memory_space<hbm>>
        %dma_start3A_88 = arith.constant 0 : i32
        %dma_start3A_89 = arith.constant 0 : i32
        %dma_start3A_90 = tpu.memref_slice %arg7[%while3A_15, %dma_start3A_88, %dma_start3A_89] : memref<256x1024x16xf32, #tpu.memory_space<hbm>> -> memref<1x1024x16xf32, #tpu.memory_space<hbm>>
        %dma_start3A_91 = tpu.memref_squeeze %dma_start3A_90 : memref<1x1024x16xf32, #tpu.memory_space<hbm>> -> memref<1024x16xf32, #tpu.memory_space<hbm>>
        tpu.enqueue_dma source(%arg9 : memref<1024x16xf32, #tpu.memory_space<vmem>>) target(%dma_start3A_91 : memref<1024x16xf32, #tpu.memory_space<hbm>>) target_semaphore(%run_scoped3A_84 : memref<!tpu.dma_semaphore, #tpu.memory_space<semaphore_mem>>)
        %dma_wait3A = arith.constant 0 : i32
        %dma_wait3A_92 = arith.constant 0 : i32
        %dma_wait3A_93 = tpu.memref_slice %arg7[%while3A_15, %dma_wait3A, %dma_wait3A_92] : memref<256x1024x16xf32, #tpu.memory_space<hbm>> -> memref<1x1024x16xf32, #tpu.memory_space<hbm>>
        %dma_wait3A_94 = tpu.memref_squeeze %dma_wait3A_93 : memref<1x1024x16xf32, #tpu.memory_space<hbm>> -> memref<1024x16xf32, #tpu.memory_space<hbm>>
        %dma_wait3A_95 = arith.constant 0 : i32
        %dma_wait3A_96 = arith.constant 0 : i32
        %dma_wait3A_97 = tpu.memref_slice %arg7[%while3A_15, %dma_wait3A_95, %dma_wait3A_96] : memref<256x1024x16xf32, #tpu.memory_space<hbm>> -> memref<1x1024x16xf32, #tpu.memory_space<hbm>>
        %dma_wait3A_98 = tpu.memref_squeeze %dma_wait3A_97 : memref<1x1024x16xf32, #tpu.memory_space<hbm>> -> memref<1024x16xf32, #tpu.memory_space<hbm>>
        tpu.wait_dma2 semaphore(%run_scoped3A_84 : memref<!tpu.dma_semaphore, #tpu.memory_space<semaphore_mem>>) src(%arg9 : memref<1024x16xf32, #tpu.memory_space<vmem>>) dst(%dma_wait3A_98 : memref<1024x16xf32, #tpu.memory_space<hbm>>)
        tpu.yield
      }) : () -> ()
    }
    %while3A_14 = arith.constant 1 : i32
    scf.for %while3A_15 = %while3A_12 to %while3A_8 step %while3A_14  : i32 {
      "tpu.region"() ({
        %run_scoped3A_84 = tpu.sem_alloc : memref<!tpu.dma_semaphore, #tpu.memory_space<semaphore_mem>>
        %dma_start3A = arith.constant 0 : i32
        %dma_start3A_85 = arith.constant 1536 : i32
        %dma_start3A_86 = tpu.memref_slice %arg8[%dma_start3A, %dma_start3A_85] : memref<16x4097xf32, #tpu.memory_space<vmem>> -> memref<16x1024xf32, #tpu.memory_space<vmem>>
        %dma_start3A_87 = arith.constant 0 : i32
        %dma_start3A_88 = arith.constant 0 : i32
        %dma_start3A_89 = tpu.memref_slice %arg3[%while3A_15, %dma_start3A_87, %dma_start3A_88] : memref<256x16x1024xf32, #tpu.memory_space<hbm>> -> memref<1x16x1024xf32, #tpu.memory_space<hbm>>
        %dma_start3A_90 = tpu.memref_squeeze %dma_start3A_89 : memref<1x16x1024xf32, #tpu.memory_space<hbm>> -> memref<16x1024xf32, #tpu.memory_space<hbm>>
        %dma_start3A_91 = arith.constant 0 : i32
        %dma_start3A_92 = arith.constant 1536 : i32
        %dma_start3A_93 = tpu.memref_slice %arg8[%dma_start3A_91, %dma_start3A_92] : memref<16x4097xf32, #tpu.memory_space<vmem>> -> memref<16x1024xf32, #tpu.memory_space<vmem>>
        %dma_start3A_94 = arith.constant 0 : i32
        %dma_start3A_95 = arith.constant 0 : i32
        %dma_start3A_96 = tpu.memref_slice %arg3[%while3A_15, %dma_start3A_94, %dma_start3A_95] : memref<256x16x1024xf32, #tpu.memory_space<hbm>> -> memref<1x16x1024xf32, #tpu.memory_space<hbm>>
        %dma_start3A_97 = tpu.memref_squeeze %dma_start3A_96 : memref<1x16x1024xf32, #tpu.memory_space<hbm>> -> memref<16x1024xf32, #tpu.memory_space<hbm>>
        tpu.enqueue_dma source(%dma_start3A_97 : memref<16x1024xf32, #tpu.memory_space<hbm>>) target(%dma_start3A_93 : memref<16x1024xf32, #tpu.memory_space<vmem>>) target_semaphore(%run_scoped3A_84 : memref<!tpu.dma_semaphore, #tpu.memory_space<semaphore_mem>>)
        %dma_wait3A = arith.constant 0 : i32
        %dma_wait3A_98 = arith.constant 1536 : i32
        %dma_wait3A_99 = tpu.memref_slice %arg8[%dma_wait3A, %dma_wait3A_98] : memref<16x4097xf32, #tpu.memory_space<vmem>> -> memref<16x1024xf32, #tpu.memory_space<vmem>>
        %dma_wait3A_100 = arith.constant 0 : i32
        %dma_wait3A_101 = arith.constant 0 : i32
        %dma_wait3A_102 = tpu.memref_slice %arg3[%while3A_15, %dma_wait3A_100, %dma_wait3A_101] : memref<256x16x1024xf32, #tpu.memory_space<hbm>> -> memref<1x16x1024xf32, #tpu.memory_space<hbm>>
        %dma_wait3A_103 = tpu.memref_squeeze %dma_wait3A_102 : memref<1x16x1024xf32, #tpu.memory_space<hbm>> -> memref<16x1024xf32, #tpu.memory_space<hbm>>
        %dma_wait3A_104 = arith.constant 0 : i32
        %dma_wait3A_105 = arith.constant 1536 : i32
        %dma_wait3A_106 = tpu.memref_slice %arg8[%dma_wait3A_104, %dma_wait3A_105] : memref<16x4097xf32, #tpu.memory_space<vmem>> -> memref<16x1024xf32, #tpu.memory_space<vmem>>
        %dma_wait3A_107 = arith.constant 0 : i32
        %dma_wait3A_108 = arith.constant 0 : i32
        %dma_wait3A_109 = tpu.memref_slice %arg3[%while3A_15, %dma_wait3A_107, %dma_wait3A_108] : memref<256x16x1024xf32, #tpu.memory_space<hbm>> -> memref<1x16x1024xf32, #tpu.memory_space<hbm>>
        %dma_wait3A_110 = tpu.memref_squeeze %dma_wait3A_109 : memref<1x16x1024xf32, #tpu.memory_space<hbm>> -> memref<16x1024xf32, #tpu.memory_space<hbm>>
        tpu.wait_dma2 semaphore(%run_scoped3A_84 : memref<!tpu.dma_semaphore, #tpu.memory_space<semaphore_mem>>) src(%dma_wait3A_110 : memref<16x1024xf32, #tpu.memory_space<hbm>>) dst(%dma_wait3A_106 : memref<16x1024xf32, #tpu.memory_space<vmem>>)
        tpu.yield
      }) : () -> ()
      %run_scoped3A = arith.constant 0 : i32
      %run_scoped3A_16 = arith.constant 0 : i32
      "tpu.region"() ({
        %run_scoped3A_84 = tpu.sem_alloc : memref<!tpu.dma_semaphore, #tpu.memory_space<semaphore_mem>>
        %dma_start3A = arith.constant 0 : i32
        %dma_start3A_85 = tpu.memref_slice %arg10[%run_scoped3A_16, %dma_start3A] : memref<3x16xi32, #tpu.memory_space<vmem>> -> memref<1x16xi32, #tpu.memory_space<vmem>>
        %dma_start3A_86 = tpu.memref_squeeze %dma_start3A_85 : memref<1x16xi32, #tpu.memory_space<vmem>> -> memref<16xi32, #tpu.memory_space<vmem>>
        %dma_start3A_87 = arith.constant 0 : i32
        %dma_start3A_88 = tpu.memref_slice %arg4[%run_scoped3A, %while3A_15, %dma_start3A_87] : memref<3x256x16xi32, #tpu.memory_space<hbm>> -> memref<1x1x16xi32, #tpu.memory_space<hbm>>
        %dma_start3A_89 = tpu.memref_squeeze %dma_start3A_88 : memref<1x1x16xi32, #tpu.memory_space<hbm>> -> memref<16xi32, #tpu.memory_space<hbm>>
        %dma_start3A_90 = arith.constant 0 : i32
        %dma_start3A_91 = tpu.memref_slice %arg10[%run_scoped3A_16, %dma_start3A_90] : memref<3x16xi32, #tpu.memory_space<vmem>> -> memref<1x16xi32, #tpu.memory_space<vmem>>
        %dma_start3A_92 = tpu.memref_squeeze %dma_start3A_91 : memref<1x16xi32, #tpu.memory_space<vmem>> -> memref<16xi32, #tpu.memory_space<vmem>>
        %dma_start3A_93 = arith.constant 0 : i32
        %dma_start3A_94 = tpu.memref_slice %arg4[%run_scoped3A, %while3A_15, %dma_start3A_93] : memref<3x256x16xi32, #tpu.memory_space<hbm>> -> memref<1x1x16xi32, #tpu.memory_space<hbm>>
        %dma_start3A_95 = tpu.memref_squeeze %dma_start3A_94 : memref<1x1x16xi32, #tpu.memory_space<hbm>> -> memref<16xi32, #tpu.memory_space<hbm>>
        tpu.enqueue_dma source(%dma_start3A_95 : memref<16xi32, #tpu.memory_space<hbm>>) target(%dma_start3A_92 : memref<16xi32, #tpu.memory_space<vmem>>) target_semaphore(%run_scoped3A_84 : memref<!tpu.dma_semaphore, #tpu.memory_space<semaphore_mem>>)
        %dma_wait3A = arith.constant 0 : i32
        %dma_wait3A_96 = tpu.memref_slice %arg10[%run_scoped3A_16, %dma_wait3A] : memref<3x16xi32, #tpu.memory_space<vmem>> -> memref<1x16xi32, #tpu.memory_space<vmem>>
        %dma_wait3A_97 = tpu.memref_squeeze %dma_wait3A_96 : memref<1x16xi32, #tpu.memory_space<vmem>> -> memref<16xi32, #tpu.memory_space<vmem>>
        %dma_wait3A_98 = arith.constant 0 : i32
        %dma_wait3A_99 = tpu.memref_slice %arg4[%run_scoped3A, %while3A_15, %dma_wait3A_98] : memref<3x256x16xi32, #tpu.memory_space<hbm>> -> memref<1x1x16xi32, #tpu.memory_space<hbm>>
        %dma_wait3A_100 = tpu.memref_squeeze %dma_wait3A_99 : memref<1x1x16xi32, #tpu.memory_space<hbm>> -> memref<16xi32, #tpu.memory_space<hbm>>
        %dma_wait3A_101 = arith.constant 0 : i32
        %dma_wait3A_102 = tpu.memref_slice %arg10[%run_scoped3A_16, %dma_wait3A_101] : memref<3x16xi32, #tpu.memory_space<vmem>> -> memref<1x16xi32, #tpu.memory_space<vmem>>
        %dma_wait3A_103 = tpu.memref_squeeze %dma_wait3A_102 : memref<1x16xi32, #tpu.memory_space<vmem>> -> memref<16xi32, #tpu.memory_space<vmem>>
        %dma_wait3A_104 = arith.constant 0 : i32
        %dma_wait3A_105 = tpu.memref_slice %arg4[%run_scoped3A, %while3A_15, %dma_wait3A_104] : memref<3x256x16xi32, #tpu.memory_space<hbm>> -> memref<1x1x16xi32, #tpu.memory_space<hbm>>
        %dma_wait3A_106 = tpu.memref_squeeze %dma_wait3A_105 : memref<1x1x16xi32, #tpu.memory_space<hbm>> -> memref<16xi32, #tpu.memory_space<hbm>>
        tpu.wait_dma2 semaphore(%run_scoped3A_84 : memref<!tpu.dma_semaphore, #tpu.memory_space<semaphore_mem>>) src(%dma_wait3A_106 : memref<16xi32, #tpu.memory_space<hbm>>) dst(%dma_wait3A_103 : memref<16xi32, #tpu.memory_space<vmem>>)
        tpu.yield
      }) : () -> ()
      %run_scoped3A_17 = arith.constant 0 : i32
      %run_scoped3A_18 = arith.constant 0 : i32
      "tpu.region"() ({
        %run_scoped3A_84 = tpu.sem_alloc : memref<!tpu.dma_semaphore, #tpu.memory_space<semaphore_mem>>
        %dma_start3A = arith.constant 0 : i32
        %dma_start3A_85 = tpu.memref_slice %arg11[%run_scoped3A_18, %dma_start3A] : memref<4x16xf32, #tpu.memory_space<vmem>> -> memref<1x16xf32, #tpu.memory_space<vmem>>
        %dma_start3A_86 = tpu.memref_squeeze %dma_start3A_85 : memref<1x16xf32, #tpu.memory_space<vmem>> -> memref<16xf32, #tpu.memory_space<vmem>>
        %dma_start3A_87 = arith.constant 0 : i32
        %dma_start3A_88 = tpu.memref_slice %arg5[%run_scoped3A_17, %while3A_15, %dma_start3A_87] : memref<3x256x16xf32, #tpu.memory_space<hbm>> -> memref<1x1x16xf32, #tpu.memory_space<hbm>>
        %dma_start3A_89 = tpu.memref_squeeze %dma_start3A_88 : memref<1x1x16xf32, #tpu.memory_space<hbm>> -> memref<16xf32, #tpu.memory_space<hbm>>
        %dma_start3A_90 = arith.constant 0 : i32
        %dma_start3A_91 = tpu.memref_slice %arg11[%run_scoped3A_18, %dma_start3A_90] : memref<4x16xf32, #tpu.memory_space<vmem>> -> memref<1x16xf32, #tpu.memory_space<vmem>>
        %dma_start3A_92 = tpu.memref_squeeze %dma_start3A_91 : memref<1x16xf32, #tpu.memory_space<vmem>> -> memref<16xf32, #tpu.memory_space<vmem>>
        %dma_start3A_93 = arith.constant 0 : i32
        %dma_start3A_94 = tpu.memref_slice %arg5[%run_scoped3A_17, %while3A_15, %dma_start3A_93] : memref<3x256x16xf32, #tpu.memory_space<hbm>> -> memref<1x1x16xf32, #tpu.memory_space<hbm>>
        %dma_start3A_95 = tpu.memref_squeeze %dma_start3A_94 : memref<1x1x16xf32, #tpu.memory_space<hbm>> -> memref<16xf32, #tpu.memory_space<hbm>>
        tpu.enqueue_dma source(%dma_start3A_95 : memref<16xf32, #tpu.memory_space<hbm>>) target(%dma_start3A_92 : memref<16xf32, #tpu.memory_space<vmem>>) target_semaphore(%run_scoped3A_84 : memref<!tpu.dma_semaphore, #tpu.memory_space<semaphore_mem>>)
        %dma_wait3A = arith.constant 0 : i32
        %dma_wait3A_96 = tpu.memref_slice %arg11[%run_scoped3A_18, %dma_wait3A] : memref<4x16xf32, #tpu.memory_space<vmem>> -> memref<1x16xf32, #tpu.memory_space<vmem>>
        %dma_wait3A_97 = tpu.memref_squeeze %dma_wait3A_96 : memref<1x16xf32, #tpu.memory_space<vmem>> -> memref<16xf32, #tpu.memory_space<vmem>>
        %dma_wait3A_98 = arith.constant 0 : i32
        %dma_wait3A_99 = tpu.memref_slice %arg5[%run_scoped3A_17, %while3A_15, %dma_wait3A_98] : memref<3x256x16xf32, #tpu.memory_space<hbm>> -> memref<1x1x16xf32, #tpu.memory_space<hbm>>
        %dma_wait3A_100 = tpu.memref_squeeze %dma_wait3A_99 : memref<1x1x16xf32, #tpu.memory_space<hbm>> -> memref<16xf32, #tpu.memory_space<hbm>>
        %dma_wait3A_101 = arith.constant 0 : i32
        %dma_wait3A_102 = tpu.memref_slice %arg11[%run_scoped3A_18, %dma_wait3A_101] : memref<4x16xf32, #tpu.memory_space<vmem>> -> memref<1x16xf32, #tpu.memory_space<vmem>>
        %dma_wait3A_103 = tpu.memref_squeeze %dma_wait3A_102 : memref<1x16xf32, #tpu.memory_space<vmem>> -> memref<16xf32, #tpu.memory_space<vmem>>
        %dma_wait3A_104 = arith.constant 0 : i32
        %dma_wait3A_105 = tpu.memref_slice %arg5[%run_scoped3A_17, %while3A_15, %dma_wait3A_104] : memref<3x256x16xf32, #tpu.memory_space<hbm>> -> memref<1x1x16xf32, #tpu.memory_space<hbm>>
        %dma_wait3A_106 = tpu.memref_squeeze %dma_wait3A_105 : memref<1x1x16xf32, #tpu.memory_space<hbm>> -> memref<16xf32, #tpu.memory_space<hbm>>
        tpu.wait_dma2 semaphore(%run_scoped3A_84 : memref<!tpu.dma_semaphore, #tpu.memory_space<semaphore_mem>>) src(%dma_wait3A_106 : memref<16xf32, #tpu.memory_space<hbm>>) dst(%dma_wait3A_103 : memref<16xf32, #tpu.memory_space<vmem>>)
        tpu.yield
      }) : () -> ()
      %run_scoped3A_19 = arith.constant 1 : i32
      %run_scoped3A_20 = arith.constant 1 : i32
      "tpu.region"() ({
        %run_scoped3A_84 = tpu.sem_alloc : memref<!tpu.dma_semaphore, #tpu.memory_space<semaphore_mem>>
        %dma_start3A = arith.constant 0 : i32
        %dma_start3A_85 = tpu.memref_slice %arg10[%run_scoped3A_20, %dma_start3A] : memref<3x16xi32, #tpu.memory_space<vmem>> -> memref<1x16xi32, #tpu.memory_space<vmem>>
        %dma_start3A_86 = tpu.memref_squeeze %dma_start3A_85 : memref<1x16xi32, #tpu.memory_space<vmem>> -> memref<16xi32, #tpu.memory_space<vmem>>
        %dma_start3A_87 = arith.constant 0 : i32
        %dma_start3A_88 = tpu.memref_slice %arg4[%run_scoped3A_19, %while3A_15, %dma_start3A_87] : memref<3x256x16xi32, #tpu.memory_space<hbm>> -> memref<1x1x16xi32, #tpu.memory_space<hbm>>
        %dma_start3A_89 = tpu.memref_squeeze %dma_start3A_88 : memref<1x1x16xi32, #tpu.memory_space<hbm>> -> memref<16xi32, #tpu.memory_space<hbm>>
        %dma_start3A_90 = arith.constant 0 : i32
        %dma_start3A_91 = tpu.memref_slice %arg10[%run_scoped3A_20, %dma_start3A_90] : memref<3x16xi32, #tpu.memory_space<vmem>> -> memref<1x16xi32, #tpu.memory_space<vmem>>
        %dma_start3A_92 = tpu.memref_squeeze %dma_start3A_91 : memref<1x16xi32, #tpu.memory_space<vmem>> -> memref<16xi32, #tpu.memory_space<vmem>>
        %dma_start3A_93 = arith.constant 0 : i32
        %dma_start3A_94 = tpu.memref_slice %arg4[%run_scoped3A_19, %while3A_15, %dma_start3A_93] : memref<3x256x16xi32, #tpu.memory_space<hbm>> -> memref<1x1x16xi32, #tpu.memory_space<hbm>>
        %dma_start3A_95 = tpu.memref_squeeze %dma_start3A_94 : memref<1x1x16xi32, #tpu.memory_space<hbm>> -> memref<16xi32, #tpu.memory_space<hbm>>
        tpu.enqueue_dma source(%dma_start3A_95 : memref<16xi32, #tpu.memory_space<hbm>>) target(%dma_start3A_92 : memref<16xi32, #tpu.memory_space<vmem>>) target_semaphore(%run_scoped3A_84 : memref<!tpu.dma_semaphore, #tpu.memory_space<semaphore_mem>>)
        %dma_wait3A = arith.constant 0 : i32
        %dma_wait3A_96 = tpu.memref_slice %arg10[%run_scoped3A_20, %dma_wait3A] : memref<3x16xi32, #tpu.memory_space<vmem>> -> memref<1x16xi32, #tpu.memory_space<vmem>>
        %dma_wait3A_97 = tpu.memref_squeeze %dma_wait3A_96 : memref<1x16xi32, #tpu.memory_space<vmem>> -> memref<16xi32, #tpu.memory_space<vmem>>
        %dma_wait3A_98 = arith.constant 0 : i32
        %dma_wait3A_99 = tpu.memref_slice %arg4[%run_scoped3A_19, %while3A_15, %dma_wait3A_98] : memref<3x256x16xi32, #tpu.memory_space<hbm>> -> memref<1x1x16xi32, #tpu.memory_space<hbm>>
        %dma_wait3A_100 = tpu.memref_squeeze %dma_wait3A_99 : memref<1x1x16xi32, #tpu.memory_space<hbm>> -> memref<16xi32, #tpu.memory_space<hbm>>
        %dma_wait3A_101 = arith.constant 0 : i32
        %dma_wait3A_102 = tpu.memref_slice %arg10[%run_scoped3A_20, %dma_wait3A_101] : memref<3x16xi32, #tpu.memory_space<vmem>> -> memref<1x16xi32, #tpu.memory_space<vmem>>
        %dma_wait3A_103 = tpu.memref_squeeze %dma_wait3A_102 : memref<1x16xi32, #tpu.memory_space<vmem>> -> memref<16xi32, #tpu.memory_space<vmem>>
        %dma_wait3A_104 = arith.constant 0 : i32
        %dma_wait3A_105 = tpu.memref_slice %arg4[%run_scoped3A_19, %while3A_15, %dma_wait3A_104] : memref<3x256x16xi32, #tpu.memory_space<hbm>> -> memref<1x1x16xi32, #tpu.memory_space<hbm>>
        %dma_wait3A_106 = tpu.memref_squeeze %dma_wait3A_105 : memref<1x1x16xi32, #tpu.memory_space<hbm>> -> memref<16xi32, #tpu.memory_space<hbm>>
        tpu.wait_dma2 semaphore(%run_scoped3A_84 : memref<!tpu.dma_semaphore, #tpu.memory_space<semaphore_mem>>) src(%dma_wait3A_106 : memref<16xi32, #tpu.memory_space<hbm>>) dst(%dma_wait3A_103 : memref<16xi32, #tpu.memory_space<vmem>>)
        tpu.yield
      }) : () -> ()
      %run_scoped3A_21 = arith.constant 1 : i32
      %run_scoped3A_22 = arith.constant 1 : i32
      "tpu.region"() ({
        %run_scoped3A_84 = tpu.sem_alloc : memref<!tpu.dma_semaphore, #tpu.memory_space<semaphore_mem>>
        %dma_start3A = arith.constant 0 : i32
        %dma_start3A_85 = tpu.memref_slice %arg11[%run_scoped3A_22, %dma_start3A] : memref<4x16xf32, #tpu.memory_space<vmem>> -> memref<1x16xf32, #tpu.memory_space<vmem>>
        %dma_start3A_86 = tpu.memref_squeeze %dma_start3A_85 : memref<1x16xf32, #tpu.memory_space<vmem>> -> memref<16xf32, #tpu.memory_space<vmem>>
        %dma_start3A_87 = arith.constant 0 : i32
        %dma_start3A_88 = tpu.memref_slice %arg5[%run_scoped3A_21, %while3A_15, %dma_start3A_87] : memref<3x256x16xf32, #tpu.memory_space<hbm>> -> memref<1x1x16xf32, #tpu.memory_space<hbm>>
        %dma_start3A_89 = tpu.memref_squeeze %dma_start3A_88 : memref<1x1x16xf32, #tpu.memory_space<hbm>> -> memref<16xf32, #tpu.memory_space<hbm>>
        %dma_start3A_90 = arith.constant 0 : i32
        %dma_start3A_91 = tpu.memref_slice %arg11[%run_scoped3A_22, %dma_start3A_90] : memref<4x16xf32, #tpu.memory_space<vmem>> -> memref<1x16xf32, #tpu.memory_space<vmem>>
        %dma_start3A_92 = tpu.memref_squeeze %dma_start3A_91 : memref<1x16xf32, #tpu.memory_space<vmem>> -> memref<16xf32, #tpu.memory_space<vmem>>
        %dma_start3A_93 = arith.constant 0 : i32
        %dma_start3A_94 = tpu.memref_slice %arg5[%run_scoped3A_21, %while3A_15, %dma_start3A_93] : memref<3x256x16xf32, #tpu.memory_space<hbm>> -> memref<1x1x16xf32, #tpu.memory_space<hbm>>
        %dma_start3A_95 = tpu.memref_squeeze %dma_start3A_94 : memref<1x1x16xf32, #tpu.memory_space<hbm>> -> memref<16xf32, #tpu.memory_space<hbm>>
        tpu.enqueue_dma source(%dma_start3A_95 : memref<16xf32, #tpu.memory_space<hbm>>) target(%dma_start3A_92 : memref<16xf32, #tpu.memory_space<vmem>>) target_semaphore(%run_scoped3A_84 : memref<!tpu.dma_semaphore, #tpu.memory_space<semaphore_mem>>)
        %dma_wait3A = arith.constant 0 : i32
        %dma_wait3A_96 = tpu.memref_slice %arg11[%run_scoped3A_22, %dma_wait3A] : memref<4x16xf32, #tpu.memory_space<vmem>> -> memref<1x16xf32, #tpu.memory_space<vmem>>
        %dma_wait3A_97 = tpu.memref_squeeze %dma_wait3A_96 : memref<1x16xf32, #tpu.memory_space<vmem>> -> memref<16xf32, #tpu.memory_space<vmem>>
        %dma_wait3A_98 = arith.constant 0 : i32
        %dma_wait3A_99 = tpu.memref_slice %arg5[%run_scoped3A_21, %while3A_15, %dma_wait3A_98] : memref<3x256x16xf32, #tpu.memory_space<hbm>> -> memref<1x1x16xf32, #tpu.memory_space<hbm>>
        %dma_wait3A_100 = tpu.memref_squeeze %dma_wait3A_99 : memref<1x1x16xf32, #tpu.memory_space<hbm>> -> memref<16xf32, #tpu.memory_space<hbm>>
        %dma_wait3A_101 = arith.constant 0 : i32
        %dma_wait3A_102 = tpu.memref_slice %arg11[%run_scoped3A_22, %dma_wait3A_101] : memref<4x16xf32, #tpu.memory_space<vmem>> -> memref<1x16xf32, #tpu.memory_space<vmem>>
        %dma_wait3A_103 = tpu.memref_squeeze %dma_wait3A_102 : memref<1x16xf32, #tpu.memory_space<vmem>> -> memref<16xf32, #tpu.memory_space<vmem>>
        %dma_wait3A_104 = arith.constant 0 : i32
        %dma_wait3A_105 = tpu.memref_slice %arg5[%run_scoped3A_21, %while3A_15, %dma_wait3A_104] : memref<3x256x16xf32, #tpu.memory_space<hbm>> -> memref<1x1x16xf32, #tpu.memory_space<hbm>>
        %dma_wait3A_106 = tpu.memref_squeeze %dma_wait3A_105 : memref<1x1x16xf32, #tpu.memory_space<hbm>> -> memref<16xf32, #tpu.memory_space<hbm>>
        tpu.wait_dma2 semaphore(%run_scoped3A_84 : memref<!tpu.dma_semaphore, #tpu.memory_space<semaphore_mem>>) src(%dma_wait3A_106 : memref<16xf32, #tpu.memory_space<hbm>>) dst(%dma_wait3A_103 : memref<16xf32, #tpu.memory_space<vmem>>)
        tpu.yield
      }) : () -> ()
      %run_scoped3A_23 = arith.constant 2 : i32
      %run_scoped3A_24 = arith.constant 2 : i32
      "tpu.region"() ({
        %run_scoped3A_84 = tpu.sem_alloc : memref<!tpu.dma_semaphore, #tpu.memory_space<semaphore_mem>>
        %dma_start3A = arith.constant 0 : i32
        %dma_start3A_85 = tpu.memref_slice %arg10[%run_scoped3A_24, %dma_start3A] : memref<3x16xi32, #tpu.memory_space<vmem>> -> memref<1x16xi32, #tpu.memory_space<vmem>>
        %dma_start3A_86 = tpu.memref_squeeze %dma_start3A_85 : memref<1x16xi32, #tpu.memory_space<vmem>> -> memref<16xi32, #tpu.memory_space<vmem>>
        %dma_start3A_87 = arith.constant 0 : i32
        %dma_start3A_88 = tpu.memref_slice %arg4[%run_scoped3A_23, %while3A_15, %dma_start3A_87] : memref<3x256x16xi32, #tpu.memory_space<hbm>> -> memref<1x1x16xi32, #tpu.memory_space<hbm>>
        %dma_start3A_89 = tpu.memref_squeeze %dma_start3A_88 : memref<1x1x16xi32, #tpu.memory_space<hbm>> -> memref<16xi32, #tpu.memory_space<hbm>>
        %dma_start3A_90 = arith.constant 0 : i32
        %dma_start3A_91 = tpu.memref_slice %arg10[%run_scoped3A_24, %dma_start3A_90] : memref<3x16xi32, #tpu.memory_space<vmem>> -> memref<1x16xi32, #tpu.memory_space<vmem>>
        %dma_start3A_92 = tpu.memref_squeeze %dma_start3A_91 : memref<1x16xi32, #tpu.memory_space<vmem>> -> memref<16xi32, #tpu.memory_space<vmem>>
        %dma_start3A_93 = arith.constant 0 : i32
        %dma_start3A_94 = tpu.memref_slice %arg4[%run_scoped3A_23, %while3A_15, %dma_start3A_93] : memref<3x256x16xi32, #tpu.memory_space<hbm>> -> memref<1x1x16xi32, #tpu.memory_space<hbm>>
        %dma_start3A_95 = tpu.memref_squeeze %dma_start3A_94 : memref<1x1x16xi32, #tpu.memory_space<hbm>> -> memref<16xi32, #tpu.memory_space<hbm>>
        tpu.enqueue_dma source(%dma_start3A_95 : memref<16xi32, #tpu.memory_space<hbm>>) target(%dma_start3A_92 : memref<16xi32, #tpu.memory_space<vmem>>) target_semaphore(%run_scoped3A_84 : memref<!tpu.dma_semaphore, #tpu.memory_space<semaphore_mem>>)
        %dma_wait3A = arith.constant 0 : i32
        %dma_wait3A_96 = tpu.memref_slice %arg10[%run_scoped3A_24, %dma_wait3A] : memref<3x16xi32, #tpu.memory_space<vmem>> -> memref<1x16xi32, #tpu.memory_space<vmem>>
        %dma_wait3A_97 = tpu.memref_squeeze %dma_wait3A_96 : memref<1x16xi32, #tpu.memory_space<vmem>> -> memref<16xi32, #tpu.memory_space<vmem>>
        %dma_wait3A_98 = arith.constant 0 : i32
        %dma_wait3A_99 = tpu.memref_slice %arg4[%run_scoped3A_23, %while3A_15, %dma_wait3A_98] : memref<3x256x16xi32, #tpu.memory_space<hbm>> -> memref<1x1x16xi32, #tpu.memory_space<hbm>>
        %dma_wait3A_100 = tpu.memref_squeeze %dma_wait3A_99 : memref<1x1x16xi32, #tpu.memory_space<hbm>> -> memref<16xi32, #tpu.memory_space<hbm>>
        %dma_wait3A_101 = arith.constant 0 : i32
        %dma_wait3A_102 = tpu.memref_slice %arg10[%run_scoped3A_24, %dma_wait3A_101] : memref<3x16xi32, #tpu.memory_space<vmem>> -> memref<1x16xi32, #tpu.memory_space<vmem>>
        %dma_wait3A_103 = tpu.memref_squeeze %dma_wait3A_102 : memref<1x16xi32, #tpu.memory_space<vmem>> -> memref<16xi32, #tpu.memory_space<vmem>>
        %dma_wait3A_104 = arith.constant 0 : i32
        %dma_wait3A_105 = tpu.memref_slice %arg4[%run_scoped3A_23, %while3A_15, %dma_wait3A_104] : memref<3x256x16xi32, #tpu.memory_space<hbm>> -> memref<1x1x16xi32, #tpu.memory_space<hbm>>
        %dma_wait3A_106 = tpu.memref_squeeze %dma_wait3A_105 : memref<1x1x16xi32, #tpu.memory_space<hbm>> -> memref<16xi32, #tpu.memory_space<hbm>>
        tpu.wait_dma2 semaphore(%run_scoped3A_84 : memref<!tpu.dma_semaphore, #tpu.memory_space<semaphore_mem>>) src(%dma_wait3A_106 : memref<16xi32, #tpu.memory_space<hbm>>) dst(%dma_wait3A_103 : memref<16xi32, #tpu.memory_space<vmem>>)
        tpu.yield
      }) : () -> ()
      %run_scoped3A_25 = arith.constant 2 : i32
      %run_scoped3A_26 = arith.constant 2 : i32
      "tpu.region"() ({
        %run_scoped3A_84 = tpu.sem_alloc : memref<!tpu.dma_semaphore, #tpu.memory_space<semaphore_mem>>
        %dma_start3A = arith.constant 0 : i32
        %dma_start3A_85 = tpu.memref_slice %arg11[%run_scoped3A_26, %dma_start3A] : memref<4x16xf32, #tpu.memory_space<vmem>> -> memref<1x16xf32, #tpu.memory_space<vmem>>
        %dma_start3A_86 = tpu.memref_squeeze %dma_start3A_85 : memref<1x16xf32, #tpu.memory_space<vmem>> -> memref<16xf32, #tpu.memory_space<vmem>>
        %dma_start3A_87 = arith.constant 0 : i32
        %dma_start3A_88 = tpu.memref_slice %arg5[%run_scoped3A_25, %while3A_15, %dma_start3A_87] : memref<3x256x16xf32, #tpu.memory_space<hbm>> -> memref<1x1x16xf32, #tpu.memory_space<hbm>>
        %dma_start3A_89 = tpu.memref_squeeze %dma_start3A_88 : memref<1x1x16xf32, #tpu.memory_space<hbm>> -> memref<16xf32, #tpu.memory_space<hbm>>
        %dma_start3A_90 = arith.constant 0 : i32
        %dma_start3A_91 = tpu.memref_slice %arg11[%run_scoped3A_26, %dma_start3A_90] : memref<4x16xf32, #tpu.memory_space<vmem>> -> memref<1x16xf32, #tpu.memory_space<vmem>>
        %dma_start3A_92 = tpu.memref_squeeze %dma_start3A_91 : memref<1x16xf32, #tpu.memory_space<vmem>> -> memref<16xf32, #tpu.memory_space<vmem>>
        %dma_start3A_93 = arith.constant 0 : i32
        %dma_start3A_94 = tpu.memref_slice %arg5[%run_scoped3A_25, %while3A_15, %dma_start3A_93] : memref<3x256x16xf32, #tpu.memory_space<hbm>> -> memref<1x1x16xf32, #tpu.memory_space<hbm>>
        %dma_start3A_95 = tpu.memref_squeeze %dma_start3A_94 : memref<1x1x16xf32, #tpu.memory_space<hbm>> -> memref<16xf32, #tpu.memory_space<hbm>>
        tpu.enqueue_dma source(%dma_start3A_95 : memref<16xf32, #tpu.memory_space<hbm>>) target(%dma_start3A_92 : memref<16xf32, #tpu.memory_space<vmem>>) target_semaphore(%run_scoped3A_84 : memref<!tpu.dma_semaphore, #tpu.memory_space<semaphore_mem>>)
        %dma_wait3A = arith.constant 0 : i32
        %dma_wait3A_96 = tpu.memref_slice %arg11[%run_scoped3A_26, %dma_wait3A] : memref<4x16xf32, #tpu.memory_space<vmem>> -> memref<1x16xf32, #tpu.memory_space<vmem>>
        %dma_wait3A_97 = tpu.memref_squeeze %dma_wait3A_96 : memref<1x16xf32, #tpu.memory_space<vmem>> -> memref<16xf32, #tpu.memory_space<vmem>>
        %dma_wait3A_98 = arith.constant 0 : i32
        %dma_wait3A_99 = tpu.memref_slice %arg5[%run_scoped3A_25, %while3A_15, %dma_wait3A_98] : memref<3x256x16xf32, #tpu.memory_space<hbm>> -> memref<1x1x16xf32, #tpu.memory_space<hbm>>
        %dma_wait3A_100 = tpu.memref_squeeze %dma_wait3A_99 : memref<1x1x16xf32, #tpu.memory_space<hbm>> -> memref<16xf32, #tpu.memory_space<hbm>>
        %dma_wait3A_101 = arith.constant 0 : i32
        %dma_wait3A_102 = tpu.memref_slice %arg11[%run_scoped3A_26, %dma_wait3A_101] : memref<4x16xf32, #tpu.memory_space<vmem>> -> memref<1x16xf32, #tpu.memory_space<vmem>>
        %dma_wait3A_103 = tpu.memref_squeeze %dma_wait3A_102 : memref<1x16xf32, #tpu.memory_space<vmem>> -> memref<16xf32, #tpu.memory_space<vmem>>
        %dma_wait3A_104 = arith.constant 0 : i32
        %dma_wait3A_105 = tpu.memref_slice %arg5[%run_scoped3A_25, %while3A_15, %dma_wait3A_104] : memref<3x256x16xf32, #tpu.memory_space<hbm>> -> memref<1x1x16xf32, #tpu.memory_space<hbm>>
        %dma_wait3A_106 = tpu.memref_squeeze %dma_wait3A_105 : memref<1x1x16xf32, #tpu.memory_space<hbm>> -> memref<16xf32, #tpu.memory_space<hbm>>
        tpu.wait_dma2 semaphore(%run_scoped3A_84 : memref<!tpu.dma_semaphore, #tpu.memory_space<semaphore_mem>>) src(%dma_wait3A_106 : memref<16xf32, #tpu.memory_space<hbm>>) dst(%dma_wait3A_103 : memref<16xf32, #tpu.memory_space<vmem>>)
        tpu.yield
      }) : () -> ()
      %run_scoped3A_27 = arith.constant 3 : i32
      "tpu.region"() ({
        %run_scoped3A_84 = tpu.sem_alloc : memref<!tpu.dma_semaphore, #tpu.memory_space<semaphore_mem>>
        %dma_start3A = arith.constant 0 : i32
        %dma_start3A_85 = tpu.memref_slice %arg11[%run_scoped3A_27, %dma_start3A] : memref<4x16xf32, #tpu.memory_space<vmem>> -> memref<1x16xf32, #tpu.memory_space<vmem>>
        %dma_start3A_86 = tpu.memref_squeeze %dma_start3A_85 : memref<1x16xf32, #tpu.memory_space<vmem>> -> memref<16xf32, #tpu.memory_space<vmem>>
        %dma_start3A_87 = arith.constant 0 : i32
        %dma_start3A_88 = tpu.memref_slice %arg6[%while3A_15, %dma_start3A_87] : memref<256x16xf32, #tpu.memory_space<hbm>> -> memref<1x16xf32, #tpu.memory_space<hbm>>
        %dma_start3A_89 = tpu.memref_squeeze %dma_start3A_88 : memref<1x16xf32, #tpu.memory_space<hbm>> -> memref<16xf32, #tpu.memory_space<hbm>>
        %dma_start3A_90 = arith.constant 0 : i32
        %dma_start3A_91 = tpu.memref_slice %arg11[%run_scoped3A_27, %dma_start3A_90] : memref<4x16xf32, #tpu.memory_space<vmem>> -> memref<1x16xf32, #tpu.memory_space<vmem>>
        %dma_start3A_92 = tpu.memref_squeeze %dma_start3A_91 : memref<1x16xf32, #tpu.memory_space<vmem>> -> memref<16xf32, #tpu.memory_space<vmem>>
        %dma_start3A_93 = arith.constant 0 : i32
        %dma_start3A_94 = tpu.memref_slice %arg6[%while3A_15, %dma_start3A_93] : memref<256x16xf32, #tpu.memory_space<hbm>> -> memref<1x16xf32, #tpu.memory_space<hbm>>
        %dma_start3A_95 = tpu.memref_squeeze %dma_start3A_94 : memref<1x16xf32, #tpu.memory_space<hbm>> -> memref<16xf32, #tpu.memory_space<hbm>>
        tpu.enqueue_dma source(%dma_start3A_95 : memref<16xf32, #tpu.memory_space<hbm>>) target(%dma_start3A_92 : memref<16xf32, #tpu.memory_space<vmem>>) target_semaphore(%run_scoped3A_84 : memref<!tpu.dma_semaphore, #tpu.memory_space<semaphore_mem>>)
        %dma_wait3A = arith.constant 0 : i32
        %dma_wait3A_96 = tpu.memref_slice %arg11[%run_scoped3A_27, %dma_wait3A] : memref<4x16xf32, #tpu.memory_space<vmem>> -> memref<1x16xf32, #tpu.memory_space<vmem>>
        %dma_wait3A_97 = tpu.memref_squeeze %dma_wait3A_96 : memref<1x16xf32, #tpu.memory_space<vmem>> -> memref<16xf32, #tpu.memory_space<vmem>>
        %dma_wait3A_98 = arith.constant 0 : i32
        %dma_wait3A_99 = tpu.memref_slice %arg6[%while3A_15, %dma_wait3A_98] : memref<256x16xf32, #tpu.memory_space<hbm>> -> memref<1x16xf32, #tpu.memory_space<hbm>>
        %dma_wait3A_100 = tpu.memref_squeeze %dma_wait3A_99 : memref<1x16xf32, #tpu.memory_space<hbm>> -> memref<16xf32, #tpu.memory_space<hbm>>
        %dma_wait3A_101 = arith.constant 0 : i32
        %dma_wait3A_102 = tpu.memref_slice %arg11[%run_scoped3A_27, %dma_wait3A_101] : memref<4x16xf32, #tpu.memory_space<vmem>> -> memref<1x16xf32, #tpu.memory_space<vmem>>
        %dma_wait3A_103 = tpu.memref_squeeze %dma_wait3A_102 : memref<1x16xf32, #tpu.memory_space<vmem>> -> memref<16xf32, #tpu.memory_space<vmem>>
        %dma_wait3A_104 = arith.constant 0 : i32
        %dma_wait3A_105 = tpu.memref_slice %arg6[%while3A_15, %dma_wait3A_104] : memref<256x16xf32, #tpu.memory_space<hbm>> -> memref<1x16xf32, #tpu.memory_space<hbm>>
        %dma_wait3A_106 = tpu.memref_squeeze %dma_wait3A_105 : memref<1x16xf32, #tpu.memory_space<hbm>> -> memref<16xf32, #tpu.memory_space<hbm>>
        tpu.wait_dma2 semaphore(%run_scoped3A_84 : memref<!tpu.dma_semaphore, #tpu.memory_space<semaphore_mem>>) src(%dma_wait3A_106 : memref<16xf32, #tpu.memory_space<hbm>>) dst(%dma_wait3A_103 : memref<16xf32, #tpu.memory_space<vmem>>)
        tpu.yield
      }) : () -> ()
      %get3A = arith.constant 0 : i32
      %get3A_28 = arith.index_cast %get3A : i32 to index
      %get3A_29 = arith.constant 0 : index
      %get3A_30 = tpu.vector_load %arg10[%get3A_28, %get3A_29] {strides = array<i32>} : memref<3x16xi32, #tpu.memory_space<vmem>>, vector<16xi32>,
      %get3A_31 = arith.constant 1 : i32
      %get3A_32 = arith.index_cast %get3A_31 : i32 to index
      %get3A_33 = arith.constant 0 : index
      %get3A_34 = tpu.vector_load %arg10[%get3A_32, %get3A_33] {strides = array<i32>} : memref<3x16xi32, #tpu.memory_space<vmem>>, vector<16xi32>,
      %get3A_35 = arith.constant 2 : i32
      %get3A_36 = arith.index_cast %get3A_35 : i32 to index
      %get3A_37 = arith.constant 0 : index
      %get3A_38 = tpu.vector_load %arg10[%get3A_36, %get3A_37] {strides = array<i32>} : memref<3x16xi32, #tpu.memory_space<vmem>>, vector<16xi32>,
      %get3A_39 = arith.constant 0 : i32
      %get3A_40 = arith.index_cast %get3A_39 : i32 to index
      %get3A_41 = arith.constant 0 : index
      %get3A_42 = tpu.vector_load %arg11[%get3A_40, %get3A_41] {strides = array<i32>} : memref<4x16xf32, #tpu.memory_space<vmem>>, vector<16xf32>,
      %get3A_43 = arith.constant 1 : i32
      %get3A_44 = arith.index_cast %get3A_43 : i32 to index
      %get3A_45 = arith.constant 0 : index
      %get3A_46 = tpu.vector_load %arg11[%get3A_44, %get3A_45] {strides = array<i32>} : memref<4x16xf32, #tpu.memory_space<vmem>>, vector<16xf32>,
      %get3A_47 = arith.constant 2 : i32
      %get3A_48 = arith.index_cast %get3A_47 : i32 to index
      %get3A_49 = arith.constant 0 : index
      %get3A_50 = tpu.vector_load %arg11[%get3A_48, %get3A_49] {strides = array<i32>} : memref<4x16xf32, #tpu.memory_space<vmem>>, vector<16xf32>,
      %get3A_51 = arith.constant 3 : i32
      %get3A_52 = arith.index_cast %get3A_51 : i32 to index
      %get3A_53 = arith.constant 0 : index
      %get3A_54 = tpu.vector_load %arg11[%get3A_52, %get3A_53] {strides = array<i32>} : memref<4x16xf32, #tpu.memory_space<vmem>>, vector<16xf32>,
      %mul3A_55 = arith.constant 1 : i32
      %mul3A_56 = vector.broadcast %mul3A_55 : i32 to vector<16xi32>
      %mul3A_57 = arith.muli %mul3A_56, %get3A_30 : vector<16xi32>
      %mul3A_58 = arith.constant 2 : i32
      %mul3A_59 = vector.broadcast %mul3A_58 : i32 to vector<16xi32>
      %mul3A_60 = arith.muli %mul3A_59, %get3A_30 : vector<16xi32>
      %mul3A_61 = arith.constant 3 : i32
      %mul3A_62 = vector.broadcast %mul3A_61 : i32 to vector<16xi32>
      %mul3A_63 = arith.muli %mul3A_62, %get3A_30 : vector<16xi32>
      %mul3A_64 = arith.constant 1 : i32
      %mul3A_65 = vector.broadcast %mul3A_64 : i32 to vector<16xi32>
      %mul3A_66 = arith.muli %mul3A_65, %get3A_34 : vector<16xi32>
      %mul3A_67 = arith.constant 2 : i32
      %mul3A_68 = vector.broadcast %mul3A_67 : i32 to vector<16xi32>
      %mul3A_69 = arith.muli %mul3A_68, %get3A_34 : vector<16xi32>
      %mul3A_70 = arith.constant 3 : i32
      %mul3A_71 = vector.broadcast %mul3A_70 : i32 to vector<16xi32>
      %mul3A_72 = arith.muli %mul3A_71, %get3A_34 : vector<16xi32>
      %mul3A_73 = arith.constant 1 : i32
      %mul3A_74 = vector.broadcast %mul3A_73 : i32 to vector<16xi32>
      %mul3A_75 = arith.muli %mul3A_74, %get3A_38 : vector<16xi32>
      %mul3A_76 = arith.constant 2 : i32
      %mul3A_77 = vector.broadcast %mul3A_76 : i32 to vector<16xi32>
      %mul3A_78 = arith.muli %mul3A_77, %get3A_38 : vector<16xi32>
      %mul3A_79 = arith.constant 3 : i32
      %mul3A_80 = vector.broadcast %mul3A_79 : i32 to vector<16xi32>
      %mul3A_81 = arith.muli %mul3A_80, %get3A_38 : vector<16xi32>
      %parallel_loop3A = arith.constant 0 : i32
      %parallel_loop3A_82 = arith.constant 1024 : i32
      %parallel_loop3A_83 = arith.constant 1 : i32
      scf.for %parallel_loop3A_84 = %parallel_loop3A to %parallel_loop3A_82 step %parallel_loop3A_83  : i32 {
        %parallel_loop3A_85 = arith.constant 1536 : i32
        %parallel_loop3A_86 = arith.addi %parallel_loop3A_84, %parallel_loop3A_85 : i32
        %parallel_loop3A_87 = vector.broadcast %parallel_loop3A_86 : i32 to vector<16xi32>
        %parallel_loop3A_88 = arith.constant 0.000000e+00 : f32
        %parallel_loop3A_89 = vector.broadcast %parallel_loop3A_88 : f32 to vector<16xf32>
        %parallel_loop3A_90 = arith.subi %parallel_loop3A_87, %mul3A_57 : vector<16xi32>
        %parallel_loop3A_91 = tpu.vector_load_idx %arg8[%iota3A, %parallel_loop3A_90] : memref<16x4097xf32, #tpu.memory_space<vmem>>[vector<16xi32>, vector<16xi32>], vector<16xf32>,
        %parallel_loop3A_92 = arith.addi %parallel_loop3A_87, %mul3A_57 : vector<16xi32>
        %parallel_loop3A_93 = tpu.vector_load_idx %arg8[%iota3A, %parallel_loop3A_92] : memref<16x4097xf32, #tpu.memory_space<vmem>>[vector<16xi32>, vector<16xi32>], vector<16xf32>,
        %parallel_loop3A_94 = arith.addf %parallel_loop3A_91, %parallel_loop3A_93 : vector<16xf32>
        %parallel_loop3A_95 = arith.constant 0.241970718 : f32
        %parallel_loop3A_96 = vector.broadcast %parallel_loop3A_95 : f32 to vector<16xf32>
        %parallel_loop3A_97 = arith.mulf %parallel_loop3A_96, %parallel_loop3A_94 : vector<16xf32>
        %parallel_loop3A_98 = arith.addf %parallel_loop3A_89, %parallel_loop3A_97 : vector<16xf32>
        %parallel_loop3A_99 = arith.subi %parallel_loop3A_87, %mul3A_60 : vector<16xi32>
        %parallel_loop3A_100 = tpu.vector_load_idx %arg8[%iota3A, %parallel_loop3A_99] : memref<16x4097xf32, #tpu.memory_space<vmem>>[vector<16xi32>, vector<16xi32>], vector<16xf32>,
        %parallel_loop3A_101 = arith.addi %parallel_loop3A_87, %mul3A_60 : vector<16xi32>
        %parallel_loop3A_102 = tpu.vector_load_idx %arg8[%iota3A, %parallel_loop3A_101] : memref<16x4097xf32, #tpu.memory_space<vmem>>[vector<16xi32>, vector<16xi32>], vector<16xf32>,
        %parallel_loop3A_103 = arith.addf %parallel_loop3A_100, %parallel_loop3A_102 : vector<16xf32>
        %parallel_loop3A_104 = arith.constant 0.0539909676 : f32
        %parallel_loop3A_105 = vector.broadcast %parallel_loop3A_104 : f32 to vector<16xf32>
        %parallel_loop3A_106 = arith.mulf %parallel_loop3A_105, %parallel_loop3A_103 : vector<16xf32>
        %parallel_loop3A_107 = arith.addf %parallel_loop3A_98, %parallel_loop3A_106 : vector<16xf32>
        %parallel_loop3A_108 = arith.subi %parallel_loop3A_87, %mul3A_63 : vector<16xi32>
        %parallel_loop3A_109 = tpu.vector_load_idx %arg8[%iota3A, %parallel_loop3A_108] : memref<16x4097xf32, #tpu.memory_space<vmem>>[vector<16xi32>, vector<16xi32>], vector<16xf32>,
        %parallel_loop3A_110 = arith.addi %parallel_loop3A_87, %mul3A_63 : vector<16xi32>
        %parallel_loop3A_111 = tpu.vector_load_idx %arg8[%iota3A, %parallel_loop3A_110] : memref<16x4097xf32, #tpu.memory_space<vmem>>[vector<16xi32>, vector<16xi32>], vector<16xf32>,
        %parallel_loop3A_112 = arith.addf %parallel_loop3A_109, %parallel_loop3A_111 : vector<16xf32>
        %parallel_loop3A_113 = arith.constant 0.00443184841 : f32
        %parallel_loop3A_114 = vector.broadcast %parallel_loop3A_113 : f32 to vector<16xf32>
        %parallel_loop3A_115 = arith.mulf %parallel_loop3A_114, %parallel_loop3A_112 : vector<16xf32>
        %parallel_loop3A_116 = arith.addf %parallel_loop3A_107, %parallel_loop3A_115 : vector<16xf32>
        %parallel_loop3A_117 = arith.mulf %get3A_42, %parallel_loop3A_116 : vector<16xf32>
        %parallel_loop3A_118 = arith.addf %get3A_54, %parallel_loop3A_117 : vector<16xf32>
        %parallel_loop3A_119 = arith.constant 0.000000e+00 : f32
        %parallel_loop3A_120 = vector.broadcast %parallel_loop3A_119 : f32 to vector<16xf32>
        %parallel_loop3A_121 = arith.subi %parallel_loop3A_87, %mul3A_66 : vector<16xi32>
        %parallel_loop3A_122 = tpu.vector_load_idx %arg8[%iota3A, %parallel_loop3A_121] : memref<16x4097xf32, #tpu.memory_space<vmem>>[vector<16xi32>, vector<16xi32>], vector<16xf32>,
        %parallel_loop3A_123 = arith.addi %parallel_loop3A_87, %mul3A_66 : vector<16xi32>
        %parallel_loop3A_124 = tpu.vector_load_idx %arg8[%iota3A, %parallel_loop3A_123] : memref<16x4097xf32, #tpu.memory_space<vmem>>[vector<16xi32>, vector<16xi32>], vector<16xf32>,
        %parallel_loop3A_125 = arith.addf %parallel_loop3A_122, %parallel_loop3A_124 : vector<16xf32>
        %parallel_loop3A_126 = arith.constant 0.241970718 : f32
        %parallel_loop3A_127 = vector.broadcast %parallel_loop3A_126 : f32 to vector<16xf32>
        %parallel_loop3A_128 = arith.mulf %parallel_loop3A_127, %parallel_loop3A_125 : vector<16xf32>
        %parallel_loop3A_129 = arith.addf %parallel_loop3A_120, %parallel_loop3A_128 : vector<16xf32>
        %parallel_loop3A_130 = arith.subi %parallel_loop3A_87, %mul3A_69 : vector<16xi32>
        %parallel_loop3A_131 = tpu.vector_load_idx %arg8[%iota3A, %parallel_loop3A_130] : memref<16x4097xf32, #tpu.memory_space<vmem>>[vector<16xi32>, vector<16xi32>], vector<16xf32>,
        %parallel_loop3A_132 = arith.addi %parallel_loop3A_87, %mul3A_69 : vector<16xi32>
        %parallel_loop3A_133 = tpu.vector_load_idx %arg8[%iota3A, %parallel_loop3A_132] : memref<16x4097xf32, #tpu.memory_space<vmem>>[vector<16xi32>, vector<16xi32>], vector<16xf32>,
        %parallel_loop3A_134 = arith.addf %parallel_loop3A_131, %parallel_loop3A_133 : vector<16xf32>
        %parallel_loop3A_135 = arith.constant 0.0539909676 : f32
        %parallel_loop3A_136 = vector.broadcast %parallel_loop3A_135 : f32 to vector<16xf32>
        %parallel_loop3A_137 = arith.mulf %parallel_loop3A_136, %parallel_loop3A_134 : vector<16xf32>
        %parallel_loop3A_138 = arith.addf %parallel_loop3A_129, %parallel_loop3A_137 : vector<16xf32>
        %parallel_loop3A_139 = arith.subi %parallel_loop3A_87, %mul3A_72 : vector<16xi32>
        %parallel_loop3A_140 = tpu.vector_load_idx %arg8[%iota3A, %parallel_loop3A_139] : memref<16x4097xf32, #tpu.memory_space<vmem>>[vector<16xi32>, vector<16xi32>], vector<16xf32>,
        %parallel_loop3A_141 = arith.addi %parallel_loop3A_87, %mul3A_72 : vector<16xi32>
        %parallel_loop3A_142 = tpu.vector_load_idx %arg8[%iota3A, %parallel_loop3A_141] : memref<16x4097xf32, #tpu.memory_space<vmem>>[vector<16xi32>, vector<16xi32>], vector<16xf32>,
        %parallel_loop3A_143 = arith.addf %parallel_loop3A_140, %parallel_loop3A_142 : vector<16xf32>
        %parallel_loop3A_144 = arith.constant 0.00443184841 : f32
        %parallel_loop3A_145 = vector.broadcast %parallel_loop3A_144 : f32 to vector<16xf32>
        %parallel_loop3A_146 = arith.mulf %parallel_loop3A_145, %parallel_loop3A_143 : vector<16xf32>
        %parallel_loop3A_147 = arith.addf %parallel_loop3A_138, %parallel_loop3A_146 : vector<16xf32>
        %parallel_loop3A_148 = arith.mulf %get3A_46, %parallel_loop3A_147 : vector<16xf32>
        %parallel_loop3A_149 = arith.addf %parallel_loop3A_118, %parallel_loop3A_148 : vector<16xf32>
        %parallel_loop3A_150 = arith.constant 0.000000e+00 : f32
        %parallel_loop3A_151 = vector.broadcast %parallel_loop3A_150 : f32 to vector<16xf32>
        %parallel_loop3A_152 = arith.subi %parallel_loop3A_87, %mul3A_75 : vector<16xi32>
        %parallel_loop3A_153 = tpu.vector_load_idx %arg8[%iota3A, %parallel_loop3A_152] : memref<16x4097xf32, #tpu.memory_space<vmem>>[vector<16xi32>, vector<16xi32>], vector<16xf32>,
        %parallel_loop3A_154 = arith.addi %parallel_loop3A_87, %mul3A_75 : vector<16xi32>
        %parallel_loop3A_155 = tpu.vector_load_idx %arg8[%iota3A, %parallel_loop3A_154] : memref<16x4097xf32, #tpu.memory_space<vmem>>[vector<16xi32>, vector<16xi32>], vector<16xf32>,
        %parallel_loop3A_156 = arith.addf %parallel_loop3A_153, %parallel_loop3A_155 : vector<16xf32>
        %parallel_loop3A_157 = arith.constant 0.241970718 : f32
        %parallel_loop3A_158 = vector.broadcast %parallel_loop3A_157 : f32 to vector<16xf32>
        %parallel_loop3A_159 = arith.mulf %parallel_loop3A_158, %parallel_loop3A_156 : vector<16xf32>
        %parallel_loop3A_160 = arith.addf %parallel_loop3A_151, %parallel_loop3A_159 : vector<16xf32>
        %parallel_loop3A_161 = arith.subi %parallel_loop3A_87, %mul3A_78 : vector<16xi32>
        %parallel_loop3A_162 = tpu.vector_load_idx %arg8[%iota3A, %parallel_loop3A_161] : memref<16x4097xf32, #tpu.memory_space<vmem>>[vector<16xi32>, vector<16xi32>], vector<16xf32>,
        %parallel_loop3A_163 = arith.addi %parallel_loop3A_87, %mul3A_78 : vector<16xi32>
        %parallel_loop3A_164 = tpu.vector_load_idx %arg8[%iota3A, %parallel_loop3A_163] : memref<16x4097xf32, #tpu.memory_space<vmem>>[vector<16xi32>, vector<16xi32>], vector<16xf32>,
        %parallel_loop3A_165 = arith.addf %parallel_loop3A_162, %parallel_loop3A_164 : vector<16xf32>
        %parallel_loop3A_166 = arith.constant 0.0539909676 : f32
        %parallel_loop3A_167 = vector.broadcast %parallel_loop3A_166 : f32 to vector<16xf32>
        %parallel_loop3A_168 = arith.mulf %parallel_loop3A_167, %parallel_loop3A_165 : vector<16xf32>
        %parallel_loop3A_169 = arith.addf %parallel_loop3A_160, %parallel_loop3A_168 : vector<16xf32>
        %parallel_loop3A_170 = arith.subi %parallel_loop3A_87, %mul3A_81 : vector<16xi32>
        %parallel_loop3A_171 = tpu.vector_load_idx %arg8[%iota3A, %parallel_loop3A_170] : memref<16x4097xf32, #tpu.memory_space<vmem>>[vector<16xi32>, vector<16xi32>], vector<16xf32>,
        %parallel_loop3A_172 = arith.addi %parallel_loop3A_87, %mul3A_81 : vector<16xi32>
        %parallel_loop3A_173 = tpu.vector_load_idx %arg8[%iota3A, %parallel_loop3A_172] : memref<16x4097xf32, #tpu.memory_space<vmem>>[vector<16xi32>, vector<16xi32>], vector<16xf32>,
        %parallel_loop3A_174 = arith.addf %parallel_loop3A_171, %parallel_loop3A_173 : vector<16xf32>
        %parallel_loop3A_175 = arith.constant 0.00443184841 : f32
        %parallel_loop3A_176 = vector.broadcast %parallel_loop3A_175 : f32 to vector<16xf32>
        %parallel_loop3A_177 = arith.mulf %parallel_loop3A_176, %parallel_loop3A_174 : vector<16xf32>
        %parallel_loop3A_178 = arith.addf %parallel_loop3A_169, %parallel_loop3A_177 : vector<16xf32>
        %parallel_loop3A_179 = arith.mulf %get3A_50, %parallel_loop3A_178 : vector<16xf32>
        %parallel_loop3A_180 = arith.addf %parallel_loop3A_149, %parallel_loop3A_179 : vector<16xf32>
        %parallel_loop3A_181 = vector.broadcast %parallel_loop3A_84 : i32 to vector<16xi32>
        tpu.vector_store_idx %arg9[%parallel_loop3A_181, %iota3A], %parallel_loop3A_180 : memref<1024x16xf32, #tpu.memory_space<vmem>>[vector<16xi32>, vector<16xi32>], vector<16xf32>,
      } {sc.loop_unroll_factor = 4 : i64, sc.parallel_access}
      "tpu.region"() ({
        %run_scoped3A_84 = tpu.sem_alloc : memref<!tpu.dma_semaphore, #tpu.memory_space<semaphore_mem>>
        %dma_start3A = arith.constant 0 : i32
        %dma_start3A_85 = arith.constant 0 : i32
        %dma_start3A_86 = tpu.memref_slice %arg7[%while3A_15, %dma_start3A, %dma_start3A_85] : memref<256x1024x16xf32, #tpu.memory_space<hbm>> -> memref<1x1024x16xf32, #tpu.memory_space<hbm>>
        %dma_start3A_87 = tpu.memref_squeeze %dma_start3A_86 : memref<1x1024x16xf32, #tpu.memory_space<hbm>> -> memref<1024x16xf32, #tpu.memory_space<hbm>>
        %dma_start3A_88 = arith.constant 0 : i32
        %dma_start3A_89 = arith.constant 0 : i32
        %dma_start3A_90 = tpu.memref_slice %arg7[%while3A_15, %dma_start3A_88, %dma_start3A_89] : memref<256x1024x16xf32, #tpu.memory_space<hbm>> -> memref<1x1024x16xf32, #tpu.memory_space<hbm>>
        %dma_start3A_91 = tpu.memref_squeeze %dma_start3A_90 : memref<1x1024x16xf32, #tpu.memory_space<hbm>> -> memref<1024x16xf32, #tpu.memory_space<hbm>>
        tpu.enqueue_dma source(%arg9 : memref<1024x16xf32, #tpu.memory_space<vmem>>) target(%dma_start3A_91 : memref<1024x16xf32, #tpu.memory_space<hbm>>) target_semaphore(%run_scoped3A_84 : memref<!tpu.dma_semaphore, #tpu.memory_space<semaphore_mem>>)
        %dma_wait3A = arith.constant 0 : i32
        %dma_wait3A_92 = arith.constant 0 : i32
        %dma_wait3A_93 = tpu.memref_slice %arg7[%while3A_15, %dma_wait3A, %dma_wait3A_92] : memref<256x1024x16xf32, #tpu.memory_space<hbm>> -> memref<1x1024x16xf32, #tpu.memory_space<hbm>>
        %dma_wait3A_94 = tpu.memref_squeeze %dma_wait3A_93 : memref<1x1024x16xf32, #tpu.memory_space<hbm>> -> memref<1024x16xf32, #tpu.memory_space<hbm>>
        %dma_wait3A_95 = arith.constant 0 : i32
        %dma_wait3A_96 = arith.constant 0 : i32
        %dma_wait3A_97 = tpu.memref_slice %arg7[%while3A_15, %dma_wait3A_95, %dma_wait3A_96] : memref<256x1024x16xf32, #tpu.memory_space<hbm>> -> memref<1x1024x16xf32, #tpu.memory_space<hbm>>
        %dma_wait3A_98 = tpu.memref_squeeze %dma_wait3A_97 : memref<1x1024x16xf32, #tpu.memory_space<hbm>> -> memref<1024x16xf32, #tpu.memory_space<hbm>>
        tpu.wait_dma2 semaphore(%run_scoped3A_84 : memref<!tpu.dma_semaphore, #tpu.memory_space<semaphore_mem>>) src(%arg9 : memref<1024x16xf32, #tpu.memory_space<vmem>>) dst(%dma_wait3A_98 : memref<1024x16xf32, #tpu.memory_space<hbm>>)
        tpu.yield
      }) : () -> ()
    }
    return
  }
}

module attributes {stable_mosaic.version = 14 : i64} {
  func.func @_k1_body(%arg0: i32, %arg1: memref<1x1024x64xf32, #tpu.memory_space<vmem>>, %arg2: memref<1x1024x64xf32, #tpu.memory_space<vmem>>, %arg3: memref<512x1024xf32, #tpu.memory_space<vmem>>, %arg4: memref<512x1024xf32, #tpu.memory_space<vmem>>, %arg5: memref<1024x8xf32, #tpu.memory_space<vmem>>, %arg6: memref<128x16xf32, #tpu.memory_space<vmem>>, %arg7: memref<1x16xf32, #tpu.memory_space<vmem>>, %arg8: memref<16x16xf32, #tpu.memory_space<vmem>>, %arg9: memref<1x16xf32, #tpu.memory_space<vmem>>, %arg10: memref<16x64xf32, #tpu.memory_space<vmem>>, %arg11: memref<1024x8xf32, #tpu.memory_space<vmem>>, %arg12: memref<128x16xf32, #tpu.memory_space<vmem>>, %arg13: memref<1x16xf32, #tpu.memory_space<vmem>>, %arg14: memref<16x16xf32, #tpu.memory_space<vmem>>, %arg15: memref<1x16xf32, #tpu.memory_space<vmem>>, %arg16: memref<16x64xf32, #tpu.memory_space<vmem>>, %arg17: memref<1024x8xf32, #tpu.memory_space<vmem>>, %arg18: memref<1x1x192xf32, #tpu.memory_space<vmem>>, %arg19: memref<1x1x192xf32, #tpu.memory_space<vmem>>, %arg20: memref<1x1x192xf32, #tpu.memory_space<vmem>>) attributes {dimension_semantics = [#tpu.dimension_semantics<arbitrary>], iteration_bounds = array<i64: 64>, scalar_prefetch = 0 : i64, scratch_operands = 0 : i64, tpu.core_type = #tpu.core_type<tc>, window_params = [{transform_indices = @transform_0, window_bounds = array<i64: 1, 1024, 64>}, {transform_indices = @transform_1, window_bounds = array<i64: 1, 1024, 64>}, {pipeline_mode = #tpu.pipeline_mode<synchronous>, transform_indices = @transform_2, window_bounds = array<i64: 512, 1024>}, {pipeline_mode = #tpu.pipeline_mode<synchronous>, transform_indices = @transform_3, window_bounds = array<i64: 512, 1024>}, {pipeline_mode = #tpu.pipeline_mode<synchronous>, transform_indices = @transform_4, window_bounds = array<i64: 1024, 8>}, {pipeline_mode = #tpu.pipeline_mode<synchronous>, transform_indices = @transform_5, window_bounds = array<i64: 128, 16>}, {pipeline_mode = #tpu.pipeline_mode<synchronous>, transform_indices = @transform_6, window_bounds = array<i64: 1, 16>}, {pipeline_mode = #tpu.pipeline_mode<synchronous>, transform_indices = @transform_7, window_bounds = array<i64: 16, 16>}, {pipeline_mode = #tpu.pipeline_mode<synchronous>, transform_indices = @transform_8, window_bounds = array<i64: 1, 16>}, {pipeline_mode = #tpu.pipeline_mode<synchronous>, transform_indices = @transform_9, window_bounds = array<i64: 16, 64>}, {pipeline_mode = #tpu.pipeline_mode<synchronous>, transform_indices = @transform_10, window_bounds = array<i64: 1024, 8>}, {pipeline_mode = #tpu.pipeline_mode<synchronous>, transform_indices = @transform_11, window_bounds = array<i64: 128, 16>}, {pipeline_mode = #tpu.pipeline_mode<synchronous>, transform_indices = @transform_12, window_bounds = array<i64: 1, 16>}, {pipeline_mode = #tpu.pipeline_mode<synchronous>, transform_indices = @transform_13, window_bounds = array<i64: 16, 16>}, {pipeline_mode = #tpu.pipeline_mode<synchronous>, transform_indices = @transform_14, window_bounds = array<i64: 1, 16>}, {pipeline_mode = #tpu.pipeline_mode<synchronous>, transform_indices = @transform_15, window_bounds = array<i64: 16, 64>}, {pipeline_mode = #tpu.pipeline_mode<synchronous>, transform_indices = @transform_16, window_bounds = array<i64: 1024, 8>}, {transform_indices = @transform_17, window_bounds = array<i64: 1, 1, 192>}, {transform_indices = @transform_18, window_bounds = array<i64: 1, 1, 192>}, {transform_indices = @transform_19, window_bounds = array<i64: 1, 1, 192>}]} {
    %get3A = arith.constant 0 : index
    %get3A_0 = arith.constant 0 : index
    %get3A_1 = arith.constant 0 : index
    %get3A_2 = vector.load %arg1[%get3A, %get3A_0, %get3A_1] : memref<1x1024x64xf32, #tpu.memory_space<vmem>>, vector<1x1024x64xf32>
    %get3A_3 = vector.shape_cast %get3A_2 : vector<1x1024x64xf32> to vector<1024x64xf32>
    %get3A_4 = arith.constant 0 : index
    %get3A_5 = arith.constant 0 : index
    %get3A_6 = arith.constant 0 : index
    %get3A_7 = vector.load %arg2[%get3A_4, %get3A_5, %get3A_6] : memref<1x1024x64xf32, #tpu.memory_space<vmem>>, vector<1x1024x64xf32>
    %get3A_8 = vector.shape_cast %get3A_7 : vector<1x1024x64xf32> to vector<1024x64xf32>
    %mul3A = arith.mulf %get3A_3, %get3A_3 : vector<1024x64xf32>
    %reduce_sum3A = arith.constant dense<0.000000e+00> : vector<64xf32>
    %reduce_sum3A_9 = vector.multi_reduction <add>, %mul3A, %reduce_sum3A [0] : vector<1024x64xf32> to vector<64xf32>
    %broadcast_in_dim3A = vector.shape_cast %reduce_sum3A_9 : vector<64xf32> to vector<1x64xf32>
    %sqrt3A = math.sqrt %broadcast_in_dim3A : vector<1x64xf32>
    %max3A = arith.constant 9.99999996E-13 : f32
    %max3A_10 = vector.broadcast %max3A : f32 to vector<1x64xf32>
    %max3A_11 = arith.maximumf %sqrt3A, %max3A_10 : vector<1x64xf32>
    %div3A = vector.broadcast %max3A_11 : vector<1x64xf32> to vector<1024x64xf32>
    %div3A_12 = arith.divf %get3A_3, %div3A : vector<1024x64xf32>
    %mul3A_13 = arith.mulf %get3A_8, %get3A_8 : vector<1024x64xf32>
    %reduce_sum3A_14 = arith.constant dense<0.000000e+00> : vector<64xf32>
    %reduce_sum3A_15 = vector.multi_reduction <add>, %mul3A_13, %reduce_sum3A_14 [0] : vector<1024x64xf32> to vector<64xf32>
    %broadcast_in_dim3A_16 = vector.shape_cast %reduce_sum3A_15 : vector<64xf32> to vector<1x64xf32>
    %sqrt3A_17 = math.sqrt %broadcast_in_dim3A_16 : vector<1x64xf32>
    %max3A_18 = arith.constant 9.99999996E-13 : f32
    %max3A_19 = vector.broadcast %max3A_18 : f32 to vector<1x64xf32>
    %max3A_20 = arith.maximumf %sqrt3A_17, %max3A_19 : vector<1x64xf32>
    %div3A_21 = vector.broadcast %max3A_20 : vector<1x64xf32> to vector<1024x64xf32>
    %div3A_22 = arith.divf %get3A_8, %div3A_21 : vector<1024x64xf32>
    %get3A_23 = arith.constant 0 : index
    %get3A_24 = arith.constant 0 : index
    %get3A_25 = vector.load %arg3[%get3A_23, %get3A_24] : memref<512x1024xf32, #tpu.memory_space<vmem>>, vector<512x1024xf32>
    %dot_general3A = arith.constant dense<0.000000e+00> : vector<512x64xf32>
    %dot_general3A_26 = tpu.matmul %get3A_25, %get3A_8, %dot_general3A {dimension_numbers = #tpu.dot_dimension_numbers<[1], [0], [0], [1], [0, 0, 1, 1], [], []>, precision = #tpu.contract_precision<fp32>, transpose_lhs_hint = false} : vector<512x1024xf32>, vector<1024x64xf32>, vector<512x64xf32> -> vector<512x64xf32>
    %get3A_27 = arith.constant 0 : index
    %get3A_28 = arith.constant 0 : index
    %get3A_29 = vector.load %arg4[%get3A_27, %get3A_28] : memref<512x1024xf32, #tpu.memory_space<vmem>>, vector<512x1024xf32>
    %dot_general3A_30 = arith.constant dense<0.000000e+00> : vector<512x64xf32>
    %dot_general3A_31 = tpu.matmul %get3A_29, %get3A_8, %dot_general3A_30 {dimension_numbers = #tpu.dot_dimension_numbers<[1], [0], [0], [1], [0, 0, 1, 1], [], []>, precision = #tpu.contract_precision<fp32>, transpose_lhs_hint = false} : vector<512x1024xf32>, vector<1024x64xf32>, vector<512x64xf32> -> vector<512x64xf32>
    %mul3A_32 = arith.mulf %dot_general3A_26, %dot_general3A_26 : vector<512x64xf32>
    %mul3A_33 = arith.mulf %dot_general3A_31, %dot_general3A_31 : vector<512x64xf32>
    %add3A = arith.addf %mul3A_32, %mul3A_33 : vector<512x64xf32>
    %sqrt3A_34 = math.sqrt %add3A : vector<512x64xf32>
    %iota3A = tpu.iota {dimensions = array<i32: 0>} : vector<512x64xi32>
    %reduce_max3A = arith.constant dense<0xFF800000> : vector<64xf32>
    %reduce_max3A_35 = vector.multi_reduction <maximumf>, %sqrt3A_34, %reduce_max3A [0] : vector<512x64xf32> to vector<64xf32>
    %broadcast_in_dim3A_36 = vector.shape_cast %reduce_max3A_35 : vector<64xf32> to vector<1x64xf32>
    %eq3A = vector.broadcast %broadcast_in_dim3A_36 : vector<1x64xf32> to vector<512x64xf32>
    %eq3A_37 = arith.cmpf oeq, %sqrt3A_34, %eq3A : vector<512x64xf32>
    %jit3A = arith.constant 512 : i32
    %broadcast_in_dim3A_38 = vector.broadcast %jit3A : i32 to vector<512x64xi32>
    %select_n3A = arith.select %eq3A_37, %iota3A, %broadcast_in_dim3A_38 : vector<512x64xi1>, vector<512x64xi32>
    %reduce_min3A = arith.constant dense<2147483647> : vector<64xi32>
    %reduce_min3A_39 = vector.multi_reduction <minsi>, %select_n3A, %reduce_min3A [0] : vector<512x64xi32> to vector<64xi32>
    %broadcast_in_dim3A_40 = vector.shape_cast %reduce_min3A_39 : vector<64xi32> to vector<1x64xi32>
    %eq3A_41 = vector.broadcast %broadcast_in_dim3A_40 : vector<1x64xi32> to vector<512x64xi32>
    %eq3A_42 = arith.cmpi eq, %iota3A, %eq3A_41 : vector<512x64xi32>
    %jit3A_43 = arith.constant -1.000000e+00 : f32
    %broadcast_in_dim3A_44 = vector.broadcast %jit3A_43 : f32 to vector<512x64xf32>
    %select_n3A_45 = arith.select %eq3A_42, %broadcast_in_dim3A_44, %sqrt3A_34 : vector<512x64xi1>, vector<512x64xf32>
    %reduce_max3A_46 = arith.constant dense<0xFF800000> : vector<64xf32>
    %reduce_max3A_47 = vector.multi_reduction <maximumf>, %select_n3A_45, %reduce_max3A_46 [0] : vector<512x64xf32> to vector<64xf32>
    %broadcast_in_dim3A_48 = vector.shape_cast %reduce_max3A_47 : vector<64xf32> to vector<1x64xf32>
    %eq3A_49 = vector.broadcast %broadcast_in_dim3A_48 : vector<1x64xf32> to vector<512x64xf32>
    %eq3A_50 = arith.cmpf oeq, %select_n3A_45, %eq3A_49 : vector<512x64xf32>
    %jit3A_51 = arith.constant 512 : i32
    %broadcast_in_dim3A_52 = vector.broadcast %jit3A_51 : i32 to vector<512x64xi32>
    %select_n3A_53 = arith.select %eq3A_50, %iota3A, %broadcast_in_dim3A_52 : vector<512x64xi1>, vector<512x64xi32>
    %reduce_min3A_54 = arith.constant dense<2147483647> : vector<64xi32>
    %reduce_min3A_55 = vector.multi_reduction <minsi>, %select_n3A_53, %reduce_min3A_54 [0] : vector<512x64xi32> to vector<64xi32>
    %broadcast_in_dim3A_56 = vector.shape_cast %reduce_min3A_55 : vector<64xi32> to vector<1x64xi32>
    %eq3A_57 = vector.broadcast %broadcast_in_dim3A_56 : vector<1x64xi32> to vector<512x64xi32>
    %eq3A_58 = arith.cmpi eq, %iota3A, %eq3A_57 : vector<512x64xi32>
    %jit3A_59 = arith.constant -1.000000e+00 : f32
    %broadcast_in_dim3A_60 = vector.broadcast %jit3A_59 : f32 to vector<512x64xf32>
    %select_n3A_61 = arith.select %eq3A_58, %broadcast_in_dim3A_60, %select_n3A_45 : vector<512x64xi1>, vector<512x64xf32>
    %reduce_max3A_62 = arith.constant dense<0xFF800000> : vector<64xf32>
    %reduce_max3A_63 = vector.multi_reduction <maximumf>, %select_n3A_61, %reduce_max3A_62 [0] : vector<512x64xf32> to vector<64xf32>
    %broadcast_in_dim3A_64 = vector.shape_cast %reduce_max3A_63 : vector<64xf32> to vector<1x64xf32>
    %eq3A_65 = vector.broadcast %broadcast_in_dim3A_64 : vector<1x64xf32> to vector<512x64xf32>
    %eq3A_66 = arith.cmpf oeq, %select_n3A_61, %eq3A_65 : vector<512x64xf32>
    %jit3A_67 = arith.constant 512 : i32
    %broadcast_in_dim3A_68 = vector.broadcast %jit3A_67 : i32 to vector<512x64xi32>
    %select_n3A_69 = arith.select %eq3A_66, %iota3A, %broadcast_in_dim3A_68 : vector<512x64xi1>, vector<512x64xi32>
    %reduce_min3A_70 = arith.constant dense<2147483647> : vector<64xi32>
    %reduce_min3A_71 = vector.multi_reduction <minsi>, %select_n3A_69, %reduce_min3A_70 [0] : vector<512x64xi32> to vector<64xi32>
    %broadcast_in_dim3A_72 = vector.shape_cast %reduce_min3A_71 : vector<64xi32> to vector<1x64xi32>
    %add3A_73 = arith.addf %broadcast_in_dim3A_36, %broadcast_in_dim3A_48 : vector<1x64xf32>
    %add3A_74 = arith.addf %add3A_73, %broadcast_in_dim3A_64 : vector<1x64xf32>
    %add3A_75 = arith.constant 9.99999974E-6 : f32
    %add3A_76 = vector.broadcast %add3A_75 : f32 to vector<1x64xf32>
    %add3A_77 = arith.addf %add3A_74, %add3A_76 : vector<1x64xf32>
    %convert_element_type3A = arith.sitofp %broadcast_in_dim3A_40 : vector<1x64xi32> to vector<1x64xf32>
    %le3A = arith.constant 1 : i32
    %le3A_78 = vector.broadcast %le3A : i32 to vector<1x64xi32>
    %le3A_79 = arith.cmpi sle, %broadcast_in_dim3A_40, %le3A_78 : vector<1x64xi32>
    %div3A_80 = arith.constant 1.024000e+03 : f32
    %div3A_81 = vector.broadcast %div3A_80 : f32 to vector<1x64xf32>
    %div3A_82 = arith.divf %div3A_81, %convert_element_type3A : vector<1x64xf32>
    %round3A = math.roundeven %div3A_82 : vector<1x64xf32>
    %jit3A_83 = arith.constant 1.000000e+00 : f32
    %broadcast_in_dim3A_84 = vector.broadcast %jit3A_83 : f32 to vector<1x64xf32>
    %select_n3A_85 = arith.select %le3A_79, %broadcast_in_dim3A_84, %round3A : vector<1x64xi1>, vector<1x64xf32>
    %convert_element_type3A_86 = arith.sitofp %broadcast_in_dim3A_56 : vector<1x64xi32> to vector<1x64xf32>
    %le3A_87 = arith.constant 1 : i32
    %le3A_88 = vector.broadcast %le3A_87 : i32 to vector<1x64xi32>
    %le3A_89 = arith.cmpi sle, %broadcast_in_dim3A_56, %le3A_88 : vector<1x64xi32>
    %div3A_90 = arith.constant 1.024000e+03 : f32
    %div3A_91 = vector.broadcast %div3A_90 : f32 to vector<1x64xf32>
    %div3A_92 = arith.divf %div3A_91, %convert_element_type3A_86 : vector<1x64xf32>
    %round3A_93 = math.roundeven %div3A_92 : vector<1x64xf32>
    %jit3A_94 = arith.constant 1.000000e+00 : f32
    %broadcast_in_dim3A_95 = vector.broadcast %jit3A_94 : f32 to vector<1x64xf32>
    %select_n3A_96 = arith.select %le3A_89, %broadcast_in_dim3A_95, %round3A_93 : vector<1x64xi1>, vector<1x64xf32>
    %convert_element_type3A_97 = arith.sitofp %broadcast_in_dim3A_72 : vector<1x64xi32> to vector<1x64xf32>
    %le3A_98 = arith.constant 1 : i32
    %le3A_99 = vector.broadcast %le3A_98 : i32 to vector<1x64xi32>
    %le3A_100 = arith.cmpi sle, %broadcast_in_dim3A_72, %le3A_99 : vector<1x64xi32>
    %div3A_101 = arith.constant 1.024000e+03 : f32
    %div3A_102 = vector.broadcast %div3A_101 : f32 to vector<1x64xf32>
    %div3A_103 = arith.divf %div3A_102, %convert_element_type3A_97 : vector<1x64xf32>
    %round3A_104 = math.roundeven %div3A_103 : vector<1x64xf32>
    %jit3A_105 = arith.constant 1.000000e+00 : f32
    %broadcast_in_dim3A_106 = vector.broadcast %jit3A_105 : f32 to vector<1x64xf32>
    %select_n3A_107 = arith.select %le3A_100, %broadcast_in_dim3A_106, %round3A_104 : vector<1x64xi1>, vector<1x64xf32>
    %div3A_108 = arith.divf %broadcast_in_dim3A_36, %add3A_77 : vector<1x64xf32>
    %div3A_109 = arith.divf %broadcast_in_dim3A_48, %add3A_77 : vector<1x64xf32>
    %div3A_110 = arith.divf %broadcast_in_dim3A_64, %add3A_77 : vector<1x64xf32>
    %get3A_111 = arith.constant 0 : index
    %get3A_112 = arith.constant 0 : index
    %get3A_113 = vector.load %arg5[%get3A_111, %get3A_112] : memref<1024x8xf32, #tpu.memory_space<vmem>>, vector<1024x8xf32>
    %slice3A = vector.extract_strided_slice %get3A_113 {offsets = [0, 0], sizes = [1024, 1], strides = [1, 1]} : vector<1024x8xf32> to vector<1024x1xf32>
    %mul3A_114 = vector.broadcast %slice3A : vector<1024x1xf32> to vector<1024x64xf32>
    %mul3A_115 = arith.mulf %div3A_12, %mul3A_114 : vector<1024x64xf32>
    %reduce_sum3A_116 = arith.constant dense<0.000000e+00> : vector<64xf32>
    %reduce_sum3A_117 = vector.multi_reduction <add>, %mul3A_115, %reduce_sum3A_116 [0] : vector<1024x64xf32> to vector<64xf32>
    %broadcast_in_dim3A_118 = vector.shape_cast %reduce_sum3A_117 : vector<64xf32> to vector<1x64xf32>
    %slice3A_119 = vector.extract_strided_slice %get3A_113 {offsets = [0, 1], sizes = [1024, 1], strides = [1, 1]} : vector<1024x8xf32> to vector<1024x1xf32>
    %mul3A_120 = vector.broadcast %slice3A_119 : vector<1024x1xf32> to vector<1024x64xf32>
    %mul3A_121 = arith.mulf %div3A_12, %mul3A_120 : vector<1024x64xf32>
    %reduce_sum3A_122 = arith.constant dense<0.000000e+00> : vector<64xf32>
    %reduce_sum3A_123 = vector.multi_reduction <add>, %mul3A_121, %reduce_sum3A_122 [0] : vector<1024x64xf32> to vector<64xf32>
    %broadcast_in_dim3A_124 = vector.shape_cast %reduce_sum3A_123 : vector<64xf32> to vector<1x64xf32>
    %slice3A_125 = vector.extract_strided_slice %get3A_113 {offsets = [0, 2], sizes = [1024, 1], strides = [1, 1]} : vector<1024x8xf32> to vector<1024x1xf32>
    %mul3A_126 = vector.broadcast %slice3A_125 : vector<1024x1xf32> to vector<1024x64xf32>
    %mul3A_127 = arith.mulf %div3A_12, %mul3A_126 : vector<1024x64xf32>
    %reduce_sum3A_128 = arith.constant dense<0.000000e+00> : vector<64xf32>
    %reduce_sum3A_129 = vector.multi_reduction <add>, %mul3A_127, %reduce_sum3A_128 [0] : vector<1024x64xf32> to vector<64xf32>
    %broadcast_in_dim3A_130 = vector.shape_cast %reduce_sum3A_129 : vector<64xf32> to vector<1x64xf32>
    %slice3A_131 = vector.extract_strided_slice %broadcast_in_dim3A_118 {offsets = [0, 63], sizes = [1, 1], strides = [1, 1]} : vector<1x64xf32> to vector<1x1xf32>
    %slice3A_132 = vector.extract_strided_slice %broadcast_in_dim3A_118 {offsets = [0, 0], sizes = [1, 63], strides = [1, 1]} : vector<1x64xf32> to vector<1x63xf32>
    %concatenate3A = tpu.concatenate %slice3A_131, %slice3A_132 in 1 : vector<1x1xf32>, vector<1x63xf32> -> vector<1x64xf32>
    %add3A_133 = arith.addf %concatenate3A, %broadcast_in_dim3A_124 : vector<1x64xf32>
    %slice3A_134 = vector.extract_strided_slice %broadcast_in_dim3A_130 {offsets = [0, 1], sizes = [1, 63], strides = [1, 1]} : vector<1x64xf32> to vector<1x63xf32>
    %slice3A_135 = vector.extract_strided_slice %broadcast_in_dim3A_130 {offsets = [0, 0], sizes = [1, 1], strides = [1, 1]} : vector<1x64xf32> to vector<1x1xf32>
    %concatenate3A_136 = tpu.concatenate %slice3A_134, %slice3A_135 in 1 : vector<1x63xf32>, vector<1x1xf32> -> vector<1x64xf32>
    %add3A_137 = arith.addf %add3A_133, %concatenate3A_136 : vector<1x64xf32>
    %get3A_138 = arith.constant 0 : index
    %get3A_139 = arith.constant 0 : index
    %get3A_140 = vector.load %arg11[%get3A_138, %get3A_139] : memref<1024x8xf32, #tpu.memory_space<vmem>>, vector<1024x8xf32>
    %slice3A_141 = vector.extract_strided_slice %get3A_140 {offsets = [0, 0], sizes = [1024, 1], strides = [1, 1]} : vector<1024x8xf32> to vector<1024x1xf32>
    %mul3A_142 = vector.broadcast %slice3A_141 : vector<1024x1xf32> to vector<1024x64xf32>
    %mul3A_143 = arith.mulf %div3A_22, %mul3A_142 : vector<1024x64xf32>
    %reduce_sum3A_144 = arith.constant dense<0.000000e+00> : vector<64xf32>
    %reduce_sum3A_145 = vector.multi_reduction <add>, %mul3A_143, %reduce_sum3A_144 [0] : vector<1024x64xf32> to vector<64xf32>
    %broadcast_in_dim3A_146 = vector.shape_cast %reduce_sum3A_145 : vector<64xf32> to vector<1x64xf32>
    %slice3A_147 = vector.extract_strided_slice %get3A_140 {offsets = [0, 1], sizes = [1024, 1], strides = [1, 1]} : vector<1024x8xf32> to vector<1024x1xf32>
    %mul3A_148 = vector.broadcast %slice3A_147 : vector<1024x1xf32> to vector<1024x64xf32>
    %mul3A_149 = arith.mulf %div3A_22, %mul3A_148 : vector<1024x64xf32>
    %reduce_sum3A_150 = arith.constant dense<0.000000e+00> : vector<64xf32>
    %reduce_sum3A_151 = vector.multi_reduction <add>, %mul3A_149, %reduce_sum3A_150 [0] : vector<1024x64xf32> to vector<64xf32>
    %broadcast_in_dim3A_152 = vector.shape_cast %reduce_sum3A_151 : vector<64xf32> to vector<1x64xf32>
    %slice3A_153 = vector.extract_strided_slice %get3A_140 {offsets = [0, 2], sizes = [1024, 1], strides = [1, 1]} : vector<1024x8xf32> to vector<1024x1xf32>
    %mul3A_154 = vector.broadcast %slice3A_153 : vector<1024x1xf32> to vector<1024x64xf32>
    %mul3A_155 = arith.mulf %div3A_22, %mul3A_154 : vector<1024x64xf32>
    %reduce_sum3A_156 = arith.constant dense<0.000000e+00> : vector<64xf32>
    %reduce_sum3A_157 = vector.multi_reduction <add>, %mul3A_155, %reduce_sum3A_156 [0] : vector<1024x64xf32> to vector<64xf32>
    %broadcast_in_dim3A_158 = vector.shape_cast %reduce_sum3A_157 : vector<64xf32> to vector<1x64xf32>
    %slice3A_159 = vector.extract_strided_slice %broadcast_in_dim3A_146 {offsets = [0, 63], sizes = [1, 1], strides = [1, 1]} : vector<1x64xf32> to vector<1x1xf32>
    %slice3A_160 = vector.extract_strided_slice %broadcast_in_dim3A_146 {offsets = [0, 0], sizes = [1, 63], strides = [1, 1]} : vector<1x64xf32> to vector<1x63xf32>
    %concatenate3A_161 = tpu.concatenate %slice3A_159, %slice3A_160 in 1 : vector<1x1xf32>, vector<1x63xf32> -> vector<1x64xf32>
    %add3A_162 = arith.addf %concatenate3A_161, %broadcast_in_dim3A_152 : vector<1x64xf32>
    %slice3A_163 = vector.extract_strided_slice %broadcast_in_dim3A_158 {offsets = [0, 1], sizes = [1, 63], strides = [1, 1]} : vector<1x64xf32> to vector<1x63xf32>
    %slice3A_164 = vector.extract_strided_slice %broadcast_in_dim3A_158 {offsets = [0, 0], sizes = [1, 1], strides = [1, 1]} : vector<1x64xf32> to vector<1x1xf32>
    %concatenate3A_165 = tpu.concatenate %slice3A_163, %slice3A_164 in 1 : vector<1x63xf32>, vector<1x1xf32> -> vector<1x64xf32>
    %add3A_166 = arith.addf %add3A_162, %concatenate3A_165 : vector<1x64xf32>
    %get3A_167 = arith.constant 0 : index
    %get3A_168 = arith.constant 0 : index
    %get3A_169 = vector.load %arg17[%get3A_167, %get3A_168] : memref<1024x8xf32, #tpu.memory_space<vmem>>, vector<1024x8xf32>
    %slice3A_170 = vector.extract_strided_slice %get3A_169 {offsets = [0, 0], sizes = [1024, 1], strides = [1, 1]} : vector<1024x8xf32> to vector<1024x1xf32>
    %mul3A_171 = vector.broadcast %slice3A_170 : vector<1024x1xf32> to vector<1024x64xf32>
    %mul3A_172 = arith.mulf %div3A_22, %mul3A_171 : vector<1024x64xf32>
    %reduce_sum3A_173 = arith.constant dense<0.000000e+00> : vector<64xf32>
    %reduce_sum3A_174 = vector.multi_reduction <add>, %mul3A_172, %reduce_sum3A_173 [0] : vector<1024x64xf32> to vector<64xf32>
    %broadcast_in_dim3A_175 = vector.shape_cast %reduce_sum3A_174 : vector<64xf32> to vector<1x64xf32>
    %slice3A_176 = vector.extract_strided_slice %get3A_169 {offsets = [0, 1], sizes = [1024, 1], strides = [1, 1]} : vector<1024x8xf32> to vector<1024x1xf32>
    %mul3A_177 = vector.broadcast %slice3A_176 : vector<1024x1xf32> to vector<1024x64xf32>
    %mul3A_178 = arith.mulf %div3A_22, %mul3A_177 : vector<1024x64xf32>
    %reduce_sum3A_179 = arith.constant dense<0.000000e+00> : vector<64xf32>
    %reduce_sum3A_180 = vector.multi_reduction <add>, %mul3A_178, %reduce_sum3A_179 [0] : vector<1024x64xf32> to vector<64xf32>
    %broadcast_in_dim3A_181 = vector.shape_cast %reduce_sum3A_180 : vector<64xf32> to vector<1x64xf32>
    %slice3A_182 = vector.extract_strided_slice %get3A_169 {offsets = [0, 2], sizes = [1024, 1], strides = [1, 1]} : vector<1024x8xf32> to vector<1024x1xf32>
    %mul3A_183 = vector.broadcast %slice3A_182 : vector<1024x1xf32> to vector<1024x64xf32>
    %mul3A_184 = arith.mulf %div3A_22, %mul3A_183 : vector<1024x64xf32>
    %reduce_sum3A_185 = arith.constant dense<0.000000e+00> : vector<64xf32>
    %reduce_sum3A_186 = vector.multi_reduction <add>, %mul3A_184, %reduce_sum3A_185 [0] : vector<1024x64xf32> to vector<64xf32>
    %broadcast_in_dim3A_187 = vector.shape_cast %reduce_sum3A_186 : vector<64xf32> to vector<1x64xf32>
    %slice3A_188 = vector.extract_strided_slice %broadcast_in_dim3A_175 {offsets = [0, 63], sizes = [1, 1], strides = [1, 1]} : vector<1x64xf32> to vector<1x1xf32>
    %slice3A_189 = vector.extract_strided_slice %broadcast_in_dim3A_175 {offsets = [0, 0], sizes = [1, 63], strides = [1, 1]} : vector<1x64xf32> to vector<1x63xf32>
    %concatenate3A_190 = tpu.concatenate %slice3A_188, %slice3A_189 in 1 : vector<1x1xf32>, vector<1x63xf32> -> vector<1x64xf32>
    %add3A_191 = arith.addf %concatenate3A_190, %broadcast_in_dim3A_181 : vector<1x64xf32>
    %slice3A_192 = vector.extract_strided_slice %broadcast_in_dim3A_187 {offsets = [0, 1], sizes = [1, 63], strides = [1, 1]} : vector<1x64xf32> to vector<1x63xf32>
    %slice3A_193 = vector.extract_strided_slice %broadcast_in_dim3A_187 {offsets = [0, 0], sizes = [1, 1], strides = [1, 1]} : vector<1x64xf32> to vector<1x1xf32>
    %concatenate3A_194 = tpu.concatenate %slice3A_192, %slice3A_193 in 1 : vector<1x63xf32>, vector<1x1xf32> -> vector<1x64xf32>
    %add3A_195 = arith.addf %add3A_191, %concatenate3A_194 : vector<1x64xf32>
    %broadcast_in_dim3A_196 = arith.constant 1.000000e+00 : f32
    %broadcast_in_dim3A_197 = vector.broadcast %broadcast_in_dim3A_196 : f32 to vector<1x64xf32>
    %concatenate3A_198 = tpu.concatenate %add3A_137, %broadcast_in_dim3A_197 in 1 : vector<1x64xf32>, vector<1x64xf32> -> vector<1x128xf32>
    %get3A_199 = arith.constant 0 : index
    %get3A_200 = arith.constant 0 : index
    %get3A_201 = vector.load %arg6[%get3A_199, %get3A_200] : memref<128x16xf32, #tpu.memory_space<vmem>>, vector<128x16xf32>
    %get3A_202 = arith.constant 0 : index
    %get3A_203 = arith.constant 0 : index
    %get3A_204 = vector.load %arg7[%get3A_202, %get3A_203] : memref<1x16xf32, #tpu.memory_space<vmem>>, vector<1x16xf32>
    %get3A_205 = arith.constant 0 : index
    %get3A_206 = arith.constant 0 : index
    %get3A_207 = vector.load %arg8[%get3A_205, %get3A_206] : memref<16x16xf32, #tpu.memory_space<vmem>>, vector<16x16xf32>
    %get3A_208 = arith.constant 0 : index
    %get3A_209 = arith.constant 0 : index
    %get3A_210 = vector.load %arg9[%get3A_208, %get3A_209] : memref<1x16xf32, #tpu.memory_space<vmem>>, vector<1x16xf32>
    %get3A_211 = arith.constant 0 : index
    %get3A_212 = arith.constant 0 : index
    %get3A_213 = vector.load %arg10[%get3A_211, %get3A_212] : memref<16x64xf32, #tpu.memory_space<vmem>>, vector<16x64xf32>
    %dot_general3A_214 = arith.constant dense<0.000000e+00> : vector<1x16xf32>
    %dot_general3A_215 = tpu.matmul %concatenate3A_198, %get3A_201, %dot_general3A_214 {dimension_numbers = #tpu.dot_dimension_numbers<[1], [0], [0], [1], [0, 0, 1, 1], [], []>, transpose_lhs_hint = false} : vector<1x128xf32>, vector<128x16xf32>, vector<1x16xf32> -> vector<1x16xf32>
    %add3A_216 = arith.addf %dot_general3A_215, %get3A_204 : vector<1x16xf32>
    %max3A_217 = arith.constant 0.000000e+00 : f32
    %max3A_218 = vector.broadcast %max3A_217 : f32 to vector<1x16xf32>
    %max3A_219 = arith.maximumf %add3A_216, %max3A_218 : vector<1x16xf32>
    %dot_general3A_220 = arith.constant dense<0.000000e+00> : vector<1x16xf32>
    %dot_general3A_221 = tpu.matmul %max3A_219, %get3A_207, %dot_general3A_220 {dimension_numbers = #tpu.dot_dimension_numbers<[1], [0], [0], [1], [0, 0, 1, 1], [], []>, transpose_lhs_hint = false} : vector<1x16xf32>, vector<16x16xf32>, vector<1x16xf32> -> vector<1x16xf32>
    %add3A_222 = arith.addf %dot_general3A_221, %get3A_210 : vector<1x16xf32>
    %max3A_223 = arith.constant 0.000000e+00 : f32
    %max3A_224 = vector.broadcast %max3A_223 : f32 to vector<1x16xf32>
    %max3A_225 = arith.maximumf %add3A_222, %max3A_224 : vector<1x16xf32>
    %dot_general3A_226 = arith.constant dense<0.000000e+00> : vector<1x64xf32>
    %dot_general3A_227 = tpu.matmul %max3A_225, %get3A_213, %dot_general3A_226 {dimension_numbers = #tpu.dot_dimension_numbers<[1], [0], [0], [1], [0, 0, 1, 1], [], []>, transpose_lhs_hint = false} : vector<1x16xf32>, vector<16x64xf32>, vector<1x64xf32> -> vector<1x64xf32>
    %tanh3A = math.tanh %dot_general3A_227 : vector<1x64xf32>
    %exp3A = math.exp %tanh3A : vector<1x64xf32>
    %concatenate3A_228 = tpu.concatenate %add3A_166, %select_n3A_85 in 1 : vector<1x64xf32>, vector<1x64xf32> -> vector<1x128xf32>
    %get3A_229 = arith.constant 0 : index
    %get3A_230 = arith.constant 0 : index
    %get3A_231 = vector.load %arg12[%get3A_229, %get3A_230] : memref<128x16xf32, #tpu.memory_space<vmem>>, vector<128x16xf32>
    %get3A_232 = arith.constant 0 : index
    %get3A_233 = arith.constant 0 : index
    %get3A_234 = vector.load %arg13[%get3A_232, %get3A_233] : memref<1x16xf32, #tpu.memory_space<vmem>>, vector<1x16xf32>
    %get3A_235 = arith.constant 0 : index
    %get3A_236 = arith.constant 0 : index
    %get3A_237 = vector.load %arg14[%get3A_235, %get3A_236] : memref<16x16xf32, #tpu.memory_space<vmem>>, vector<16x16xf32>
    %get3A_238 = arith.constant 0 : index
    %get3A_239 = arith.constant 0 : index
    %get3A_240 = vector.load %arg15[%get3A_238, %get3A_239] : memref<1x16xf32, #tpu.memory_space<vmem>>, vector<1x16xf32>
    %get3A_241 = arith.constant 0 : index
    %get3A_242 = arith.constant 0 : index
    %get3A_243 = vector.load %arg16[%get3A_241, %get3A_242] : memref<16x64xf32, #tpu.memory_space<vmem>>, vector<16x64xf32>
    %dot_general3A_244 = arith.constant dense<0.000000e+00> : vector<1x16xf32>
    %dot_general3A_245 = tpu.matmul %concatenate3A_228, %get3A_231, %dot_general3A_244 {dimension_numbers = #tpu.dot_dimension_numbers<[1], [0], [0], [1], [0, 0, 1, 1], [], []>, transpose_lhs_hint = false} : vector<1x128xf32>, vector<128x16xf32>, vector<1x16xf32> -> vector<1x16xf32>
    %add3A_246 = arith.addf %dot_general3A_245, %get3A_234 : vector<1x16xf32>
    %max3A_247 = arith.constant 0.000000e+00 : f32
    %max3A_248 = vector.broadcast %max3A_247 : f32 to vector<1x16xf32>
    %max3A_249 = arith.maximumf %add3A_246, %max3A_248 : vector<1x16xf32>
    %dot_general3A_250 = arith.constant dense<0.000000e+00> : vector<1x16xf32>
    %dot_general3A_251 = tpu.matmul %max3A_249, %get3A_237, %dot_general3A_250 {dimension_numbers = #tpu.dot_dimension_numbers<[1], [0], [0], [1], [0, 0, 1, 1], [], []>, transpose_lhs_hint = false} : vector<1x16xf32>, vector<16x16xf32>, vector<1x16xf32> -> vector<1x16xf32>
    %add3A_252 = arith.addf %dot_general3A_251, %get3A_240 : vector<1x16xf32>
    %max3A_253 = arith.constant 0.000000e+00 : f32
    %max3A_254 = vector.broadcast %max3A_253 : f32 to vector<1x16xf32>
    %max3A_255 = arith.maximumf %add3A_252, %max3A_254 : vector<1x16xf32>
    %dot_general3A_256 = arith.constant dense<0.000000e+00> : vector<1x64xf32>
    %dot_general3A_257 = tpu.matmul %max3A_255, %get3A_243, %dot_general3A_256 {dimension_numbers = #tpu.dot_dimension_numbers<[1], [0], [0], [1], [0, 0, 1, 1], [], []>, transpose_lhs_hint = false} : vector<1x16xf32>, vector<16x64xf32>, vector<1x64xf32> -> vector<1x64xf32>
    %tanh3A_258 = math.tanh %dot_general3A_257 : vector<1x64xf32>
    %exp3A_259 = math.exp %tanh3A_258 : vector<1x64xf32>
    %mul3A_260 = arith.mulf %div3A_108, %exp3A_259 : vector<1x64xf32>
    %concatenate3A_261 = tpu.concatenate %add3A_166, %select_n3A_96 in 1 : vector<1x64xf32>, vector<1x64xf32> -> vector<1x128xf32>
    %get3A_262 = arith.constant 0 : index
    %get3A_263 = arith.constant 0 : index
    %get3A_264 = vector.load %arg12[%get3A_262, %get3A_263] : memref<128x16xf32, #tpu.memory_space<vmem>>, vector<128x16xf32>
    %get3A_265 = arith.constant 0 : index
    %get3A_266 = arith.constant 0 : index
    %get3A_267 = vector.load %arg13[%get3A_265, %get3A_266] : memref<1x16xf32, #tpu.memory_space<vmem>>, vector<1x16xf32>
    %get3A_268 = arith.constant 0 : index
    %get3A_269 = arith.constant 0 : index
    %get3A_270 = vector.load %arg14[%get3A_268, %get3A_269] : memref<16x16xf32, #tpu.memory_space<vmem>>, vector<16x16xf32>
    %get3A_271 = arith.constant 0 : index
    %get3A_272 = arith.constant 0 : index
    %get3A_273 = vector.load %arg15[%get3A_271, %get3A_272] : memref<1x16xf32, #tpu.memory_space<vmem>>, vector<1x16xf32>
    %get3A_274 = arith.constant 0 : index
    %get3A_275 = arith.constant 0 : index
    %get3A_276 = vector.load %arg16[%get3A_274, %get3A_275] : memref<16x64xf32, #tpu.memory_space<vmem>>, vector<16x64xf32>
    %dot_general3A_277 = arith.constant dense<0.000000e+00> : vector<1x16xf32>
    %dot_general3A_278 = tpu.matmul %concatenate3A_261, %get3A_264, %dot_general3A_277 {dimension_numbers = #tpu.dot_dimension_numbers<[1], [0], [0], [1], [0, 0, 1, 1], [], []>, transpose_lhs_hint = false} : vector<1x128xf32>, vector<128x16xf32>, vector<1x16xf32> -> vector<1x16xf32>
    %add3A_279 = arith.addf %dot_general3A_278, %get3A_267 : vector<1x16xf32>
    %max3A_280 = arith.constant 0.000000e+00 : f32
    %max3A_281 = vector.broadcast %max3A_280 : f32 to vector<1x16xf32>
    %max3A_282 = arith.maximumf %add3A_279, %max3A_281 : vector<1x16xf32>
    %dot_general3A_283 = arith.constant dense<0.000000e+00> : vector<1x16xf32>
    %dot_general3A_284 = tpu.matmul %max3A_282, %get3A_270, %dot_general3A_283 {dimension_numbers = #tpu.dot_dimension_numbers<[1], [0], [0], [1], [0, 0, 1, 1], [], []>, transpose_lhs_hint = false} : vector<1x16xf32>, vector<16x16xf32>, vector<1x16xf32> -> vector<1x16xf32>
    %add3A_285 = arith.addf %dot_general3A_284, %get3A_273 : vector<1x16xf32>
    %max3A_286 = arith.constant 0.000000e+00 : f32
    %max3A_287 = vector.broadcast %max3A_286 : f32 to vector<1x16xf32>
    %max3A_288 = arith.maximumf %add3A_285, %max3A_287 : vector<1x16xf32>
    %dot_general3A_289 = arith.constant dense<0.000000e+00> : vector<1x64xf32>
    %dot_general3A_290 = tpu.matmul %max3A_288, %get3A_276, %dot_general3A_289 {dimension_numbers = #tpu.dot_dimension_numbers<[1], [0], [0], [1], [0, 0, 1, 1], [], []>, transpose_lhs_hint = false} : vector<1x16xf32>, vector<16x64xf32>, vector<1x64xf32> -> vector<1x64xf32>
    %tanh3A_291 = math.tanh %dot_general3A_290 : vector<1x64xf32>
    %exp3A_292 = math.exp %tanh3A_291 : vector<1x64xf32>
    %mul3A_293 = arith.mulf %div3A_109, %exp3A_292 : vector<1x64xf32>
    %concatenate3A_294 = tpu.concatenate %add3A_166, %select_n3A_107 in 1 : vector<1x64xf32>, vector<1x64xf32> -> vector<1x128xf32>
    %get3A_295 = arith.constant 0 : index
    %get3A_296 = arith.constant 0 : index
    %get3A_297 = vector.load %arg12[%get3A_295, %get3A_296] : memref<128x16xf32, #tpu.memory_space<vmem>>, vector<128x16xf32>
    %get3A_298 = arith.constant 0 : index
    %get3A_299 = arith.constant 0 : index
    %get3A_300 = vector.load %arg13[%get3A_298, %get3A_299] : memref<1x16xf32, #tpu.memory_space<vmem>>, vector<1x16xf32>
    %get3A_301 = arith.constant 0 : index
    %get3A_302 = arith.constant 0 : index
    %get3A_303 = vector.load %arg14[%get3A_301, %get3A_302] : memref<16x16xf32, #tpu.memory_space<vmem>>, vector<16x16xf32>
    %get3A_304 = arith.constant 0 : index
    %get3A_305 = arith.constant 0 : index
    %get3A_306 = vector.load %arg15[%get3A_304, %get3A_305] : memref<1x16xf32, #tpu.memory_space<vmem>>, vector<1x16xf32>
    %get3A_307 = arith.constant 0 : index
    %get3A_308 = arith.constant 0 : index
    %get3A_309 = vector.load %arg16[%get3A_307, %get3A_308] : memref<16x64xf32, #tpu.memory_space<vmem>>, vector<16x64xf32>
    %dot_general3A_310 = arith.constant dense<0.000000e+00> : vector<1x16xf32>
    %dot_general3A_311 = tpu.matmul %concatenate3A_294, %get3A_297, %dot_general3A_310 {dimension_numbers = #tpu.dot_dimension_numbers<[1], [0], [0], [1], [0, 0, 1, 1], [], []>, transpose_lhs_hint = false} : vector<1x128xf32>, vector<128x16xf32>, vector<1x16xf32> -> vector<1x16xf32>
    %add3A_312 = arith.addf %dot_general3A_311, %get3A_300 : vector<1x16xf32>
    %max3A_313 = arith.constant 0.000000e+00 : f32
    %max3A_314 = vector.broadcast %max3A_313 : f32 to vector<1x16xf32>
    %max3A_315 = arith.maximumf %add3A_312, %max3A_314 : vector<1x16xf32>
    %dot_general3A_316 = arith.constant dense<0.000000e+00> : vector<1x16xf32>
    %dot_general3A_317 = tpu.matmul %max3A_315, %get3A_303, %dot_general3A_316 {dimension_numbers = #tpu.dot_dimension_numbers<[1], [0], [0], [1], [0, 0, 1, 1], [], []>, transpose_lhs_hint = false} : vector<1x16xf32>, vector<16x16xf32>, vector<1x16xf32> -> vector<1x16xf32>
    %add3A_318 = arith.addf %dot_general3A_317, %get3A_306 : vector<1x16xf32>
    %max3A_319 = arith.constant 0.000000e+00 : f32
    %max3A_320 = vector.broadcast %max3A_319 : f32 to vector<1x16xf32>
    %max3A_321 = arith.maximumf %add3A_318, %max3A_320 : vector<1x16xf32>
    %dot_general3A_322 = arith.constant dense<0.000000e+00> : vector<1x64xf32>
    %dot_general3A_323 = tpu.matmul %max3A_321, %get3A_309, %dot_general3A_322 {dimension_numbers = #tpu.dot_dimension_numbers<[1], [0], [0], [1], [0, 0, 1, 1], [], []>, transpose_lhs_hint = false} : vector<1x16xf32>, vector<16x64xf32>, vector<1x64xf32> -> vector<1x64xf32>
    %tanh3A_324 = math.tanh %dot_general3A_323 : vector<1x64xf32>
    %exp3A_325 = math.exp %tanh3A_324 : vector<1x64xf32>
    %mul3A_326 = arith.mulf %div3A_110, %exp3A_325 : vector<1x64xf32>
    %add3A_327 = arith.addf %div3A_108, %div3A_109 : vector<1x64xf32>
    %add3A_328 = arith.addf %add3A_327, %div3A_110 : vector<1x64xf32>
    %concatenate3A_329 = tpu.concatenate %select_n3A_85, %select_n3A_96, %select_n3A_107 in 1 : vector<1x64xf32>, vector<1x64xf32>, vector<1x64xf32> -> vector<1x192xf32>
    %swap3A = arith.constant 0 : index
    %swap3A_330 = arith.constant 0 : index
    %swap3A_331 = arith.constant 0 : index
    %swap3A_332 = vector.load %arg18[%swap3A, %swap3A_330, %swap3A_331] : memref<1x1x192xf32, #tpu.memory_space<vmem>>, vector<1x1x192xf32>
    %swap3A_333 = vector.shape_cast %swap3A_332 : vector<1x1x192xf32> to vector<1x192xf32>
    %swap3A_334 = vector.shape_cast %concatenate3A_329 : vector<1x192xf32> to vector<1x1x192xf32>
    tpu.vector_store %arg18[%swap3A, %swap3A_330, %swap3A_331], %swap3A_334 {strides = array<i32>} : memref<1x1x192xf32, #tpu.memory_space<vmem>>, vector<1x1x192xf32>,
    %concatenate3A_335 = tpu.concatenate %mul3A_260, %mul3A_293, %mul3A_326 in 1 : vector<1x64xf32>, vector<1x64xf32>, vector<1x64xf32> -> vector<1x192xf32>
    %swap3A_336 = arith.constant 0 : index
    %swap3A_337 = arith.constant 0 : index
    %swap3A_338 = arith.constant 0 : index
    %swap3A_339 = vector.load %arg19[%swap3A_336, %swap3A_337, %swap3A_338] : memref<1x1x192xf32, #tpu.memory_space<vmem>>, vector<1x1x192xf32>
    %swap3A_340 = vector.shape_cast %swap3A_339 : vector<1x1x192xf32> to vector<1x192xf32>
    %swap3A_341 = vector.shape_cast %concatenate3A_335 : vector<1x192xf32> to vector<1x1x192xf32>
    tpu.vector_store %arg19[%swap3A_336, %swap3A_337, %swap3A_338], %swap3A_341 {strides = array<i32>} : memref<1x1x192xf32, #tpu.memory_space<vmem>>, vector<1x1x192xf32>,
    %concatenate3A_342 = tpu.concatenate %add3A_328, %exp3A, %add3A_195 in 1 : vector<1x64xf32>, vector<1x64xf32>, vector<1x64xf32> -> vector<1x192xf32>
    %swap3A_343 = arith.constant 0 : index
    %swap3A_344 = arith.constant 0 : index
    %swap3A_345 = arith.constant 0 : index
    %swap3A_346 = vector.load %arg20[%swap3A_343, %swap3A_344, %swap3A_345] : memref<1x1x192xf32, #tpu.memory_space<vmem>>, vector<1x1x192xf32>
    %swap3A_347 = vector.shape_cast %swap3A_346 : vector<1x1x192xf32> to vector<1x192xf32>
    %swap3A_348 = vector.shape_cast %concatenate3A_342 : vector<1x192xf32> to vector<1x1x192xf32>
    tpu.vector_store %arg20[%swap3A_343, %swap3A_344, %swap3A_345], %swap3A_348 {strides = array<i32>} : memref<1x1x192xf32, #tpu.memory_space<vmem>>, vector<1x1x192xf32>,
    return
  }
  func.func @transform_0(%arg0: i32) -> (i32, i32, i32) {
    %c0_i32 = arith.constant 0 : i32
    %c0_i32_0 = arith.constant 0 : i32
    %c0_i32_1 = arith.constant 0 : i32
    return %arg0, %c0_i32, %c0_i32_0 : i32, i32, i32
  }
  func.func @transform_1(%arg0: i32) -> (i32, i32, i32) {
    %c0_i32 = arith.constant 0 : i32
    %c0_i32_0 = arith.constant 0 : i32
    %c0_i32_1 = arith.constant 0 : i32
    return %arg0, %c0_i32, %c0_i32_0 : i32, i32, i32
  }
  func.func @transform_2(%arg0: i32) -> (i32, i32) {
    %c0_i32 = arith.constant 0 : i32
    %c0_i32_0 = arith.constant 0 : i32
    %c0_i32_1 = arith.constant 0 : i32
    return %c0_i32, %c0_i32_0 : i32, i32
  }
  func.func @transform_3(%arg0: i32) -> (i32, i32) {
    %c0_i32 = arith.constant 0 : i32
    %c0_i32_0 = arith.constant 0 : i32
    %c0_i32_1 = arith.constant 0 : i32
    return %c0_i32, %c0_i32_0 : i32, i32
  }
  func.func @transform_4(%arg0: i32) -> (i32, i32) {
    %c0_i32 = arith.constant 0 : i32
    %c0_i32_0 = arith.constant 0 : i32
    %c0_i32_1 = arith.constant 0 : i32
    return %c0_i32, %c0_i32_0 : i32, i32
  }
  func.func @transform_5(%arg0: i32) -> (i32, i32) {
    %c0_i32 = arith.constant 0 : i32
    %c0_i32_0 = arith.constant 0 : i32
    %c0_i32_1 = arith.constant 0 : i32
    return %c0_i32, %c0_i32_0 : i32, i32
  }
  func.func @transform_6(%arg0: i32) -> (i32, i32) {
    %c0_i32 = arith.constant 0 : i32
    %c0_i32_0 = arith.constant 0 : i32
    %c0_i32_1 = arith.constant 0 : i32
    return %c0_i32, %c0_i32_0 : i32, i32
  }
  func.func @transform_7(%arg0: i32) -> (i32, i32) {
    %c0_i32 = arith.constant 0 : i32
    %c0_i32_0 = arith.constant 0 : i32
    %c0_i32_1 = arith.constant 0 : i32
    return %c0_i32, %c0_i32_0 : i32, i32
  }
  func.func @transform_8(%arg0: i32) -> (i32, i32) {
    %c0_i32 = arith.constant 0 : i32
    %c0_i32_0 = arith.constant 0 : i32
    %c0_i32_1 = arith.constant 0 : i32
    return %c0_i32, %c0_i32_0 : i32, i32
  }
  func.func @transform_9(%arg0: i32) -> (i32, i32) {
    %c0_i32 = arith.constant 0 : i32
    %c0_i32_0 = arith.constant 0 : i32
    %c0_i32_1 = arith.constant 0 : i32
    return %c0_i32, %c0_i32_0 : i32, i32
  }
  func.func @transform_10(%arg0: i32) -> (i32, i32) {
    %c0_i32 = arith.constant 0 : i32
    %c0_i32_0 = arith.constant 0 : i32
    %c0_i32_1 = arith.constant 0 : i32
    return %c0_i32, %c0_i32_0 : i32, i32
  }
  func.func @transform_11(%arg0: i32) -> (i32, i32) {
    %c0_i32 = arith.constant 0 : i32
    %c0_i32_0 = arith.constant 0 : i32
    %c0_i32_1 = arith.constant 0 : i32
    return %c0_i32, %c0_i32_0 : i32, i32
  }
  func.func @transform_12(%arg0: i32) -> (i32, i32) {
    %c0_i32 = arith.constant 0 : i32
    %c0_i32_0 = arith.constant 0 : i32
    %c0_i32_1 = arith.constant 0 : i32
    return %c0_i32, %c0_i32_0 : i32, i32
  }
  func.func @transform_13(%arg0: i32) -> (i32, i32) {
    %c0_i32 = arith.constant 0 : i32
    %c0_i32_0 = arith.constant 0 : i32
    %c0_i32_1 = arith.constant 0 : i32
    return %c0_i32, %c0_i32_0 : i32, i32
  }
  func.func @transform_14(%arg0: i32) -> (i32, i32) {
    %c0_i32 = arith.constant 0 : i32
    %c0_i32_0 = arith.constant 0 : i32
    %c0_i32_1 = arith.constant 0 : i32
    return %c0_i32, %c0_i32_0 : i32, i32
  }
  func.func @transform_15(%arg0: i32) -> (i32, i32) {
    %c0_i32 = arith.constant 0 : i32
    %c0_i32_0 = arith.constant 0 : i32
    %c0_i32_1 = arith.constant 0 : i32
    return %c0_i32, %c0_i32_0 : i32, i32
  }
  func.func @transform_16(%arg0: i32) -> (i32, i32) {
    %c0_i32 = arith.constant 0 : i32
    %c0_i32_0 = arith.constant 0 : i32
    %c0_i32_1 = arith.constant 0 : i32
    return %c0_i32, %c0_i32_0 : i32, i32
  }
  func.func @transform_17(%arg0: i32) -> (i32, i32, i32) {
    %c0_i32 = arith.constant 0 : i32
    %c0_i32_0 = arith.constant 0 : i32
    %c0_i32_1 = arith.constant 0 : i32
    return %arg0, %c0_i32, %c0_i32_0 : i32, i32, i32
  }
  func.func @transform_18(%arg0: i32) -> (i32, i32, i32) {
    %c0_i32 = arith.constant 0 : i32
    %c0_i32_0 = arith.constant 0 : i32
    %c0_i32_1 = arith.constant 0 : i32
    return %arg0, %c0_i32, %c0_i32_0 : i32, i32, i32
  }
  func.func @transform_19(%arg0: i32) -> (i32, i32, i32) {
    %c0_i32 = arith.constant 0 : i32
    %c0_i32_0 = arith.constant 0 : i32
    %c0_i32_1 = arith.constant 0 : i32
    return %arg0, %c0_i32, %c0_i32_0 : i32, i32, i32
  }
}

module attributes {stable_mosaic.version = 14 : i64} {
  func.func @_k3_body(%arg0: i32, %arg1: memref<1x1024x64xf32, #tpu.memory_space<vmem>>, %arg2: memref<1x1024x64xf32, #tpu.memory_space<vmem>>, %arg3: memref<1x1024x64xf32, #tpu.memory_space<vmem>>, %arg4: memref<1x1x192xf32, #tpu.memory_space<vmem>>, %arg5: memref<1024x8xf32, #tpu.memory_space<vmem>>, %arg6: memref<1024x8xf32, #tpu.memory_space<vmem>>, %arg7: memref<192x16xf32, #tpu.memory_space<vmem>>, %arg8: memref<1x16xf32, #tpu.memory_space<vmem>>, %arg9: memref<16x16xf32, #tpu.memory_space<vmem>>, %arg10: memref<1x16xf32, #tpu.memory_space<vmem>>, %arg11: memref<16x64xf32, #tpu.memory_space<vmem>>, %arg12: memref<1x1024x64xf32, #tpu.memory_space<vmem>>, %arg13: memref<1x1024x64xf32, #tpu.memory_space<vmem>>) attributes {dimension_semantics = [#tpu.dimension_semantics<arbitrary>], iteration_bounds = array<i64: 64>, scalar_prefetch = 0 : i64, scratch_operands = 0 : i64, tpu.core_type = #tpu.core_type<tc>, window_params = [{transform_indices = @transform_0, window_bounds = array<i64: 1, 1024, 64>}, {transform_indices = @transform_1, window_bounds = array<i64: 1, 1024, 64>}, {transform_indices = @transform_2, window_bounds = array<i64: 1, 1024, 64>}, {transform_indices = @transform_3, window_bounds = array<i64: 1, 1, 192>}, {pipeline_mode = #tpu.pipeline_mode<synchronous>, transform_indices = @transform_4, window_bounds = array<i64: 1024, 8>}, {pipeline_mode = #tpu.pipeline_mode<synchronous>, transform_indices = @transform_5, window_bounds = array<i64: 1024, 8>}, {pipeline_mode = #tpu.pipeline_mode<synchronous>, transform_indices = @transform_6, window_bounds = array<i64: 192, 16>}, {pipeline_mode = #tpu.pipeline_mode<synchronous>, transform_indices = @transform_7, window_bounds = array<i64: 1, 16>}, {pipeline_mode = #tpu.pipeline_mode<synchronous>, transform_indices = @transform_8, window_bounds = array<i64: 16, 16>}, {pipeline_mode = #tpu.pipeline_mode<synchronous>, transform_indices = @transform_9, window_bounds = array<i64: 1, 16>}, {pipeline_mode = #tpu.pipeline_mode<synchronous>, transform_indices = @transform_10, window_bounds = array<i64: 16, 64>}, {transform_indices = @transform_11, window_bounds = array<i64: 1, 1024, 64>}, {transform_indices = @transform_12, window_bounds = array<i64: 1, 1024, 64>}]} {
    %get3A = arith.constant 0 : index
    %get3A_0 = arith.constant 0 : index
    %get3A_1 = arith.constant 0 : index
    %get3A_2 = vector.load %arg1[%get3A, %get3A_0, %get3A_1] : memref<1x1024x64xf32, #tpu.memory_space<vmem>>, vector<1x1024x64xf32>
    %get3A_3 = vector.shape_cast %get3A_2 : vector<1x1024x64xf32> to vector<1024x64xf32>
    %get3A_4 = arith.constant 0 : index
    %get3A_5 = arith.constant 0 : index
    %get3A_6 = arith.constant 0 : index
    %get3A_7 = vector.load %arg2[%get3A_4, %get3A_5, %get3A_6] : memref<1x1024x64xf32, #tpu.memory_space<vmem>>, vector<1x1024x64xf32>
    %get3A_8 = vector.shape_cast %get3A_7 : vector<1x1024x64xf32> to vector<1024x64xf32>
    %get3A_9 = arith.constant 0 : index
    %get3A_10 = arith.constant 0 : index
    %get3A_11 = arith.constant 0 : index
    %get3A_12 = vector.load %arg3[%get3A_9, %get3A_10, %get3A_11] : memref<1x1024x64xf32, #tpu.memory_space<vmem>>, vector<1x1024x64xf32>
    %get3A_13 = vector.shape_cast %get3A_12 : vector<1x1024x64xf32> to vector<1024x64xf32>
    %get3A_14 = arith.constant 0 : index
    %get3A_15 = arith.constant 0 : index
    %get3A_16 = arith.constant 0 : index
    %get3A_17 = vector.load %arg4[%get3A_14, %get3A_15, %get3A_16] : memref<1x1x192xf32, #tpu.memory_space<vmem>>, vector<1x1x192xf32>
    %get3A_18 = vector.shape_cast %get3A_17 : vector<1x1x192xf32> to vector<192xf32>
    %slice3A = vector.extract_strided_slice %get3A_18 {offsets = [64], sizes = [64], strides = [1]} : vector<192xf32> to vector<64xf32>
    %broadcast_in_dim3A = vector.shape_cast %slice3A : vector<64xf32> to vector<1x64xf32>
    %slice3A_19 = vector.extract_strided_slice %get3A_18 {offsets = [128], sizes = [64], strides = [1]} : vector<192xf32> to vector<64xf32>
    %broadcast_in_dim3A_20 = vector.shape_cast %slice3A_19 : vector<64xf32> to vector<1x64xf32>
    %sub3A = arith.constant 1.000000e+00 : f32
    %sub3A_21 = vector.broadcast %sub3A : f32 to vector<1024x64xf32>
    %sub3A_22 = arith.subf %sub3A_21, %get3A_8 : vector<1024x64xf32>
    %broadcast_in_dim3A_23 = arith.constant 0.000000e+00 : f32
    %broadcast_in_dim3A_24 = vector.broadcast %broadcast_in_dim3A_23 : f32 to vector<1024x64xf32>
    %broadcast_in_dim3A_25 = arith.constant 0.000000e+00 : f32
    %broadcast_in_dim3A_26 = vector.broadcast %broadcast_in_dim3A_25 : f32 to vector<1x64xf32>
    %slice3A_27 = vector.extract_strided_slice %sub3A_22 {offsets = [0, 0], sizes = [1023, 64], strides = [1, 1]} : vector<1024x64xf32> to vector<1023x64xf32>
    %concatenate3A = tpu.concatenate %broadcast_in_dim3A_26, %slice3A_27 in 0 : vector<1x64xf32>, vector<1023x64xf32> -> vector<1024x64xf32>
    %slice3A_28 = vector.extract_strided_slice %sub3A_22 {offsets = [1, 0], sizes = [1023, 64], strides = [1, 1]} : vector<1024x64xf32> to vector<1023x64xf32>
    %concatenate3A_29 = tpu.concatenate %slice3A_28, %broadcast_in_dim3A_26 in 0 : vector<1023x64xf32>, vector<1x64xf32> -> vector<1024x64xf32>
    %add3A = arith.addf %concatenate3A, %concatenate3A_29 : vector<1024x64xf32>
    %mul3A = arith.constant 0.241970718 : f32
    %mul3A_30 = vector.broadcast %mul3A : f32 to vector<1024x64xf32>
    %mul3A_31 = arith.mulf %mul3A_30, %add3A : vector<1024x64xf32>
    %add3A_32 = arith.addf %broadcast_in_dim3A_24, %mul3A_31 : vector<1024x64xf32>
    %concatenate3A_33 = tpu.concatenate %broadcast_in_dim3A_26, %broadcast_in_dim3A_26 in 0 : vector<1x64xf32>, vector<1x64xf32> -> vector<2x64xf32>
    %slice3A_34 = vector.extract_strided_slice %sub3A_22 {offsets = [0, 0], sizes = [1022, 64], strides = [1, 1]} : vector<1024x64xf32> to vector<1022x64xf32>
    %concatenate3A_35 = tpu.concatenate %concatenate3A_33, %slice3A_34 in 0 : vector<2x64xf32>, vector<1022x64xf32> -> vector<1024x64xf32>
    %slice3A_36 = vector.extract_strided_slice %sub3A_22 {offsets = [2, 0], sizes = [1022, 64], strides = [1, 1]} : vector<1024x64xf32> to vector<1022x64xf32>
    %concatenate3A_37 = tpu.concatenate %slice3A_36, %concatenate3A_33 in 0 : vector<1022x64xf32>, vector<2x64xf32> -> vector<1024x64xf32>
    %add3A_38 = arith.addf %concatenate3A_35, %concatenate3A_37 : vector<1024x64xf32>
    %mul3A_39 = arith.constant 0.0539909676 : f32
    %mul3A_40 = vector.broadcast %mul3A_39 : f32 to vector<1024x64xf32>
    %mul3A_41 = arith.mulf %mul3A_40, %add3A_38 : vector<1024x64xf32>
    %add3A_42 = arith.addf %add3A_32, %mul3A_41 : vector<1024x64xf32>
    %concatenate3A_43 = tpu.concatenate %broadcast_in_dim3A_26, %broadcast_in_dim3A_26, %broadcast_in_dim3A_26 in 0 : vector<1x64xf32>, vector<1x64xf32>, vector<1x64xf32> -> vector<3x64xf32>
    %slice3A_44 = vector.extract_strided_slice %sub3A_22 {offsets = [0, 0], sizes = [1021, 64], strides = [1, 1]} : vector<1024x64xf32> to vector<1021x64xf32>
    %concatenate3A_45 = tpu.concatenate %concatenate3A_43, %slice3A_44 in 0 : vector<3x64xf32>, vector<1021x64xf32> -> vector<1024x64xf32>
    %slice3A_46 = vector.extract_strided_slice %sub3A_22 {offsets = [3, 0], sizes = [1021, 64], strides = [1, 1]} : vector<1024x64xf32> to vector<1021x64xf32>
    %concatenate3A_47 = tpu.concatenate %slice3A_46, %concatenate3A_43 in 0 : vector<1021x64xf32>, vector<3x64xf32> -> vector<1024x64xf32>
    %add3A_48 = arith.addf %concatenate3A_45, %concatenate3A_47 : vector<1024x64xf32>
    %mul3A_49 = arith.constant 0.00443184841 : f32
    %mul3A_50 = vector.broadcast %mul3A_49 : f32 to vector<1024x64xf32>
    %mul3A_51 = arith.mulf %mul3A_50, %add3A_48 : vector<1024x64xf32>
    %add3A_52 = arith.addf %add3A_42, %mul3A_51 : vector<1024x64xf32>
    %mul3A_53 = vector.broadcast %broadcast_in_dim3A : vector<1x64xf32> to vector<1024x64xf32>
    %mul3A_54 = arith.mulf %mul3A_53, %add3A_52 : vector<1024x64xf32>
    %add3A_55 = arith.constant 1.000000e+00 : f32
    %add3A_56 = vector.broadcast %add3A_55 : f32 to vector<1024x64xf32>
    %add3A_57 = arith.addf %add3A_56, %mul3A_54 : vector<1024x64xf32>
    %get3A_58 = arith.constant 0 : index
    %get3A_59 = arith.constant 0 : index
    %get3A_60 = vector.load %arg5[%get3A_58, %get3A_59] : memref<1024x8xf32, #tpu.memory_space<vmem>>, vector<1024x8xf32>
    %slice3A_61 = vector.extract_strided_slice %get3A_60 {offsets = [0, 0], sizes = [1024, 1], strides = [1, 1]} : vector<1024x8xf32> to vector<1024x1xf32>
    %mul3A_62 = vector.broadcast %slice3A_61 : vector<1024x1xf32> to vector<1024x64xf32>
    %mul3A_63 = arith.mulf %add3A_57, %mul3A_62 : vector<1024x64xf32>
    %reduce_sum3A = arith.constant dense<0.000000e+00> : vector<64xf32>
    %reduce_sum3A_64 = vector.multi_reduction <add>, %mul3A_63, %reduce_sum3A [0] : vector<1024x64xf32> to vector<64xf32>
    %broadcast_in_dim3A_65 = vector.shape_cast %reduce_sum3A_64 : vector<64xf32> to vector<1x64xf32>
    %slice3A_66 = vector.extract_strided_slice %get3A_60 {offsets = [0, 1], sizes = [1024, 1], strides = [1, 1]} : vector<1024x8xf32> to vector<1024x1xf32>
    %mul3A_67 = vector.broadcast %slice3A_66 : vector<1024x1xf32> to vector<1024x64xf32>
    %mul3A_68 = arith.mulf %add3A_57, %mul3A_67 : vector<1024x64xf32>
    %reduce_sum3A_69 = arith.constant dense<0.000000e+00> : vector<64xf32>
    %reduce_sum3A_70 = vector.multi_reduction <add>, %mul3A_68, %reduce_sum3A_69 [0] : vector<1024x64xf32> to vector<64xf32>
    %broadcast_in_dim3A_71 = vector.shape_cast %reduce_sum3A_70 : vector<64xf32> to vector<1x64xf32>
    %slice3A_72 = vector.extract_strided_slice %get3A_60 {offsets = [0, 2], sizes = [1024, 1], strides = [1, 1]} : vector<1024x8xf32> to vector<1024x1xf32>
    %mul3A_73 = vector.broadcast %slice3A_72 : vector<1024x1xf32> to vector<1024x64xf32>
    %mul3A_74 = arith.mulf %add3A_57, %mul3A_73 : vector<1024x64xf32>
    %reduce_sum3A_75 = arith.constant dense<0.000000e+00> : vector<64xf32>
    %reduce_sum3A_76 = vector.multi_reduction <add>, %mul3A_74, %reduce_sum3A_75 [0] : vector<1024x64xf32> to vector<64xf32>
    %broadcast_in_dim3A_77 = vector.shape_cast %reduce_sum3A_76 : vector<64xf32> to vector<1x64xf32>
    %slice3A_78 = vector.extract_strided_slice %broadcast_in_dim3A_65 {offsets = [0, 63], sizes = [1, 1], strides = [1, 1]} : vector<1x64xf32> to vector<1x1xf32>
    %slice3A_79 = vector.extract_strided_slice %broadcast_in_dim3A_65 {offsets = [0, 0], sizes = [1, 63], strides = [1, 1]} : vector<1x64xf32> to vector<1x63xf32>
    %concatenate3A_80 = tpu.concatenate %slice3A_78, %slice3A_79 in 1 : vector<1x1xf32>, vector<1x63xf32> -> vector<1x64xf32>
    %add3A_81 = arith.addf %concatenate3A_80, %broadcast_in_dim3A_71 : vector<1x64xf32>
    %slice3A_82 = vector.extract_strided_slice %broadcast_in_dim3A_77 {offsets = [0, 1], sizes = [1, 63], strides = [1, 1]} : vector<1x64xf32> to vector<1x63xf32>
    %slice3A_83 = vector.extract_strided_slice %broadcast_in_dim3A_77 {offsets = [0, 0], sizes = [1, 1], strides = [1, 1]} : vector<1x64xf32> to vector<1x1xf32>
    %concatenate3A_84 = tpu.concatenate %slice3A_82, %slice3A_83 in 1 : vector<1x63xf32>, vector<1x1xf32> -> vector<1x64xf32>
    %add3A_85 = arith.addf %add3A_81, %concatenate3A_84 : vector<1x64xf32>
    %get3A_86 = arith.constant 0 : index
    %get3A_87 = arith.constant 0 : index
    %get3A_88 = vector.load %arg6[%get3A_86, %get3A_87] : memref<1024x8xf32, #tpu.memory_space<vmem>>, vector<1024x8xf32>
    %slice3A_89 = vector.extract_strided_slice %get3A_88 {offsets = [0, 0], sizes = [1024, 1], strides = [1, 1]} : vector<1024x8xf32> to vector<1024x1xf32>
    %mul3A_90 = vector.broadcast %slice3A_89 : vector<1024x1xf32> to vector<1024x64xf32>
    %mul3A_91 = arith.mulf %get3A_13, %mul3A_90 : vector<1024x64xf32>
    %reduce_sum3A_92 = arith.constant dense<0.000000e+00> : vector<64xf32>
    %reduce_sum3A_93 = vector.multi_reduction <add>, %mul3A_91, %reduce_sum3A_92 [0] : vector<1024x64xf32> to vector<64xf32>
    %broadcast_in_dim3A_94 = vector.shape_cast %reduce_sum3A_93 : vector<64xf32> to vector<1x64xf32>
    %slice3A_95 = vector.extract_strided_slice %get3A_88 {offsets = [0, 1], sizes = [1024, 1], strides = [1, 1]} : vector<1024x8xf32> to vector<1024x1xf32>
    %mul3A_96 = vector.broadcast %slice3A_95 : vector<1024x1xf32> to vector<1024x64xf32>
    %mul3A_97 = arith.mulf %get3A_13, %mul3A_96 : vector<1024x64xf32>
    %reduce_sum3A_98 = arith.constant dense<0.000000e+00> : vector<64xf32>
    %reduce_sum3A_99 = vector.multi_reduction <add>, %mul3A_97, %reduce_sum3A_98 [0] : vector<1024x64xf32> to vector<64xf32>
    %broadcast_in_dim3A_100 = vector.shape_cast %reduce_sum3A_99 : vector<64xf32> to vector<1x64xf32>
    %slice3A_101 = vector.extract_strided_slice %get3A_88 {offsets = [0, 2], sizes = [1024, 1], strides = [1, 1]} : vector<1024x8xf32> to vector<1024x1xf32>
    %mul3A_102 = vector.broadcast %slice3A_101 : vector<1024x1xf32> to vector<1024x64xf32>
    %mul3A_103 = arith.mulf %get3A_13, %mul3A_102 : vector<1024x64xf32>
    %reduce_sum3A_104 = arith.constant dense<0.000000e+00> : vector<64xf32>
    %reduce_sum3A_105 = vector.multi_reduction <add>, %mul3A_103, %reduce_sum3A_104 [0] : vector<1024x64xf32> to vector<64xf32>
    %broadcast_in_dim3A_106 = vector.shape_cast %reduce_sum3A_105 : vector<64xf32> to vector<1x64xf32>
    %slice3A_107 = vector.extract_strided_slice %broadcast_in_dim3A_94 {offsets = [0, 63], sizes = [1, 1], strides = [1, 1]} : vector<1x64xf32> to vector<1x1xf32>
    %slice3A_108 = vector.extract_strided_slice %broadcast_in_dim3A_94 {offsets = [0, 0], sizes = [1, 63], strides = [1, 1]} : vector<1x64xf32> to vector<1x63xf32>
    %concatenate3A_109 = tpu.concatenate %slice3A_107, %slice3A_108 in 1 : vector<1x1xf32>, vector<1x63xf32> -> vector<1x64xf32>
    %add3A_110 = arith.addf %concatenate3A_109, %broadcast_in_dim3A_100 : vector<1x64xf32>
    %slice3A_111 = vector.extract_strided_slice %broadcast_in_dim3A_106 {offsets = [0, 1], sizes = [1, 63], strides = [1, 1]} : vector<1x64xf32> to vector<1x63xf32>
    %slice3A_112 = vector.extract_strided_slice %broadcast_in_dim3A_106 {offsets = [0, 0], sizes = [1, 1], strides = [1, 1]} : vector<1x64xf32> to vector<1x1xf32>
    %concatenate3A_113 = tpu.concatenate %slice3A_111, %slice3A_112 in 1 : vector<1x63xf32>, vector<1x1xf32> -> vector<1x64xf32>
    %add3A_114 = arith.addf %add3A_110, %concatenate3A_113 : vector<1x64xf32>
    %concatenate3A_115 = tpu.concatenate %broadcast_in_dim3A_20, %add3A_85, %add3A_114 in 1 : vector<1x64xf32>, vector<1x64xf32>, vector<1x64xf32> -> vector<1x192xf32>
    %get3A_116 = arith.constant 0 : index
    %get3A_117 = arith.constant 0 : index
    %get3A_118 = vector.load %arg7[%get3A_116, %get3A_117] : memref<192x16xf32, #tpu.memory_space<vmem>>, vector<192x16xf32>
    %get3A_119 = arith.constant 0 : index
    %get3A_120 = arith.constant 0 : index
    %get3A_121 = vector.load %arg8[%get3A_119, %get3A_120] : memref<1x16xf32, #tpu.memory_space<vmem>>, vector<1x16xf32>
    %get3A_122 = arith.constant 0 : index
    %get3A_123 = arith.constant 0 : index
    %get3A_124 = vector.load %arg9[%get3A_122, %get3A_123] : memref<16x16xf32, #tpu.memory_space<vmem>>, vector<16x16xf32>
    %get3A_125 = arith.constant 0 : index
    %get3A_126 = arith.constant 0 : index
    %get3A_127 = vector.load %arg10[%get3A_125, %get3A_126] : memref<1x16xf32, #tpu.memory_space<vmem>>, vector<1x16xf32>
    %get3A_128 = arith.constant 0 : index
    %get3A_129 = arith.constant 0 : index
    %get3A_130 = vector.load %arg11[%get3A_128, %get3A_129] : memref<16x64xf32, #tpu.memory_space<vmem>>, vector<16x64xf32>
    %dot_general3A = arith.constant dense<0.000000e+00> : vector<1x16xf32>
    %dot_general3A_131 = tpu.matmul %concatenate3A_115, %get3A_118, %dot_general3A {dimension_numbers = #tpu.dot_dimension_numbers<[1], [0], [0], [1], [0, 0, 1, 1], [], []>, transpose_lhs_hint = false} : vector<1x192xf32>, vector<192x16xf32>, vector<1x16xf32> -> vector<1x16xf32>
    %add3A_132 = arith.addf %dot_general3A_131, %get3A_121 : vector<1x16xf32>
    %max3A = arith.constant 0.000000e+00 : f32
    %max3A_133 = vector.broadcast %max3A : f32 to vector<1x16xf32>
    %max3A_134 = arith.maximumf %add3A_132, %max3A_133 : vector<1x16xf32>
    %dot_general3A_135 = arith.constant dense<0.000000e+00> : vector<1x16xf32>
    %dot_general3A_136 = tpu.matmul %max3A_134, %get3A_124, %dot_general3A_135 {dimension_numbers = #tpu.dot_dimension_numbers<[1], [0], [0], [1], [0, 0, 1, 1], [], []>, transpose_lhs_hint = false} : vector<1x16xf32>, vector<16x16xf32>, vector<1x16xf32> -> vector<1x16xf32>
    %add3A_137 = arith.addf %dot_general3A_136, %get3A_127 : vector<1x16xf32>
    %max3A_138 = arith.constant 0.000000e+00 : f32
    %max3A_139 = vector.broadcast %max3A_138 : f32 to vector<1x16xf32>
    %max3A_140 = arith.maximumf %add3A_137, %max3A_139 : vector<1x16xf32>
    %dot_general3A_141 = arith.constant dense<0.000000e+00> : vector<1x64xf32>
    %dot_general3A_142 = tpu.matmul %max3A_140, %get3A_130, %dot_general3A_141 {dimension_numbers = #tpu.dot_dimension_numbers<[1], [0], [0], [1], [0, 0, 1, 1], [], []>, transpose_lhs_hint = false} : vector<1x16xf32>, vector<16x64xf32>, vector<1x64xf32> -> vector<1x64xf32>
    %neg3A = arith.constant 0.000000e+00 : f32
    %neg3A_143 = vector.broadcast %neg3A : f32 to vector<1x64xf32>
    %neg3A_144 = arith.subf %neg3A_143, %dot_general3A_142 : vector<1x64xf32>
    %exp3A = math.exp %neg3A_144 : vector<1x64xf32>
    %add3A_145 = arith.constant 1.000000e+00 : f32
    %add3A_146 = vector.broadcast %add3A_145 : f32 to vector<1x64xf32>
    %add3A_147 = arith.addf %add3A_146, %exp3A : vector<1x64xf32>
    %div3A = arith.constant 1.000000e+00 : f32
    %div3A_148 = vector.broadcast %div3A : f32 to vector<1x64xf32>
    %div3A_149 = arith.divf %div3A_148, %add3A_147 : vector<1x64xf32>
    %mul3A_150 = vector.broadcast %div3A_149 : vector<1x64xf32> to vector<1024x64xf32>
    %mul3A_151 = arith.mulf %add3A_57, %mul3A_150 : vector<1024x64xf32>
    %sub3A_152 = arith.constant 1.000000e+00 : f32
    %sub3A_153 = vector.broadcast %sub3A_152 : f32 to vector<1x64xf32>
    %sub3A_154 = arith.subf %sub3A_153, %div3A_149 : vector<1x64xf32>
    %mul3A_155 = vector.broadcast %sub3A_154 : vector<1x64xf32> to vector<1024x64xf32>
    %mul3A_156 = arith.mulf %get3A_13, %mul3A_155 : vector<1024x64xf32>
    %add3A_157 = arith.addf %mul3A_151, %mul3A_156 : vector<1024x64xf32>
    %mul3A_158 = arith.mulf %add3A_157, %get3A_8 : vector<1024x64xf32>
    %mul3A_159 = arith.mulf %get3A_3, %mul3A_158 : vector<1024x64xf32>
    %reduce_sum3A_160 = arith.constant dense<0.000000e+00> : vector<64xf32>
    %reduce_sum3A_161 = vector.multi_reduction <add>, %mul3A_158, %reduce_sum3A_160 [0] : vector<1024x64xf32> to vector<64xf32>
    %broadcast_in_dim3A_162 = vector.shape_cast %reduce_sum3A_161 : vector<64xf32> to vector<1x64xf32>
    %eq3A = arith.constant 0.000000e+00 : f32
    %eq3A_163 = vector.broadcast %eq3A : f32 to vector<1x64xf32>
    %eq3A_164 = arith.cmpf oeq, %broadcast_in_dim3A_162, %eq3A_163 : vector<1x64xf32>
    %jit3A = arith.constant 1.000000e+00 : f32
    %broadcast_in_dim3A_165 = vector.broadcast %jit3A : f32 to vector<1x64xf32>
    %select_n3A = arith.select %eq3A_164, %broadcast_in_dim3A_165, %broadcast_in_dim3A_162 : vector<1x64xi1>, vector<1x64xf32>
    %reduce_sum3A_166 = arith.constant dense<0.000000e+00> : vector<64xf32>
    %reduce_sum3A_167 = vector.multi_reduction <add>, %mul3A_159, %reduce_sum3A_166 [0] : vector<1024x64xf32> to vector<64xf32>
    %broadcast_in_dim3A_168 = vector.shape_cast %reduce_sum3A_167 : vector<64xf32> to vector<1x64xf32>
    %div3A_169 = arith.divf %broadcast_in_dim3A_168, %select_n3A : vector<1x64xf32>
    %sub3A_170 = vector.broadcast %div3A_169 : vector<1x64xf32> to vector<1024x64xf32>
    %sub3A_171 = arith.subf %get3A_3, %sub3A_170 : vector<1024x64xf32>
    %eq3A_172 = arith.constant 0.000000e+00 : f32
    %eq3A_173 = vector.broadcast %eq3A_172 : f32 to vector<1024x64xf32>
    %eq3A_174 = arith.cmpf oeq, %get3A_8, %eq3A_173 : vector<1024x64xf32>
    %jit3A_175 = arith.constant 0.000000e+00 : f32
    %broadcast_in_dim3A_176 = vector.broadcast %jit3A_175 : f32 to vector<1024x64xf32>
    %select_n3A_177 = arith.select %eq3A_174, %broadcast_in_dim3A_176, %sub3A_171 : vector<1024x64xi1>, vector<1024x64xf32>
    %mul3A_178 = arith.mulf %select_n3A_177, %mul3A_158 : vector<1024x64xf32>
    %mul3A_179 = arith.mulf %mul3A_178, %mul3A_178 : vector<1024x64xf32>
    %reduce_sum3A_180 = arith.constant dense<0.000000e+00> : vector<64xf32>
    %reduce_sum3A_181 = vector.multi_reduction <add>, %mul3A_179, %reduce_sum3A_180 [0] : vector<1024x64xf32> to vector<64xf32>
    %broadcast_in_dim3A_182 = vector.shape_cast %reduce_sum3A_181 : vector<64xf32> to vector<1x64xf32>
    %div3A_183 = arith.divf %broadcast_in_dim3A_182, %select_n3A : vector<1x64xf32>
    %add3A_184 = arith.constant 9.99999974E-6 : f32
    %add3A_185 = vector.broadcast %add3A_184 : f32 to vector<1x64xf32>
    %add3A_186 = arith.addf %div3A_183, %add3A_185 : vector<1x64xf32>
    %sqrt3A = math.sqrt %add3A_186 : vector<1x64xf32>
    %div3A_187 = vector.broadcast %sqrt3A : vector<1x64xf32> to vector<1024x64xf32>
    %div3A_188 = arith.divf %select_n3A_177, %div3A_187 : vector<1024x64xf32>
    %swap3A = arith.constant 0 : index
    %swap3A_189 = arith.constant 0 : index
    %swap3A_190 = arith.constant 0 : index
    %swap3A_191 = vector.load %arg12[%swap3A, %swap3A_189, %swap3A_190] : memref<1x1024x64xf32, #tpu.memory_space<vmem>>, vector<1x1024x64xf32>
    %swap3A_192 = vector.shape_cast %swap3A_191 : vector<1x1024x64xf32> to vector<1024x64xf32>
    %swap3A_193 = vector.shape_cast %div3A_188 : vector<1024x64xf32> to vector<1x1024x64xf32>
    tpu.vector_store %arg12[%swap3A, %swap3A_189, %swap3A_190], %swap3A_193 {strides = array<i32>} : memref<1x1024x64xf32, #tpu.memory_space<vmem>>, vector<1x1024x64xf32>,
    %swap3A_194 = arith.constant 0 : index
    %swap3A_195 = arith.constant 0 : index
    %swap3A_196 = arith.constant 0 : index
    %swap3A_197 = vector.load %arg13[%swap3A_194, %swap3A_195, %swap3A_196] : memref<1x1024x64xf32, #tpu.memory_space<vmem>>, vector<1x1024x64xf32>
    %swap3A_198 = vector.shape_cast %swap3A_197 : vector<1x1024x64xf32> to vector<1024x64xf32>
    %swap3A_199 = vector.shape_cast %mul3A_158 : vector<1024x64xf32> to vector<1x1024x64xf32>
    tpu.vector_store %arg13[%swap3A_194, %swap3A_195, %swap3A_196], %swap3A_199 {strides = array<i32>} : memref<1x1024x64xf32, #tpu.memory_space<vmem>>, vector<1x1024x64xf32>,
    return
  }
  func.func @transform_0(%arg0: i32) -> (i32, i32, i32) {
    %c0_i32 = arith.constant 0 : i32
    %c0_i32_0 = arith.constant 0 : i32
    %c0_i32_1 = arith.constant 0 : i32
    return %arg0, %c0_i32, %c0_i32_0 : i32, i32, i32
  }
  func.func @transform_1(%arg0: i32) -> (i32, i32, i32) {
    %c0_i32 = arith.constant 0 : i32
    %c0_i32_0 = arith.constant 0 : i32
    %c0_i32_1 = arith.constant 0 : i32
    return %arg0, %c0_i32, %c0_i32_0 : i32, i32, i32
  }
  func.func @transform_2(%arg0: i32) -> (i32, i32, i32) {
    %c0_i32 = arith.constant 0 : i32
    %c0_i32_0 = arith.constant 0 : i32
    %c0_i32_1 = arith.constant 0 : i32
    return %arg0, %c0_i32, %c0_i32_0 : i32, i32, i32
  }
  func.func @transform_3(%arg0: i32) -> (i32, i32, i32) {
    %c0_i32 = arith.constant 0 : i32
    %c0_i32_0 = arith.constant 0 : i32
    %c0_i32_1 = arith.constant 0 : i32
    return %arg0, %c0_i32, %c0_i32_0 : i32, i32, i32
  }
  func.func @transform_4(%arg0: i32) -> (i32, i32) {
    %c0_i32 = arith.constant 0 : i32
    %c0_i32_0 = arith.constant 0 : i32
    %c0_i32_1 = arith.constant 0 : i32
    return %c0_i32, %c0_i32_0 : i32, i32
  }
  func.func @transform_5(%arg0: i32) -> (i32, i32) {
    %c0_i32 = arith.constant 0 : i32
    %c0_i32_0 = arith.constant 0 : i32
    %c0_i32_1 = arith.constant 0 : i32
    return %c0_i32, %c0_i32_0 : i32, i32
  }
  func.func @transform_6(%arg0: i32) -> (i32, i32) {
    %c0_i32 = arith.constant 0 : i32
    %c0_i32_0 = arith.constant 0 : i32
    %c0_i32_1 = arith.constant 0 : i32
    return %c0_i32, %c0_i32_0 : i32, i32
  }
  func.func @transform_7(%arg0: i32) -> (i32, i32) {
    %c0_i32 = arith.constant 0 : i32
    %c0_i32_0 = arith.constant 0 : i32
    %c0_i32_1 = arith.constant 0 : i32
    return %c0_i32, %c0_i32_0 : i32, i32
  }
  func.func @transform_8(%arg0: i32) -> (i32, i32) {
    %c0_i32 = arith.constant 0 : i32
    %c0_i32_0 = arith.constant 0 : i32
    %c0_i32_1 = arith.constant 0 : i32
    return %c0_i32, %c0_i32_0 : i32, i32
  }
  func.func @transform_9(%arg0: i32) -> (i32, i32) {
    %c0_i32 = arith.constant 0 : i32
    %c0_i32_0 = arith.constant 0 : i32
    %c0_i32_1 = arith.constant 0 : i32
    return %c0_i32, %c0_i32_0 : i32, i32
  }
  func.func @transform_10(%arg0: i32) -> (i32, i32) {
    %c0_i32 = arith.constant 0 : i32
    %c0_i32_0 = arith.constant 0 : i32
    %c0_i32_1 = arith.constant 0 : i32
    return %c0_i32, %c0_i32_0 : i32, i32
  }
  func.func @transform_11(%arg0: i32) -> (i32, i32, i32) {
    %c0_i32 = arith.constant 0 : i32
    %c0_i32_0 = arith.constant 0 : i32
    %c0_i32_1 = arith.constant 0 : i32
    return %arg0, %c0_i32, %c0_i32_0 : i32, i32, i32
  }
  func.func @transform_12(%arg0: i32) -> (i32, i32, i32) {
    %c0_i32 = arith.constant 0 : i32
    %c0_i32_0 = arith.constant 0 : i32
    %c0_i32_1 = arith.constant 0 : i32
    return %arg0, %c0_i32, %c0_i32_0 : i32, i32, i32
  }
}

</mosaic_0001>

<sc_bundles>
// kernel: kernel.5.cloned.1.call-start
scs
__scs_entry_jumppad:
0x0: {  	(pc) =	sbr.rel $0x88, $3  }
0x1: {  	(tag) =	ssettag $0x0;
	lr =	simm.s32 $0x1  }
0x2: {  	[smem:$0x3F8A] =	sst lr;
	_ =	strace $0xD0000000  }
0x3: {  	_ = 	snop  }
0x4: {  	_ = 	snop  }
0x5: {  	_ = 	snop  }
0x6: {  	_ = 	snop  }
0x7: {  	_ = 	snop  }
__scs_overlays_trampoline_lowered:
0x8: {  	[smem:$0x3F99] =	sst s0  }
0x9: {  	[smem:$0x3F9A] =	sst s1  }
0xa: {  	[smem:$0x3F9B] =	sst s2  }
0xb: {  	[smem:$0x3F9C] =	sst s3  }
0xc: {  	[smem:$0x3F9D] =	sst s4  }
0xd: {  	[smem:$0x3F9E] =	sst s5  }
0xe: {  	[smem:$0x3F9F] =	sst s6  }
0xf: {  	[smem:$0x3FA0] =	sst s7  }
0x10: {  	[smem:$0x3FA1] =	sst s8  }
0x11: {  	[smem:$0x3FA2] =	sst s9;
	s0 =	simm.s32 @!p0 $0x0  }
0x12: {  	s1 =	sld [smem:$0x3F88];
	s0 =	simm.s32 @p0 $0x1  }
0x13: {  	[smem:$0x3FA3] =	sst s0;
	s0 =	simm.s32 @!p1 $0x0  }
0x14: {  	s2 =	sld [smem:$0x3F87];
	s0 =	simm.s32 @p1 $0x1  }
0x15: {  	[smem:$0x3FA4] =	sst s0;
	s0 =	simm.s32 @!p2 $0x0  }
0x16: {  	s3 =	sld [smem:$0x3FDB];
	s0 =	simm.s32 @p2 $0x1  }
0x17: {  	s4 =	simm.s32 $0x1BF5;
	[smem:$0x3FA6] =	sst s0  }
0x18: {  	s0 =	sld [smem:$0x3F89];
	_ =	swait.ge [sflag:s4], $0x0  }
0x19: {  	s7 =	sld [smem:$0x3F8A]  }
0x1a: {  	s8 =	sadd.s32 $0xFFFFE003, lr  }
0x1b: {  	s9 =	sadd.s32 $0xFFFFFEF7, lr;
	s5 =	simm.s32 $0xFFFFFFFF;
	p2 =	slt.u32 s8, $0xFFFFF086  }
0x1c: {  	p1 =	slt.u32 s9, $0xF7A;
	s5 =	simm.s32 @!p2 $0x0  }
0x1d: {  	s5 =	simm.s32 @p1 $0x1;
	p0 =	seq.s32 s7, s2  }
0x1e: {  	s7 =	smul.u32 @!p0 $0xF7A, s2;
	p2 =	seq.s32 @!p0 s5, $0x0  }
0x1f: {  	s9 =	smul.u32 $0xF7A, s1;
	s8 =	simm.s32 @!p0 $0x1BF5;
	p2 =	por !p2, p0  }
0x20: {  	[sflag:s8] =	ssyncset.s32 @!p0 $0xFFFFF086;
	s6 =	sadd.s32 @!p0 s3, s7;
	s7 =	simm.s32 @!p0 $0x108  }
0x21: {  	s3 =	sadd.s32 s3, s9;
	s6 =	sadd.s32 @!p0 $0x88, s6;
	s7 =	simm.s32 @p2 $0x1082  }
0x22: {  	[simem:s7], [sflag:s8] =	dma.local @!p0 [hbm:s6], $0xF7A  }
0x23: {  	s9 =	sor.u32 $0xD0000000, s2;
	s6 =	simm.s32 $0x108;
	_ =	swait.ge @!p0 [sflag:s8], $0x0  }
0x24: {  	s3 =	sadd.s32 $0x88, s3;
	s6 =	simm.s32 @!p1 $0x1082;
	[sflag:s4] =	ssyncset.s32 $0xFFFFF086  }
0x25: {  	[simem:s6], [sflag:s4] =	dma.local [hbm:s3], $0xF7A  }
0x26: {  	[smem:$0x3F8A] =	sst s1;
	(tag) =	ssettag s2;
	_ =	strace s9  }
0x27: {  	s1 =	sld [smem:$0x3F9A]  }
0x28: {  	s2 =	sld [smem:$0x3F9B]  }
0x29: {  	s4 =	sld [smem:$0x3F9D]  }
0x2a: {  	p0 =	seq.s32 s5, $0x0;
	s5 =	sld [smem:$0x3F9E]  }
0x2b: {  	s6 =	sld [smem:$0x3F9F]  }
0x2c: {  	s7 =	sld [smem:$0x3FA0]  }
0x2d: {  	s3 =	simm.s32 $0x108;
	s8 =	sld [smem:$0x3FA1]  }
0x2e: {  	s3 =	simm.s32 @!p0 $0x1082;
	s9 =	sld [smem:$0x3FA2]  }
0x2f: {  	lr =	sadd.s32 s0, s3;
	s0 =	sld [smem:$0x3F99]  }
0x30: {  	s3 =	sld [smem:$0x3F9C]  }
0x31: {  	[smem:$0x3FA5] =	sst s10  }
0x32: {  	s10 =	sld [smem:$0x3FA3];
	_ =	sdelay $0x3  }
0x33: {  	p0 =	seq.s32 s10, $0x1;
	s10 =	sld [smem:$0x3FA5];
	_ =	sdelay $0x3  }
0x34: {  	[smem:$0x3FA5] =	sst s10  }
0x35: {  	s10 =	sld [smem:$0x3FA4];
	_ =	sdelay $0x3  }
0x36: {  	p1 =	seq.s32 s10, $0x1;
	s10 =	sld [smem:$0x3FA5];
	_ =	sdelay $0x3  }
0x37: {  	[smem:$0x3FA5] =	sst s10  }
0x38: {  	s10 =	sld [smem:$0x3FA6]  }
0x39: {  	_ = 	snop;
	(pc) =	sbr.ind lr, $3  }
0x3a: {  	_ = 	snop  }
0x3b: {  	_ = 	snop  }
0x3c: {  	p2 =	seq.s32 s10, $0x1;
	s10 =	sld [smem:$0x3FA5]  }
0x3d: {  	_ =	shalt  }
0x3e: {  	_ =	shalt  }
0x3f: {  	_ =	shalt  }
0x40: {  	_ =	shalt  }
0x41: {  	_ =	shalt  }
0x42: {  	_ =	shalt  }
0x43: {  	_ =	shalt  }
0x44: {  	_ =	shalt  }
0x45: {  	_ =	shalt  }
0x46: {  	_ =	shalt  }
0x47: {  	_ =	shalt  }
0x48: {  	_ =	shalt  }
0x49: {  	_ =	shalt  }
0x4a: {  	_ =	shalt  }
0x4b: {  	_ =	shalt  }
0x4c: {  	_ =	shalt  }
0x4d: {  	_ =	shalt  }
0x4e: {  	_ =	shalt  }
0x4f: {  	_ =	shalt  }
0x50: {  	_ =	shalt  }
0x51: {  	_ =	shalt  }
0x52: {  	_ =	shalt  }
0x53: {  	_ =	shalt  }
0x54: {  	_ =	shalt  }
0x55: {  	_ =	shalt  }
0x56: {  	_ =	shalt  }
0x57: {  	_ =	shalt  }
0x58: {  	_ =	shalt  }
0x59: {  	_ =	shalt  }
0x5a: {  	_ =	shalt  }
0x5b: {  	_ =	shalt  }
0x5c: {  	_ =	shalt  }
0x5d: {  	_ =	shalt  }
0x5e: {  	_ =	shalt  }
0x5f: {  	_ =	shalt  }
0x60: {  	_ =	shalt  }
0x61: {  	_ =	shalt  }
0x62: {  	_ =	shalt  }
0x63: {  	_ =	shalt  }
0x64: {  	_ =	shalt  }
0x65: {  	_ =	shalt  }
0x66: {  	_ =	shalt  }
0x67: {  	_ =	shalt  }
0x68: {  	_ =	shalt  }
0x69: {  	_ =	shalt  }
0x6a: {  	_ =	shalt  }
0x6b: {  	_ =	shalt  }
0x6c: {  	_ =	shalt  }
0x6d: {  	_ =	shalt  }
0x6e: {  	_ =	shalt  }
0x6f: {  	_ =	shalt  }
0x70: {  	_ =	shalt  }
0x71: {  	_ =	shalt  }
0x72: {  	_ =	shalt  }
0x73: {  	_ =	shalt  }
0x74: {  	_ =	shalt  }
0x75: {  	_ =	shalt  }
0x76: {  	_ =	shalt  }
0x77: {  	_ =	shalt  }
0x78: {  	_ =	shalt  }
0x79: {  	_ =	shalt  }
0x7a: {  	_ =	shalt  }
0x7b: {  	_ =	shalt  }
0x7c: {  	_ =	shalt  }
0x7d: {  	_ =	shalt  }
0x7e: {  	_ =	shalt  }
0x7f: {  	_ =	shalt  }
0x80: {  	_ =	shalt  }
0x81: {  	_ =	shalt  }
0x82: {  	_ =	shalt  }
0x83: {  	_ =	shalt  }
0x84: {  	_ =	shalt  }
0x85: {  	_ =	shalt  }
0x86: {  	_ =	shalt  }
0x87: {  	_ =	shalt  }
.Lfunc_end0:
.L_simem_size_0:
called_computation_lowered:
.L_overlay_start_0:
0x88: {  	s2 =	sld [smem:$0x3FD9]  }
0x89: {  	s3 =	sld [smem:$0x3FFE];
	_ =	sdelay $0x1  }
0x8a: {  	s1 =	srdreg.scid  }
0x8b: {  	s0 =	sand.u32 $0x1, s1  }
0x8c: {  	s14 =	sshll.u32 s0, $0xA;
	s2 =	sadd.s32 s3, s2  }
0x8d: {  	s2 =	sadd.s32 s2, s14  }
0x8e: {  	[smem:$0x3FB1] =	sst s2  }
0x8f: {  	_ = 	snop  }
0x90: {  	s2 =	sld [smem:$0x3FD0];
	_ =	sdelay $0x2  }
0x91: {  	s15 =	simm.s32 $0xA;
	s4 =	simm.s32 $0x10  }
0x92: {  	[smem:s4], [sflag:s15] =	dma.local [hbm:s2], $0x1  }
0x93: {  	_ =	swait.eq [sflag:s15], $0x1  }
0x94: {  	[sflag:s15] =	ssyncset.done $0x0  }
0x95: {  	s16 =	sld [smem:$0x10];
	[sflag:s15] =	ssyncadd.s32 $0xFFFFFFFF  }
0x96: {  	s17 =	sld [smem:$0x11];
	(tm) =	ssettm $0x1  }
0x97: {  	s18 =	sld [smem:$0x3FFB];
	_ =	sdelay $0x3  }
0x98: {  	_ =	strace s18  }
0x99: {  	s4 =	sld [smem:$0x3FFC];
	_ =	sdelay $0x3  }
0x9a: {  	_ =	strace s4  }
0x9b: {  	s4 =	sld [smem:$0x3FFD];
	_ =	sdelay $0x3  }
0x9c: {  	_ =	strace s4  }
0x9d: {  	_ =	strace $0x8FFFFFFF  }
0x9e: {  	s19 =	sld [smem:$0x3FDB];
	_ =	sdelay $0x1  }
0x9f: {  	s5 =	simm.s32 $_scs_section_size  }
0xa0: {  	s6 =	simm.s32 $_size__tile_overlayer_lowered;
	s7 =	simm.s32 $_tile_overlayer_lowered  }
0xa1: {  	s22 =	simm.s32 $0x1BFF;
	s21 =	sshll.u32 s7, $0x1;
	s4 =	sadd.s32 s5, s19  }
0xa2: {  	s8 =	simm.s32 $0x0;
	s20 =	sshll.u32 s6, $0x1;
	s6 =	sadd.s32 s21, s4  }
0xa3: {  	[timem:s8], [sflag:s22] =	dma.local [hbm:s6], s20  }
0xa4: {  	_ =	swait.ge [sflag:s22], s20  }
0xa5: {  	s5 =	ssub.s32 $0x0, s20;
	[sflag:s22] =	ssyncset.done $0x0  }
0xa6: {  	[sflag:s22] =	ssyncadd.s32 s5;
	_ =	sdelay $0x1  }
0xa7: {  	s23 =	simm.s32 $0x1B8B  }
0xa8: {  	_ =	swait.ge [sflag:s23], $0x1  }
0xa9: {  	[sflag:s23] =	ssyncset.done $0x0  }
0xaa: {  	s25 =	simm.s32 $0x1B8E;
	s24 =	sld [smem:$0x3FFE];
	[sflag:s23] =	ssyncadd.s32 $0xFFFFFFFF  }
0xab: {  	s26 =	simm.s32 $execute0_lowered;
	[smem:$0x3FD2] =	sst s25  }
0xac: {  	s6 =	sshll.u32 s26, $0x1;
	_ =	strace $0x80000046;
	[dreg:$0x1] =	wrdreg $0xFFFFFFFF  }
0xad: {  	s28 =	simm.s32 $_size_execute0_lowered;
	s4 =	sadd.s32 s4, s6;
	[dreg:$0x0] =	wrdreg $0x0  }
0xae: {  	s6 =	sshll.u32 s28, $0x1;
	[dreg:$0x2] =	wrdreg s4  }
0xaf: {  	[dreg:$0x3] =	wrdreg s6  }
0xb0: {  	[dreg:$0x4] =	wrdreg $0xC0  }
0xb1: {  	_ =	task [dreg:s8], $0x5FFFF  }
0xb2: {  	[dreg:$0x1] =	wrdreg $0xFFFFFFFF  }
0xb3: {  	[dreg:$0x0] =	wrdreg $0x60  }
0xb4: {  	[dreg:$0x2] =	wrdreg s24  }
0xb5: {  	[dreg:$0x3] =	wrdreg s17  }
0xb6: {  	[dreg:$0x4] =	wrdreg s16  }
0xb7: {  	[dreg:$0x5] =	wrdreg $0x9  }
0xb8: {  	_ =	task.clear_ibuf [dreg:s8], $0x6FFFF;
	_ =	strace $0x90000046  }
0xb9: {  	s29 =	simm.s32 $0x9;
	_ =	strace $0x80000048  }
0xba: {  	_ =	swait.ge [sflag:s29], $0x1  }
0xbb: {  	[sflag:s29] =	ssyncadd.s32 $0xFFFFFFFF  }
0xbc: {  	_ =	strace $0x90000048  }
0xbd: {  	_ =	sfence  }
0xbe: {  	s30 =	sld [smem:$0x0];
	_ =	sdelay $0x2  }
0xbf: {  	s31 =	sshll.u32 s1, $0xD;
	s1 =	sshrl.u32 s1, $0x2  }
0xc0: {  	s3 =	sand.u32 $0x4000, s31;
	s1 =	sadd.s32 s1, s30  }
0xc1: {  	s0 =	sor.u32 s3, s0;
	s1 =	sshll.u32 s1, $0x11  }
0xc2: {  	s0 =	sor.u32 s1, s0  }
0xc3: {  	s0 =	sadd.s32 $0x8F2B, s0  }
0xc4: {  	[sflag:s0] =	ssyncadd.remote.s32 $0x1  }
0xc5: {  	_ =	sfence.sel $0xFFFF  }
0xc6: {  	[dreg:$0x0] =	wrdreg $0xFFFFFFFF;
	(pc) =	sbr.abs _section_cstart, $3  }
0xc7: {  	[dreg:$0x1] =	wrdreg $0xFFFFFFFF  }
0xc8: {  	_ =	task.clear_ibuf [dreg:s8], $0x2FFFF;
	_ =	strace $0x9FFFFFFF  }
0xc9: {  	(tm) =	ssettm $0x7FFFFFFF  }
tec
execute0_lowered:
.L_overlay_start_1:
0x0: {  	(tag) =	ssettag $0x1  }
0x1: {  	s0 =	rddreg [dreg:$0x0]  }
0x2: {  	s3 =	simm.s32 $0x0;
	s25 =	srdreg.scid;
	s4 =	stileid.u32  }
0x3: {  	s12 =	simm.s32 $0x1;
	s18 =	simm.s32 $0x5628;
	s19 =	simm.s32 $0x6630  }
0x4: {  	s20 =	simm.s32 $0x7638;
	s21 =	simm.s32 $0x8640;
	s22 =	simm.s32 $0x9648  }
0x5: {  	s23 =	simm.s32 $0xA650;
	s24 =	simm.s32 $0xB658;
	s28 =	simm.s32 $0xE670  }
0x6: {  	s29 =	simm.s32 $0xF678;
	s30 =	simm.s32 $0x14080;
	s31 =	simm.s32 $0x140B0  }
0x7: {  	s11 =	simm.s32 $0x140D0;
	s8 =	simm.s32 $0x140E0;
	s13 =	simm.s32 $0x0  }
0x8: {  	[smem:$0x7FF] =	sst s3;
	s1 =	sadd.s32 $0x105C00, s0;
	s6 =	sadd.s32 $0x105000, s0  }
0x9: {  	s4 =	sshll.u32 s4, $0x4;
	s7 =	sadd.s32 $0x105600, s0;
	s9 =	sadd.s32 $0x104E00, s0  }
0xa: {  	_ =	strace $0x80000047;
	[dreg:$0x4] =	wrdreg s1;
	s1 =	sand.u32 $0x1, s25  }
0xb: {  	s25 =	simm.s32 $0xC660;
	s2 =	ssub.s32 $0x2, s1;
	s1 =	sshll.u32 s1, $0x3  }
0xc: {  	s5 =	sshrl.u32 s2, $0x1;
	s1 =	sor.u32 s1, s4;
	s4 =	simm.s32 $0x140C0  }
0xd: {  	s26 =	ssub.s32 s2, s5;
	[dreg:$0x5] =	wrdreg s1;
	s10 =	sadd.s32 $0x8, s1  }
0xe: {  	v0 =	vlaneseq.u32;
	s5 =	simm.s32 $0x140A0;
	s1 =	simm.s32 $0x10080;
	s0 =	smax.u32 s26, $0x1  }
0xf: {  	v1 =	vmul.u32 $0x1008, v0;
	s26 =	simm.s32 $0xD668;
	[dreg:$0x6] =	wrdreg s0;
	s0 =	simm.s32 $0x14090  }
.LBB2_1:
0x10: {  	[dreg:$0x7] =	wrdreg s13  }
0x11: {  	s2 =	rddreg [dreg:$0x4]  }
0x12: {  	[tilespmem:s3], [sflag:$0x1] =	stream.linear.gather [hbm4b:s2+s3], $0x10080, $0x38;
	[tilespmem:$0x140F0] =	vst v63  }
0x13: {  	_ =	swait.ge [sflag:s12], $0x10080  }
0x14: {  	[sflag:s12] =	ssyncset.done $0x0  }
0x15: {  	s2 =	rddreg [dreg:$0x5];
	[sflag:s12] =	ssyncadd.s32 $0xFFFEFF80  }
.LBB2_2:
0x16: {  	s13 =	sshll.u32 s2, $0xB;
	s14 =	rddreg [dreg:$0x1]  }
0x17: {  	s15 =	simm.s32 $0x600;
	s14 =	sadd.s32 s14, s13  }
0x18: {  	[tilespmem:s15], [sflag:$0x1] =	stream.linear.gather [hbm4b:s14+s3], $0x400, $0x38;
	[tilespmem:$0x140F0] =	vst v63  }
0x19: {  	s16 =	simm.s32 $0x1608;
	s17 =	sadd.s32 $0x80, s14  }
0x1a: {  	[tilespmem:s16], [sflag:$0x1] =	stream.linear.gather [hbm4b:s17+s3], $0x400, $0x38;
	[tilespmem:$0x140F0] =	vst v63  }
0x1b: {  	s16 =	sadd.s32 $0x100, s14;
	s17 =	simm.s32 $0x2610  }
0x1c: {  	[tilespmem:s17], [sflag:$0x1] =	stream.linear.gather [hbm4b:s16+s3], $0x400, $0x38;
	[tilespmem:$0x140F0] =	vst v63  }
0x1d: {  	s16 =	sadd.s32 $0x180, s14;
	s17 =	simm.s32 $0x3618  }
0x1e: {  	[tilespmem:s17], [sflag:$0x1] =	stream.linear.gather [hbm4b:s16+s3], $0x400, $0x38;
	[tilespmem:$0x140F0] =	vst v63  }
0x1f: {  	s16 =	sadd.s32 $0x200, s14;
	s17 =	simm.s32 $0x4620  }
0x20: {  	[tilespmem:s17], [sflag:$0x1] =	stream.linear.gather [hbm4b:s16+s3], $0x400, $0x38;
	[tilespmem:$0x140F0] =	vst v63  }
0x21: {  	s16 =	sadd.s32 $0x280, s14  }
0x22: {  	[tilespmem:s18], [sflag:$0x1] =	stream.linear.gather [hbm4b:s16+s3], $0x400, $0x38;
	[tilespmem:$0x140F0] =	vst v63  }
0x23: {  	s17 =	sadd.s32 $0x300, s14  }
0x24: {  	[tilespmem:s19], [sflag:$0x1] =	stream.linear.gather [hbm4b:s17+s3], $0x400, $0x38;
	[tilespmem:$0x140F0] =	vst v63  }
0x25: {  	s16 =	sadd.s32 $0x380, s14  }
0x26: {  	[tilespmem:s20], [sflag:$0x1] =	stream.linear.gather [hbm4b:s16+s3], $0x400, $0x38;
	[tilespmem:$0x140F0] =	vst v63  }
0x27: {  	s17 =	sadd.s32 $0x400, s14  }
0x28: {  	[tilespmem:s21], [sflag:$0x1] =	stream.linear.gather [hbm4b:s17+s3], $0x400, $0x38;
	[tilespmem:$0x140F0] =	vst v63  }
0x29: {  	s16 =	sadd.s32 $0x480, s14  }
0x2a: {  	[tilespmem:s22], [sflag:$0x1] =	stream.linear.gather [hbm4b:s16+s3], $0x400, $0x38;
	[tilespmem:$0x140F0] =	vst v63  }
0x2b: {  	s17 =	sadd.s32 $0x500, s14  }
0x2c: {  	[tilespmem:s23], [sflag:$0x1] =	stream.linear.gather [hbm4b:s17+s3], $0x400, $0x38;
	[tilespmem:$0x140F0] =	vst v63  }
0x2d: {  	s16 =	sadd.s32 $0x580, s14  }
0x2e: {  	[tilespmem:s24], [sflag:$0x1] =	stream.linear.gather [hbm4b:s16+s3], $0x400, $0x38;
	[tilespmem:$0x140F0] =	vst v63  }
0x2f: {  	s17 =	sadd.s32 $0x600, s14  }
0x30: {  	[tilespmem:s25], [sflag:$0x1] =	stream.linear.gather [hbm4b:s17+s3], $0x400, $0x38;
	[tilespmem:$0x140F0] =	vst v63  }
0x31: {  	s16 =	sadd.s32 $0x680, s14  }
0x32: {  	[tilespmem:s26], [sflag:$0x1] =	stream.linear.gather [hbm4b:s16+s3], $0x400, $0x38;
	[tilespmem:$0x140F0] =	vst v63  }
0x33: {  	s17 =	sadd.s32 $0x700, s14  }
0x34: {  	[tilespmem:s28], [sflag:$0x1] =	stream.linear.gather [hbm4b:s17+s3], $0x400, $0x38;
	[tilespmem:$0x140F0] =	vst v63  }
0x35: {  	s14 =	sadd.s32 $0x780, s14  }
0x36: {  	[tilespmem:s29], [sflag:$0x1] =	stream.linear.gather [hbm4b:s14+s3], $0x400, $0x38;
	[tilespmem:$0x140F0] =	vst v63  }
0x37: {  	s16 =	sshll.u32 s2, $0x1;
	_ =	swait.ge [sflag:s12], $0x4000  }
0x38: {  	s14 =	sand.u32 $0x1FFFFFFE, s16;
	[sflag:s12] =	ssyncset.done $0x0  }
0x39: {  	s17 =	sadd.s32 s6, s14;
	[sflag:s12] =	ssyncadd.s32 $0xFFFFC000  }
0x3a: {  	[tilespmem:s30], [sflag:$0x1] =	stream.linear.gather [hbm4b:s17+s3], $0x10, $0x38;
	[tilespmem:$0x140F0] =	vst v63  }
0x3b: {  	_ =	swait.ge [sflag:s12], $0x10  }
0x3c: {  	[sflag:s12] =	ssyncset.done $0x0  }
0x3d: {  	s16 =	sadd.s32 s7, s14;
	[sflag:s12] =	ssyncadd.s32 $0xFFFFFFF0  }
0x3e: {  	[tilespmem:s31], [sflag:$0x1] =	stream.linear.gather [hbm4b:s16+s3], $0x10, $0x38;
	[tilespmem:$0x140F0] =	vst v63  }
0x3f: {  	_ =	swait.ge [sflag:s12], $0x10  }
0x40: {  	s15 =	sadd.s32 $0x200, s14;
	[sflag:s12] =	ssyncset.done $0x0  }
0x41: {  	s17 =	sadd.s32 s6, s15;
	[sflag:s12] =	ssyncadd.s32 $0xFFFFFFF0  }
0x42: {  	[tilespmem:s0], [sflag:$0x1] =	stream.linear.gather [hbm4b:s17+s3], $0x10, $0x38;
	[tilespmem:$0x140F0] =	vst v63  }
0x43: {  	_ =	swait.ge [sflag:s12], $0x10  }
0x44: {  	[sflag:s12] =	ssyncset.done $0x0  }
0x45: {  	s15 =	sadd.s32 s7, s15;
	[sflag:s12] =	ssyncadd.s32 $0xFFFFFFF0  }
0x46: {  	[tilespmem:s4], [sflag:$0x1] =	stream.linear.gather [hbm4b:s15+s3], $0x10, $0x38;
	[tilespmem:$0x140F0] =	vst v63  }
0x47: {  	_ =	swait.ge [sflag:s12], $0x10  }
0x48: {  	s15 =	sadd.s32 $0x400, s14;
	[sflag:s12] =	ssyncset.done $0x0  }
0x49: {  	s17 =	sadd.s32 s6, s15;
	[sflag:s12] =	ssyncadd.s32 $0xFFFFFFF0  }
0x4a: {  	[tilespmem:s5], [sflag:$0x1] =	stream.linear.gather [hbm4b:s17+s3], $0x10, $0x38;
	[tilespmem:$0x140F0] =	vst v63  }
0x4b: {  	_ =	swait.ge [sflag:s12], $0x10  }
0x4c: {  	[sflag:s12] =	ssyncset.done $0x0  }
0x4d: {  	s15 =	sadd.s32 s7, s15;
	[sflag:s12] =	ssyncadd.s32 $0xFFFFFFF0  }
0x4e: {  	[tilespmem:s11], [sflag:$0x1] =	stream.linear.gather [hbm4b:s15+s3], $0x10, $0x38;
	[tilespmem:$0x140F0] =	vst v63  }
0x4f: {  	_ =	swait.ge [sflag:s12], $0x10  }
0x50: {  	[sflag:s12] =	ssyncset.done $0x0  }
0x51: {  	s14 =	sadd.s32 s9, s14;
	[sflag:s12] =	ssyncadd.s32 $0xFFFFFFF0  }
0x52: {  	[tilespmem:s8], [sflag:$0x1] =	stream.linear.gather [hbm4b:s14+s3], $0x10, $0x38;
	[tilespmem:$0x140F0] =	vst v63  }
0x53: {  	_ =	swait.ge [sflag:s12], $0x10  }
0x54: {  	[sflag:s12] =	ssyncset.done $0x0  }
0x55: {  	[sflag:s12] =	ssyncadd.s32 $0xFFFFFFF0  }
0x56: {  	v2 =	vld [tilespmem:$0x140A0]  }
0x57: {  	v3 =	vld [tilespmem:$0x14090];
	_ =	sdelay $0x1  }
0x58: {  	v4 =	vld [tilespmem:$0x14080];
	_ =	sdelay $0x2  }
0x59: {  	s15 =	simm.s32 $0x600;
	v5 =	vmul.u32 $0x3, v2;
	v6 =	vmul.u32 $0x3, v3  }
0x5a: {  	v17 =	vsub.s32 s15, v2;
	v19 =	vadd.s32 s15, v2;
	v21 =	vsub.s32 s15, v3  }
0x5b: {  	s16 =	simm.s32 $0x601;
	v23 =	vadd.s32 s15, v3;
	v24 =	vsub.s32 s15, v4;
	v25 =	vadd.s32 s15, v4  }
0x5c: {  	v46 =	vsub.s32 s16, v2;
	v47 =	vadd.s32 s16, v2;
	v50 =	vsub.s32 s16, v3  }
0x5d: {  	s17 =	simm.s32 $0x602;
	v51 =	vadd.s32 s16, v3;
	v52 =	vsub.s32 s16, v4;
	v53 =	vadd.s32 s16, v4  }
0x5e: {  	v55 =	vsub.s32 s17, v2;
	v56 =	vadd.s32 s17, v2;
	v60 =	vsub.s32 s17, v3  }
0x5f: {  	v61 =	vadd.s32 s17, v3;
	v17 =	vadd.s32 v1, v17;
	v19 =	vadd.s32 v1, v19  }
0x60: {  	v21 =	vadd.s32 v1, v21;
	v23 =	vadd.s32 v1, v23;
	v24 =	vadd.s32 v1, v24  }
0x61: {  	v25 =	vadd.s32 v1, v25;
	v59 =	vadd.s32 v1, v51;
	v8 =	vadd.s32 s15, v5  }
0x62: {  	v62 =	vadd.s32 v1, v52;
	v9 =	vsub.s32 s15, v6;
	v12 =	vadd.s32 v1, v8;
	v8 =	vld [tilespmem:$0x140B0]  }
0x63: {  	v63 =	vadd.s32 v1, v53;
	v7 =	vsub.s32 s15, v5;
	v13 =	vadd.s32 v1, v9;
	v9 =	vld [tilespmem:$0x140C0]  }
0x64: {  	v10 =	vadd.s32 s15, v6;
	v32 =	vsub.s32 s16, v5;
	v33 =	vadd.s32 s16, v5;
	v17 =	vld.idx.msk [tilespmem:v17+s3+$0x0], $0xffff  }
0x65: {  	v34 =	vsub.s32 s17, v5;
	v35 =	vadd.s32 s17, v5;
	v11 =	vadd.s32 v1, v7;
	v19 =	vld.idx.msk [tilespmem:v19+s3+$0x0], $0xffff  }
0x66: {  	v36 =	vsub.s32 s16, v6;
	v37 =	vadd.s32 s16, v6;
	v40 =	vsub.s32 s17, v6;
	v21 =	vld.idx.msk [tilespmem:v21+s3+$0x0], $0xffff  }
0x67: {  	v41 =	vadd.s32 s17, v6;
	v7 =	vmul.u32 $0x3, v4;
	v15 =	vadd.s32 v1, v10;
	v23 =	vld.idx.msk [tilespmem:v23+s3+$0x0], $0xffff  }
0x68: {  	v32 =	vadd.s32 v1, v32;
	v33 =	vadd.s32 v1, v33;
	v34 =	vadd.s32 v1, v34;
	v24 =	vld.idx.msk [tilespmem:v24+s3+$0x0], $0xffff  }
0x69: {  	v35 =	vadd.s32 v1, v35;
	v36 =	vadd.s32 v1, v36;
	v37 =	vadd.s32 v1, v37;
	v25 =	vld.idx.msk [tilespmem:v25+s3+$0x0], $0xffff  }
0x6a: {  	v40 =	vadd.s32 v1, v40;
	v41 =	vadd.s32 v1, v41;
	v14 =	vsub.s32 s15, v7;
	v18 =	vld.idx.msk [tilespmem:v11+s3+$0x0], $0xffff  }
0x6b: {  	v16 =	vadd.s32 s15, v7;
	v42 =	vsub.s32 s16, v7;
	v43 =	vadd.s32 s16, v7;
	v20 =	vld.idx.msk [tilespmem:v12+s3+$0x0], $0xffff  }
0x6c: {  	v54 =	vadd.s32 s17, v7;
	v14 =	vadd.s32 v1, v14;
	v16 =	vadd.s32 v1, v16;
	v22 =	vld.idx.msk [tilespmem:v13+s3+$0x0], $0xffff  }
0x6d: {  	v11 =	vshll.u32 v4, $0x1;
	v12 =	vshll.u32 v3, $0x1;
	v15 =	vld.idx.msk [tilespmem:v15+s3+$0x0], $0xffff;
	v13 =	vshll.u32 v2, $0x1  }
0x6e: {  	v34 =	vld.idx.msk [tilespmem:v34+s3+$0x0], $0xffff;
	v26 =	vsub.s32 s15, v13;
	v27 =	vadd.s32 s15, v13;
	v28 =	vsub.s32 s15, v12  }
0x6f: {  	v35 =	vld.idx.msk [tilespmem:v35+s3+$0x0], $0xffff;
	v29 =	vadd.s32 s15, v12;
	v30 =	vsub.s32 s15, v11;
	v39 =	vadd.s32 s16, v13  }
0x70: {  	v36 =	vld.idx.msk [tilespmem:v36+s3+$0x0], $0xffff;
	v31 =	vadd.s32 s15, v11;
	v26 =	vand.u32 $0xFFFFFFFE, v26;
	v39 =	vadd.s32 v1, v39  }
0x71: {  	v38 =	vsub.s32 s16, v13;
	v27 =	vand.u32 $0xFFFFFFFE, v27;
	v14 =	vld.idx.msk [tilespmem:v14+s3+$0x0], $0xffff;
	v26 =	vadd.s32 v1, v26  }
0x72: {  	v44 =	vsub.s32 s16, v12;
	v28 =	vand.u32 $0xFFFFFFFE, v28;
	v16 =	vld.idx.msk [tilespmem:v16+s3+$0x0], $0xffff;
	v27 =	vadd.s32 v1, v27  }
0x73: {  	v29 =	vand.u32 $0xFFFFFFFE, v29;
	v28 =	vadd.s32 v1, v28;
	v15 =	vadd.f32 v15, v22;
	v22 =	vld.idx.msk [tilespmem:v37+s3+$0x0], $0xffff  }
0x74: {  	v30 =	vand.u32 $0xFFFFFFFE, v30;
	v31 =	vand.u32 $0xFFFFFFFE, v31;
	v29 =	vadd.s32 v1, v29;
	v37 =	vld.idx.msk [tilespmem:v41+s3+$0x0], $0xffff  }
0x75: {  	v30 =	vadd.s32 v1, v30;
	v21 =	vadd.f32 v23, v21;
	v23 =	vadd.f32 v25, v24;
	v25 =	vld.idx.msk [tilespmem:v39+s3+$0x0], $0xffff  }
0x76: {  	v45 =	vadd.s32 s16, v12;
	v48 =	vsub.s32 s16, v11;
	v31 =	vadd.s32 v1, v31;
	v26 =	vld.idx.msk [tilespmem:v26+s3+$0x0], $0xffff  }
0x77: {  	v49 =	vadd.s32 s16, v11;
	v38 =	vadd.s32 v1, v38;
	v24 =	vadd.s32 v1, v44;
	v27 =	vld.idx.msk [tilespmem:v27+s3+$0x0], $0xffff  }
0x78: {  	v44 =	vadd.s32 v1, v45;
	v45 =	vadd.s32 v1, v46;
	v46 =	vadd.s32 v1, v47;
	v28 =	vld.idx.msk [tilespmem:v28+s3+$0x0], $0xffff  }
0x79: {  	v57 =	vadd.s32 v1, v48;
	v58 =	vadd.s32 v1, v49;
	v47 =	vsub.s32 s17, v7;
	v29 =	vld.idx.msk [tilespmem:v29+s3+$0x0], $0xffff  }
0x7a: {  	v18 =	vadd.f32 v20, v18;
	v20 =	vadd.s32 v1, v42;
	v21 =	vmul.f32 $2.419707180e-01, v21;
	v30 =	vld.idx.msk [tilespmem:v30+s3+$0x0], $0xffff  }
0x7b: {  	v23 =	vmul.f32 $2.419707180e-01, v23;
	v41 =	vadd.s32 v1, v55;
	v42 =	vadd.s32 v1, v56;
	v31 =	vld.idx.msk [tilespmem:v31+s3+$0x0], $0xffff  }
0x7c: {  	v56 =	vsub.s32 s17, v4;
	v14 =	vadd.f32 v16, v14;
	v16 =	vadd.f32 v19, v17;
	v19 =	vld.idx.msk [tilespmem:v38+s3+$0x0], $0xffff  }
0x7d: {  	v55 =	vadd.f32 v35, v34;
	v15 =	vmul.f32 $4.431848410e-03, v15;
	v39 =	vadd.s32 v1, v47;
	v38 =	vld.idx.msk [tilespmem:v46+s3+$0x0], $0xffff  }
0x7e: {  	v21 =	vadd.f32 $0.0e+00, v21;
	v23 =	vadd.f32 $0.0e+00, v23;
	v17 =	vadd.s32 v1, v43;
	v43 =	vld.idx.msk [tilespmem:v62+s3+$0x0], $0xffff  }
0x7f: {  	v18 =	vmul.f32 $4.431848410e-03, v18;
	v46 =	vadd.s32 v1, v56;
	v62 =	vsub.s32 s17, v11;
	v20 =	vld.idx.msk [tilespmem:v20+s3+$0x0], $0xffff  }
0x80: {  	v16 =	vmul.f32 $2.419707180e-01, v16;
	v26 =	vadd.f32 v27, v26;
	v27 =	vadd.f32 v29, v28;
	v29 =	vld.idx.msk [tilespmem:v40+s3+$0x0], $0xffff  }
0x81: {  	v52 =	vand.u32 $0xFFFFFFFE, v62;
	v14 =	vmul.f32 $4.431848410e-03, v14;
	v22 =	vadd.f32 v22, v36;
	v28 =	vld.idx.msk [tilespmem:v44+s3+$0x0], $0xffff  }
0x82: {  	v52 =	vadd.s32 v1, v52;
	v16 =	vadd.f32 $0.0e+00, v16;
	v30 =	vadd.f32 v31, v30;
	v31 =	vld.idx.msk [tilespmem:v45+s3+$0x0], $0xffff  }
0x83: {  	s16 =	simm.s32 $0x603;
	v22 =	vmul.f32 $4.431848410e-03, v22;
	v40 =	vadd.s32 v1, v54;
	v44 =	vld.idx.msk [tilespmem:v58+s3+$0x0], $0xffff;
	v58 =	vsub.s32 s17, v13  }
0x84: {  	v45 =	vld.idx.msk [tilespmem:v63+s3+$0x0], $0xffff;
	v63 =	vadd.s32 s17, v11;
	v19 =	vadd.f32 v25, v19;
	v54 =	vsub.s32 s16, v4  }
0x85: {  	v17 =	vld.idx.msk [tilespmem:v17+s3+$0x0], $0xffff;
	v48 =	vand.u32 $0xFFFFFFFE, v58;
	v53 =	vand.u32 $0xFFFFFFFE, v63;
	v27 =	vmul.f32 $5.399096760e-02, v27  }
0x86: {  	v24 =	vld.idx.msk [tilespmem:v24+s3+$0x0], $0xffff;
	v30 =	vmul.f32 $5.399096760e-02, v30;
	v26 =	vmul.f32 $5.399096760e-02, v26;
	v48 =	vadd.s32 v1, v48  }
0x87: {  	v32 =	vld.idx.msk [tilespmem:v32+s3+$0x0], $0xffff;
	v53 =	vadd.s32 v1, v53;
	v19 =	vmul.f32 $5.399096760e-02, v19;
	v21 =	vadd.f32 v27, v21  }
0x88: {  	v33 =	vld.idx.msk [tilespmem:v33+s3+$0x0], $0xffff;
	v27 =	vadd.s32 v1, v50;
	v23 =	vadd.f32 v30, v23;
	v16 =	vadd.f32 v26, v16  }
0x89: {  	v26 =	vadd.s32 v1, v61;
	v30 =	vld.idx.msk [tilespmem:v59+s3+$0x0], $0xffff;
	v59 =	vadd.s32 s17, v13;
	v61 =	vadd.s32 s17, v12  }
0x8a: {  	v41 =	vld.idx.msk [tilespmem:v41+s3+$0x0], $0xffff;
	v49 =	vand.u32 $0xFFFFFFFE, v59;
	v17 =	vadd.f32 v17, v20;
	v20 =	vadd.f32 v37, v29  }
0x8b: {  	v42 =	vld.idx.msk [tilespmem:v42+s3+$0x0], $0xffff;
	v51 =	vand.u32 $0xFFFFFFFE, v61;
	v24 =	vadd.f32 v28, v24;
	v58 =	vadd.f32 v38, v31  }
0x8c: {  	v10 =	vld [tilespmem:$0x140E0];
	v61 =	vadd.f32 v45, v43;
	v15 =	vadd.f32 v15, v21;
	v21 =	vadd.s32 v1, v60  }
0x8d: {  	v14 =	vadd.f32 v14, v23;
	v23 =	vld.idx.msk [tilespmem:v57+s3+$0x0], $0xffff;
	v57 =	vadd.s32 s17, v4;
	v60 =	vsub.s32 s17, v12  }
0x8e: {  	v46 =	vld.idx.msk [tilespmem:v46+s3+$0x0], $0xffff;
	v49 =	vadd.s32 v1, v49;
	v51 =	vadd.s32 v1, v51;
	v18 =	vadd.f32 v18, v16  }
0x8f: {  	v16 =	vadd.f32 v33, v32;
	v32 =	vmul.f32 $4.431848410e-03, v55;
	v55 =	vadd.s32 s16, v4;
	v48 =	vld.idx.msk [tilespmem:v48+s3+$0x0], $0xffff  }
0x90: {  	v47 =	vadd.s32 v1, v57;
	v50 =	vand.u32 $0xFFFFFFFE, v60;
	v57 =	vld.idx.msk [tilespmem:v52+s3+$0x0], $0xffff;
	v60 =	vadd.f32 v42, v41  }
0x91: {  	v59 =	vld.idx.msk [tilespmem:v53+s3+$0x0], $0xffff;
	v24 =	vmul.f32 $5.399096760e-02, v24;
	v28 =	vmul.f32 $2.419707180e-01, v58;
	v52 =	vsub.s32 s16, v11  }
0x92: {  	v53 =	vadd.s32 s16, v11;
	v45 =	vadd.s32 v1, v55;
	v20 =	vmul.f32 $4.431848410e-03, v20;
	v27 =	vld.idx.msk [tilespmem:v27+s3+$0x0], $0xffff  }
0x93: {  	v58 =	vadd.s32 s16, v2;
	v55 =	vmul.f32 $4.431848410e-03, v17;
	v14 =	vmul.f32 v14, v8;
	v26 =	vld.idx.msk [tilespmem:v26+s3+$0x0], $0xffff  }
0x94: {  	v15 =	vmul.f32 v15, v9;
	v50 =	vadd.s32 v1, v50;
	v16 =	vmul.f32 $4.431848410e-03, v16;
	v21 =	vld.idx.msk [tilespmem:v21+s3+$0x0], $0xffff  }
0x95: {  	v42 =	vadd.s32 v1, v52;
	v43 =	vadd.s32 v1, v53;
	v14 =	vadd.f32 v14, v10;
	v25 =	vld.idx.msk [tilespmem:v51+s3+$0x0], $0xffff  }
0x96: {  	v53 =	vadd.s32 s16, v5;
	v63 =	vmul.f32 $2.419707180e-01, v60;
	v60 =	vadd.s32 s16, v13;
	v47 =	vld.idx.msk [tilespmem:v47+s3+$0x0], $0xffff  }
0x97: {  	v23 =	vadd.f32 v44, v23;
	v51 =	vsub.s32 s16, v2;
	v15 =	vadd.f32 v15, v14;
	v14 =	vld.idx.msk [tilespmem:v49+s3+$0x0], $0xffff  }
0x98: {  	v39 =	vld.idx.msk [tilespmem:v39+s3+$0x0], $0xffff;
	v44 =	vadd.s32 v1, v54;
	v31 =	vadd.f32 $0.0e+00, v63;
	v63 =	vsub.s32 s16, v5  }
0x99: {  	v40 =	vld.idx.msk [tilespmem:v40+s3+$0x0], $0xffff;
	v29 =	vadd.f32 v59, v57;
	v41 =	vadd.s32 v1, v51;
	v27 =	vadd.f32 v30, v27  }
0x9a: {  	v57 =	vadd.s32 s16, v3;
	v52 =	vadd.s32 v1, v63;
	v56 =	vld.idx.msk [tilespmem:v50+s3+$0x0], $0xffff;
	v30 =	vmul.f32 $2.419707180e-01, v61  }
0x9b: {  	v42 =	vld.idx.msk [tilespmem:v42+s3+$0x0], $0xffff;
	v21 =	vadd.f32 v26, v21;
	v27 =	vmul.f32 $2.419707180e-01, v27;
	v26 =	vadd.f32 v47, v46  }
0x9c: {  	v43 =	vld.idx.msk [tilespmem:v43+s3+$0x0], $0xffff;
	v62 =	vadd.f32 v14, v48;
	v14 =	vsub.s32 s16, v6;
	v47 =	vsub.s32 s16, v7  }
0x9d: {  	v61 =	vld.idx.msk [tilespmem:v45+s3+$0x0], $0xffff;
	v46 =	vadd.s32 v1, v14;
	v14 =	vadd.s32 s16, v6;
	v35 =	vadd.s32 v1, v47  }
0x9e: {  	v44 =	vld.idx.msk [tilespmem:v44+s3+$0x0], $0xffff;
	v47 =	vadd.s32 v1, v57;
	v48 =	vadd.s32 v1, v14;
	v14 =	vadd.s32 s16, v7  }
0x9f: {  	v41 =	vld.idx.msk [tilespmem:v41+s3+$0x0], $0xffff;
	v36 =	vmul.f32 $5.399096760e-02, v62;
	v49 =	vadd.s32 v1, v14;
	v14 =	vsub.s32 s16, v12  }
0xa0: {  	v62 =	vadd.s32 v1, v60;
	v60 =	vld.idx.msk [tilespmem:v52+s3+$0x0], $0xffff;
	v50 =	vadd.s32 v1, v14;
	v14 =	vadd.s32 s16, v12  }
0xa1: {  	v28 =	vadd.f32 $0.0e+00, v28;
	v34 =	vadd.f32 v40, v39;
	v40 =	vadd.s32 v1, v14;
	v14 =	vld [tilespmem:$0x140D0]  }
0xa2: {  	v25 =	vadd.f32 v25, v56;
	v56 =	vsub.s32 s16, v3;
	v27 =	vadd.f32 $0.0e+00, v27;
	v33 =	vld.idx.msk [tilespmem:v46+s3+$0x0], $0xffff  }
0xa3: {  	v19 =	vadd.f32 v19, v28;
	v21 =	vmul.f32 $2.419707180e-01, v21;
	v35 =	vld.idx.msk [tilespmem:v35+s3+$0x0], $0xffff;
	v46 =	vadd.s32 v1, v56  }
0xa4: {  	v59 =	vsub.s32 s16, v13;
	v26 =	vmul.f32 $2.419707180e-01, v26;
	v24 =	vadd.f32 v24, v27;
	v27 =	vld.idx.msk [tilespmem:v47+s3+$0x0], $0xffff  }
0xa5: {  	v25 =	vmul.f32 $5.399096760e-02, v25;
	v21 =	vadd.f32 $0.0e+00, v21;
	v37 =	vld.idx.msk [tilespmem:v48+s3+$0x0], $0xffff;
	v48 =	vadd.s32 v1, v58  }
0xa6: {  	v23 =	vmul.f32 $5.399096760e-02, v23;
	v29 =	vmul.f32 $5.399096760e-02, v29;
	v30 =	vadd.f32 $0.0e+00, v30;
	v38 =	vld.idx.msk [tilespmem:v49+s3+$0x0], $0xffff  }
0xa7: {  	v26 =	vadd.f32 $0.0e+00, v26;
	v21 =	vadd.f32 v25, v21;
	v49 =	vadd.s32 v1, v59;
	v39 =	vld.idx.msk [tilespmem:v50+s3+$0x0], $0xffff  }
0xa8: {  	v25 =	vadd.s32 v1, v53;
	v22 =	vadd.f32 v22, v24;
	v24 =	vadd.f32 v61, v44;
	v46 =	vld.idx.msk [tilespmem:v46+s3+$0x0], $0xffff  }
0xa9: {  	v34 =	vmul.f32 $4.431848410e-03, v34;
	v31 =	vadd.f32 v36, v31;
	v56 =	vadd.f32 v16, v19;
	v19 =	vld.idx.msk [tilespmem:v40+s3+$0x0], $0xffff  }
0xaa: {  	s17 =	simm.s32 $0x0;
	v23 =	vadd.f32 v23, v30;
	v26 =	vadd.f32 v29, v26;
	v24 =	vmul.f32 $2.419707180e-01, v24;
	v54 =	vld.idx.msk [tilespmem:v48+s3+$0x0], $0xffff  }
0xab: {  	v17 =	vadd.f32 v32, v31;
	v16 =	vor.u32 s17, v0;
	v20 =	vadd.f32 v20, v21;
	v21 =	vld.idx.msk [tilespmem:v62+s3+$0x0], $0xffff  }
0xac: {  	v61 =	vmul.f32 v22, v9;
	v59 =	vadd.f32 v43, v42;
	v24 =	vadd.f32 $0.0e+00, v24;
	v57 =	vld.idx.msk [tilespmem:v49+s3+$0x0], $0xffff  }
0xad: {  	v58 =	vmul.f32 v18, v14;
	v18 =	vadd.f32 v55, v23;
	v25 =	vld.idx.msk [tilespmem:v25+s3+$0x0], $0xffff;
	v27 =	vadd.f32 v27, v46  }
0xae: {  	v30 =	vmul.f32 $5.399096760e-02, v59;
	v23 =	vadd.f32 v38, v35;
	v19 =	vadd.f32 v19, v39  }
0xaf: {  	v33 =	vadd.f32 v37, v33;
	v29 =	vadd.f32 v54, v41;
	v22 =	vmul.f32 $2.419707180e-01, v27  }
0xb0: {  	v24 =	vadd.f32 v30, v24;
	v23 =	vmul.f32 $4.431848410e-03, v23;
	v19 =	vmul.f32 $5.399096760e-02, v19  }
0xb1: {  	v21 =	vadd.f32 v21, v57;
	v27 =	vmul.f32 $2.419707180e-01, v29;
	v22 =	vadd.f32 $0.0e+00, v22  }
0xb2: {  	v62 =	vmul.f32 $4.431848410e-03, v33;
	v23 =	vadd.f32 v23, v24;
	v24 =	vadd.f32 v25, v60  }
0xb3: {  	v21 =	vmul.f32 $5.399096760e-02, v21;
	v27 =	vadd.f32 $0.0e+00, v27;
	v19 =	vadd.f32 v19, v22  }
0xb4: {  	v23 =	vmul.f32 v23, v8;
	v22 =	vmul.f32 v18, v8;
	v18 =	vadd.f32 v34, v26  }
0xb5: {  	v24 =	vmul.f32 $4.431848410e-03, v24;
	v21 =	vadd.f32 v21, v27;
	v19 =	vadd.f32 v62, v19  }
0xb6: {  	s15 =	simm.s32 $0x10;
	v15 =	vadd.f32 v58, v15;
	v23 =	vadd.f32 v23, v10;
	v25 =	vmul.f32 v18, v8  }
0xb7: {  	s17 =	simm.s32 $0x30;
	v18 =	vor.u32 s15, v0;
	v27 =	vadd.f32 v24, v21;
	v26 =	vmul.f32 v19, v9  }
0xb8: {  	v63 =	vadd.f32 v22, v10;
	v21 =	vmul.f32 v20, v9;
	v20 =	vor.u32 s17, v0  }
0xb9: {  	s16 =	simm.s32 $0x20;
	v24 =	vadd.f32 v25, v10;
	v25 =	vmul.f32 v27, v14;
	v22 =	vadd.f32 v26, v23  }
0xba: {  	s14 =	simm.s32 $0x0;
	v19 =	vor.u32 s16, v0;
	v23 =	vadd.f32 v61, v63;
	v26 =	vmul.f32 v56, v14  }
.LBB2_3:
0xbb: {  	s16 =	sadd.s32 $0x604, s14;
	v21 =	vadd.f32 v21, v24;
	v17 =	vmul.f32 v17, v14;
	v22 =	vadd.f32 v25, v22;
	s15 =	smov.u32 s14  }
0xbc: {  	v24 =	vsub.s32 s16, v5;
	[tilespmem:v16+s1+$0x0] =	vst.idx.msk $0xffff, v15;
	v15 =	vadd.f32 v26, v23  }
0xbd: {  	v23 =	vadd.s32 s16, v5;
	v16 =	vadd.s32 v1, v24;
	v17 =	vadd.f32 v17, v21;
	[tilespmem:v20+s1+$0x0] =	vst.idx.msk $0xffff, v22  }
0xbe: {  	v20 =	vsub.s32 s16, v6;
	v21 =	vadd.s32 v1, v23;
	[tilespmem:v18+s1+$0x0] =	vst.idx.msk $0xffff, v15  }
0xbf: {  	v15 =	vadd.s32 v1, v20;
	v18 =	vadd.s32 s16, v6;
	[tilespmem:v19+s1+$0x0] =	vst.idx.msk $0xffff, v17  }
0xc0: {  	v17 =	vsub.s32 s16, v7;
	v18 =	vadd.s32 v1, v18  }
0xc1: {  	v19 =	vadd.s32 s16, v7;
	v17 =	vadd.s32 v1, v17  }
0xc2: {  	v20 =	vsub.s32 s16, v2;
	v19 =	vadd.s32 v1, v19;
	v16 =	vld.idx.msk [tilespmem:v16+s3+$0x0], $0xffff  }
0xc3: {  	v22 =	vadd.s32 s16, v2;
	v20 =	vadd.s32 v1, v20;
	v21 =	vld.idx.msk [tilespmem:v21+s3+$0x0], $0xffff  }
0xc4: {  	v23 =	vsub.s32 s16, v3;
	v22 =	vadd.s32 v1, v22;
	v15 =	vld.idx.msk [tilespmem:v15+s3+$0x0], $0xffff  }
0xc5: {  	v24 =	vadd.s32 s16, v3;
	v23 =	vadd.s32 v1, v23;
	v18 =	vld.idx.msk [tilespmem:v18+s3+$0x0], $0xffff  }
0xc6: {  	v25 =	vsub.s32 s16, v4;
	v24 =	vadd.s32 v1, v24;
	v17 =	vld.idx.msk [tilespmem:v17+s3+$0x0], $0xffff  }
0xc7: {  	v26 =	vadd.s32 s16, v4;
	v27 =	vsub.s32 s16, v13;
	v25 =	vadd.s32 v1, v25;
	v19 =	vld.idx.msk [tilespmem:v19+s3+$0x0], $0xffff  }
0xc8: {  	v28 =	vadd.s32 s16, v13;
	v26 =	vadd.s32 v1, v26;
	v27 =	vand.u32 $0xFFFFFFFE, v27;
	v20 =	vld.idx.msk [tilespmem:v20+s3+$0x0], $0xffff  }
0xc9: {  	v29 =	vsub.s32 s16, v12;
	v28 =	vand.u32 $0xFFFFFFFE, v28;
	v27 =	vadd.s32 v1, v27;
	v22 =	vld.idx.msk [tilespmem:v22+s3+$0x0], $0xffff  }
0xca: {  	v30 =	vadd.s32 s16, v12;
	v29 =	vand.u32 $0xFFFFFFFE, v29;
	v28 =	vadd.s32 v1, v28;
	v23 =	vld.idx.msk [tilespmem:v23+s3+$0x0], $0xffff  }
0xcb: {  	v31 =	vsub.s32 s16, v11;
	v30 =	vand.u32 $0xFFFFFFFE, v30;
	v29 =	vadd.s32 v1, v29;
	v24 =	vld.idx.msk [tilespmem:v24+s3+$0x0], $0xffff  }
0xcc: {  	v32 =	vadd.s32 s16, v11;
	v31 =	vand.u32 $0xFFFFFFFE, v31;
	v30 =	vadd.s32 v1, v30;
	v25 =	vld.idx.msk [tilespmem:v25+s3+$0x0], $0xffff  }
0xcd: {  	v32 =	vand.u32 $0xFFFFFFFE, v32;
	v31 =	vadd.s32 v1, v31;
	v26 =	vld.idx.msk [tilespmem:v26+s3+$0x0], $0xffff  }
0xce: {  	v32 =	vadd.s32 v1, v32;
	v27 =	vld.idx.msk [tilespmem:v27+s3+$0x0], $0xffff  }
0xcf: {  	s17 =	sadd.s32 $0x605, s14;
	v28 =	vld.idx.msk [tilespmem:v28+s3+$0x0], $0xffff  }
0xd0: {  	v33 =	vsub.s32 s17, v5;
	v29 =	vld.idx.msk [tilespmem:v29+s3+$0x0], $0xffff  }
0xd1: {  	s16 =	sadd.s32 $0x606, s14;
	v21 =	vadd.f32 v21, v16;
	v16 =	vadd.s32 v1, v33;
	v33 =	vadd.s32 s17, v5;
	v30 =	vld.idx.msk [tilespmem:v30+s3+$0x0], $0xffff  }
0xd2: {  	v15 =	vadd.f32 v18, v15;
	v18 =	vadd.s32 v1, v33;
	v33 =	vsub.s32 s16, v5;
	v31 =	vld.idx.msk [tilespmem:v31+s3+$0x0], $0xffff  }
0xd3: {  	v34 =	vadd.f32 v19, v17;
	v19 =	vadd.s32 v1, v33;
	v17 =	vadd.s32 s16, v5;
	v32 =	vld.idx.msk [tilespmem:v32+s3+$0x0], $0xffff  }
0xd4: {  	v33 =	vadd.f32 v22, v20;
	v20 =	vsub.s32 s17, v6;
	v22 =	vadd.s32 v1, v17  }
0xd5: {  	v17 =	vadd.s32 s17, v6;
	v24 =	vadd.f32 v24, v23;
	v23 =	vadd.s32 v1, v20  }
0xd6: {  	v25 =	vadd.f32 v26, v25;
	v26 =	vadd.s32 v1, v17;
	v17 =	vsub.s32 s17, v13;
	v16 =	vld.idx.msk [tilespmem:v16+s3+$0x0], $0xffff  }
0xd7: {  	v20 =	vadd.s32 s17, v13;
	v27 =	vadd.f32 v28, v27;
	v28 =	vadd.s32 v1, v17;
	v17 =	vld.idx.msk [tilespmem:v18+s3+$0x0], $0xffff  }
0xd8: {  	v29 =	vadd.f32 v30, v29;
	v30 =	vadd.s32 v1, v20;
	v18 =	vsub.s32 s16, v6;
	v19 =	vld.idx.msk [tilespmem:v19+s3+$0x0], $0xffff  }
0xd9: {  	v35 =	vadd.s32 s16, v6;
	v31 =	vadd.f32 v32, v31;
	v32 =	vadd.s32 v1, v18;
	v20 =	vld.idx.msk [tilespmem:v22+s3+$0x0], $0xffff  }
0xda: {  	v35 =	vadd.s32 v1, v35;
	v18 =	vmul.f32 $4.431848410e-03, v21;
	v22 =	vsub.s32 s17, v7;
	v21 =	vld.idx.msk [tilespmem:v23+s3+$0x0], $0xffff  }
0xdb: {  	v15 =	vmul.f32 $4.431848410e-03, v15;
	v36 =	vadd.s32 v1, v22;
	v23 =	vadd.s32 s17, v7;
	v22 =	vld.idx.msk [tilespmem:v26+s3+$0x0], $0xffff  }
0xdc: {  	v37 =	vsub.s32 s17, v12;
	v26 =	vmul.f32 $4.431848410e-03, v34;
	v34 =	vadd.s32 v1, v23;
	v23 =	vld.idx.msk [tilespmem:v28+s3+$0x0], $0xffff  }
0xdd: {  	v28 =	vmul.f32 $2.419707180e-01, v33;
	v33 =	vadd.s32 v1, v37;
	v37 =	vadd.s32 s17, v12;
	v30 =	vld.idx.msk [tilespmem:v30+s3+$0x0], $0xffff  }
0xde: {  	v38 =	vsub.s32 s17, v2;
	v24 =	vmul.f32 $2.419707180e-01, v24;
	v37 =	vadd.s32 v1, v37;
	v32 =	vld.idx.msk [tilespmem:v32+s3+$0x0], $0xffff  }
0xdf: {  	v39 =	vadd.s32 s17, v2;
	v38 =	vadd.s32 v1, v38;
	v25 =	vmul.f32 $2.419707180e-01, v25;
	v35 =	vld.idx.msk [tilespmem:v35+s3+$0x0], $0xffff  }
0xe0: {  	v39 =	vadd.s32 v1, v39;
	v40 =	vsub.s32 s16, v7;
	v27 =	vmul.f32 $5.399096760e-02, v27;
	v36 =	vld.idx.msk [tilespmem:v36+s3+$0x0], $0xffff  }
0xe1: {  	v41 =	vadd.s32 s16, v7;
	v40 =	vadd.s32 v1, v40;
	v29 =	vmul.f32 $5.399096760e-02, v29;
	v34 =	vld.idx.msk [tilespmem:v34+s3+$0x0], $0xffff  }
0xe2: {  	v42 =	vsub.s32 s16, v2;
	v41 =	vadd.s32 v1, v41;
	v31 =	vmul.f32 $5.399096760e-02, v31;
	v33 =	vld.idx.msk [tilespmem:v33+s3+$0x0], $0xffff  }
0xe3: {  	v43 =	vadd.s32 s16, v2;
	v42 =	vadd.s32 v1, v42;
	v28 =	vadd.f32 $0.0e+00, v28;
	v37 =	vld.idx.msk [tilespmem:v37+s3+$0x0], $0xffff  }
0xe4: {  	v44 =	vsub.s32 s17, v11;
	v43 =	vadd.s32 v1, v43;
	v24 =	vadd.f32 $0.0e+00, v24;
	v38 =	vld.idx.msk [tilespmem:v38+s3+$0x0], $0xffff  }
0xe5: {  	v45 =	vadd.s32 s17, v11;
	v44 =	vadd.s32 v1, v44;
	v25 =	vadd.f32 $0.0e+00, v25;
	v39 =	vld.idx.msk [tilespmem:v39+s3+$0x0], $0xffff  }
0xe6: {  	v27 =	vadd.f32 v27, v28;
	v28 =	vadd.s32 v1, v45;
	v45 =	vsub.s32 s17, v3;
	v40 =	vld.idx.msk [tilespmem:v40+s3+$0x0], $0xffff  }
0xe7: {  	v24 =	vadd.f32 v29, v24;
	v29 =	vadd.s32 v1, v45;
	v45 =	vadd.s32 s17, v3;
	v41 =	vld.idx.msk [tilespmem:v41+s3+$0x0], $0xffff  }
0xe8: {  	v25 =	vadd.f32 v31, v25;
	v31 =	vadd.s32 v1, v45;
	v45 =	vsub.s32 s16, v3;
	v42 =	vld.idx.msk [tilespmem:v42+s3+$0x0], $0xffff  }
0xe9: {  	v15 =	vadd.f32 v15, v24;
	v24 =	vadd.s32 v1, v45;
	v45 =	vadd.s32 s16, v3;
	v43 =	vld.idx.msk [tilespmem:v43+s3+$0x0], $0xffff  }
0xea: {  	v25 =	vadd.f32 v26, v25;
	v26 =	vsub.s32 s17, v4;
	v45 =	vadd.s32 v1, v45;
	v44 =	vld.idx.msk [tilespmem:v44+s3+$0x0], $0xffff  }
0xeb: {  	v46 =	vadd.s32 s17, v4;
	v15 =	vmul.f32 v15, v9;
	v26 =	vadd.s32 v1, v26;
	v28 =	vld.idx.msk [tilespmem:v28+s3+$0x0], $0xffff  }
0xec: {  	v46 =	vadd.s32 v1, v46;
	v47 =	vsub.s32 s16, v4;
	v25 =	vmul.f32 v25, v8;
	v29 =	vld.idx.msk [tilespmem:v29+s3+$0x0], $0xffff  }
0xed: {  	v48 =	vadd.s32 s16, v4;
	v49 =	vsub.s32 s16, v13;
	v47 =	vadd.s32 v1, v47;
	v31 =	vld.idx.msk [tilespmem:v31+s3+$0x0], $0xffff  }
0xee: {  	v50 =	vadd.s32 s16, v13;
	v48 =	vadd.s32 v1, v48;
	v49 =	vand.u32 $0xFFFFFFFE, v49;
	v24 =	vld.idx.msk [tilespmem:v24+s3+$0x0], $0xffff  }
0xef: {  	v51 =	vsub.s32 s16, v12;
	v50 =	vand.u32 $0xFFFFFFFE, v50;
	v49 =	vadd.s32 v1, v49;
	v45 =	vld.idx.msk [tilespmem:v45+s3+$0x0], $0xffff  }
0xf0: {  	v52 =	vadd.s32 s16, v12;
	v51 =	vand.u32 $0xFFFFFFFE, v51;
	v50 =	vadd.s32 v1, v50;
	v26 =	vld.idx.msk [tilespmem:v26+s3+$0x0], $0xffff  }
0xf1: {  	v53 =	vsub.s32 s16, v11;
	v52 =	vand.u32 $0xFFFFFFFE, v52;
	v51 =	vadd.s32 v1, v51;
	v46 =	vld.idx.msk [tilespmem:v46+s3+$0x0], $0xffff  }
0xf2: {  	v54 =	vadd.s32 s16, v11;
	v53 =	vand.u32 $0xFFFFFFFE, v53;
	v52 =	vadd.s32 v1, v52;
	v47 =	vld.idx.msk [tilespmem:v47+s3+$0x0], $0xffff  }
0xf3: {  	v54 =	vand.u32 $0xFFFFFFFE, v54;
	v53 =	vadd.s32 v1, v53;
	v25 =	vadd.f32 v25, v10;
	v48 =	vld.idx.msk [tilespmem:v48+s3+$0x0], $0xffff  }
0xf4: {  	v54 =	vadd.s32 v1, v54;
	v49 =	vld.idx.msk [tilespmem:v49+s3+$0x0], $0xffff  }
0xf5: {  	v18 =	vadd.f32 v18, v27;
	v15 =	vadd.f32 v15, v25;
	v25 =	vld.idx.msk [tilespmem:v50+s3+$0x0], $0xffff  }
0xf6: {  	v16 =	vadd.f32 v17, v16;
	v20 =	vadd.f32 v20, v19;
	v17 =	vld.idx.msk [tilespmem:v51+s3+$0x0], $0xffff  }
0xf7: {  	v21 =	vadd.f32 v22, v21;
	v22 =	vadd.f32 v30, v23;
	v23 =	vld.idx.msk [tilespmem:v52+s3+$0x0], $0xffff  }
0xf8: {  	v32 =	vadd.f32 v35, v32;
	v27 =	vadd.f32 v34, v36;
	v30 =	vld.idx.msk [tilespmem:v53+s3+$0x0], $0xffff  }
0xf9: {  	v33 =	vadd.f32 v37, v33;
	v34 =	vadd.f32 v39, v38;
	v35 =	vld.idx.msk [tilespmem:v54+s3+$0x0], $0xffff  }
0xfa: {  	v19 =	vadd.f32 v41, v40;
	v36 =	vadd.f32 v43, v42  }
0xfb: {  	v28 =	vadd.f32 v28, v44;
	v29 =	vadd.f32 v31, v29  }
0xfc: {  	v24 =	vadd.f32 v45, v24;
	v26 =	vadd.f32 v46, v26  }
0xfd: {  	v31 =	vadd.f32 v48, v47;
	v25 =	vadd.f32 v25, v49  }
0xfe: {  	v16 =	vmul.f32 $4.431848410e-03, v16;
	v20 =	vmul.f32 $4.431848410e-03, v20;
	v17 =	vadd.f32 v23, v17  }
0xff: {  	v21 =	vmul.f32 $4.431848410e-03, v21;
	s16 =	sadd.s32 $0x607, s14;
	v22 =	vmul.f32 $5.399096760e-02, v22;
	v23 =	vadd.f32 v35, v30  }
0x100: {  	v30 =	vmul.f32 $5.399096760e-02, v33;
	v33 =	vmul.f32 $2.419707180e-01, v34;
	v34 =	vsub.s32 s16, v6  }
0x101: {  	v35 =	vmul.f32 $2.419707180e-01, v36;
	v36 =	vadd.s32 s16, v6;
	v34 =	vadd.s32 v1, v34  }
0x102: {  	v37 =	vsub.s32 s16, v7;
	v28 =	vmul.f32 $5.399096760e-02, v28;
	v36 =	vadd.s32 v1, v36  }
0x103: {  	v37 =	vadd.s32 v1, v37;
	v38 =	vadd.s32 s16, v7;
	v29 =	vmul.f32 $2.419707180e-01, v29  }
0x104: {  	v39 =	vsub.s32 s16, v12;
	v38 =	vadd.s32 v1, v38;
	v24 =	vmul.f32 $2.419707180e-01, v24  }
0x105: {  	v39 =	vadd.s32 v1, v39;
	v40 =	vadd.s32 s16, v12;
	v26 =	vmul.f32 $2.419707180e-01, v26  }
0x106: {  	v41 =	vsub.s32 s16, v2;
	v40 =	vadd.s32 v1, v40;
	v31 =	vmul.f32 $2.419707180e-01, v31;
	v34 =	vld.idx.msk [tilespmem:v34+s3+$0x0], $0xffff  }
0x107: {  	v41 =	vadd.s32 v1, v41;
	v42 =	vsub.s32 s16, v11;
	v25 =	vmul.f32 $5.399096760e-02, v25;
	v36 =	vld.idx.msk [tilespmem:v36+s3+$0x0], $0xffff  }
0x108: {  	v43 =	vadd.s32 s16, v11;
	v42 =	vadd.s32 v1, v42;
	v17 =	vmul.f32 $5.399096760e-02, v17;
	v37 =	vld.idx.msk [tilespmem:v37+s3+$0x0], $0xffff  }
0x109: {  	v43 =	vadd.s32 v1, v43;
	v44 =	vsub.s32 s16, v4;
	v23 =	vmul.f32 $5.399096760e-02, v23;
	v38 =	vld.idx.msk [tilespmem:v38+s3+$0x0], $0xffff  }
0x10a: {  	v44 =	vadd.s32 v1, v44;
	v45 =	vadd.s32 s16, v4;
	v33 =	vadd.f32 $0.0e+00, v33;
	v39 =	vld.idx.msk [tilespmem:v39+s3+$0x0], $0xffff  }
0x10b: {  	v45 =	vadd.s32 v1, v45;
	v46 =	vsub.s32 s16, v3;
	v35 =	vadd.f32 $0.0e+00, v35;
	v40 =	vld.idx.msk [tilespmem:v40+s3+$0x0], $0xffff  }
0x10c: {  	v29 =	vadd.f32 $0.0e+00, v29;
	v46 =	vadd.s32 v1, v46;
	v47 =	vadd.s32 s16, v3;
	v41 =	vld.idx.msk [tilespmem:v41+s3+$0x0], $0xffff  }
0x10d: {  	v24 =	vadd.f32 $0.0e+00, v24;
	v48 =	vadd.s32 s16, v2;
	v47 =	vadd.s32 v1, v47;
	v42 =	vld.idx.msk [tilespmem:v42+s3+$0x0], $0xffff  }
0x10e: {  	v48 =	vadd.s32 v1, v48;
	v26 =	vadd.f32 $0.0e+00, v26;
	v49 =	vsub.s32 s16, v13;
	v43 =	vld.idx.msk [tilespmem:v43+s3+$0x0], $0xffff  }
0x10f: {  	v50 =	vadd.s32 s16, v13;
	v49 =	vadd.s32 v1, v49;
	v31 =	vadd.f32 $0.0e+00, v31;
	v44 =	vld.idx.msk [tilespmem:v44+s3+$0x0], $0xffff  }
0x110: {  	v22 =	vadd.f32 v22, v33;
	v33 =	vld.idx.msk [tilespmem:v45+s3+$0x0], $0xffff;
	v45 =	vadd.s32 v1, v50;
	v50 =	vsub.s32 s16, v5  }
0x111: {  	v25 =	vadd.f32 v25, v35;
	v35 =	vld.idx.msk [tilespmem:v46+s3+$0x0], $0xffff;
	v46 =	vadd.s32 v1, v50;
	v50 =	vadd.s32 s16, v5  }
0x112: {  	v29 =	vadd.f32 v30, v29;
	v24 =	vadd.f32 v17, v24;
	v30 =	vld.idx.msk [tilespmem:v47+s3+$0x0], $0xffff;
	v47 =	vadd.s32 v1, v50  }
0x113: {  	s14 =	sadd.s32 $0x4, s14;
	v26 =	vadd.f32 v28, v26;
	v28 =	vmul.f32 $4.431848410e-03, v32;
	v23 =	vadd.f32 v23, v31;
	v31 =	vld.idx.msk [tilespmem:v48+s3+$0x0], $0xffff  }
0x114: {  	p0 =	slt.u32 s14, $0x3FC;
	v27 =	vmul.f32 $4.431848410e-03, v27;
	v32 =	vadd.f32 v16, v22;
	v17 =	vadd.f32 v20, v25;
	s16 =	sshll.u32 s14, $0x4;
	v20 =	vld.idx.msk [tilespmem:v49+s3+$0x0], $0xffff  }
0x115: {  	v21 =	vadd.f32 v21, v29;
	v22 =	vadd.f32 v28, v24;
	v16 =	vor.u32 s16, v0;
	v24 =	vld.idx.msk [tilespmem:v45+s3+$0x0], $0xffff  }
0x116: {  	v28 =	vmul.f32 v18, v14;
	v18 =	vadd.f32 v27, v26;
	v25 =	vadd.f32 v33, v44;
	v26 =	vld.idx.msk [tilespmem:v46+s3+$0x0], $0xffff  }
0x117: {  	v19 =	vmul.f32 $4.431848410e-03, v19;
	v29 =	vadd.f32 v36, v34;
	v27 =	vadd.f32 v38, v37;
	v33 =	vld.idx.msk [tilespmem:v47+s3+$0x0], $0xffff  }
0x118: {  	v34 =	vadd.f32 v43, v42;
	v25 =	vmul.f32 $2.419707180e-01, v25;
	v30 =	vadd.f32 v30, v35  }
0x119: {  	v35 =	vmul.f32 v21, v9;
	v21 =	vadd.f32 v40, v39;
	v31 =	vadd.f32 v31, v41  }
0x11a: {  	v34 =	vmul.f32 $5.399096760e-02, v34;
	v25 =	vadd.f32 $0.0e+00, v25;
	v30 =	vmul.f32 $2.419707180e-01, v30  }
0x11b: {  	v27 =	vmul.f32 $4.431848410e-03, v27;
	v31 =	vmul.f32 $2.419707180e-01, v31;
	v20 =	vadd.f32 v24, v20  }
0x11c: {  	v21 =	vmul.f32 $5.399096760e-02, v21;
	v24 =	vadd.f32 v34, v25;
	v25 =	vadd.f32 $0.0e+00, v30  }
0x11d: {  	v29 =	vmul.f32 $4.431848410e-03, v29;
	v30 =	vadd.f32 $0.0e+00, v31;
	v26 =	vadd.f32 v33, v26  }
0x11e: {  	v20 =	vmul.f32 $5.399096760e-02, v20;
	v24 =	vadd.f32 v27, v24;
	v21 =	vadd.f32 v21, v25  }
0x11f: {  	v19 =	vadd.f32 v19, v23;
	v18 =	vmul.f32 v18, v8;
	v23 =	vmul.f32 $4.431848410e-03, v26  }
0x120: {  	v20 =	vadd.f32 v20, v30;
	v24 =	vmul.f32 v24, v8;
	v25 =	vadd.f32 v29, v21  }
.Ltmp0:
0x121: {  	s15 =	sshll.u32 s15, $0x4;
	v27 =	vmul.f32 v19, v8;
	v26 =	vadd.f32 v18, v10;
	v21 =	vmul.f32 v22, v9;
	(pc) =	sbr.rel @p0 .LBB2_3-.Ltmp0, $4  }
0x122: {  	s17 =	sadd.s32 $0x60, s15;
	s16 =	sadd.s32 $0x50, s15;
	s15 =	sadd.s32 $0x70, s15;
	v23 =	vadd.f32 v23, v20;
	v22 =	vadd.f32 v24, v10;
	v25 =	vmul.f32 v25, v9  }
0x123: {  	v19 =	vor.u32 s17, v0;
	v18 =	vor.u32 s16, v0;
	v20 =	vor.u32 s15, v0  }
0x124: {  	v24 =	vadd.f32 v27, v10;
	v22 =	vadd.f32 v25, v22;
	v25 =	vmul.f32 v23, v14  }
0x125: {  	v15 =	vadd.f32 v28, v15;
	v23 =	vadd.f32 v35, v26;
	v26 =	vmul.f32 v32, v14  }
0x126: {  	_ =	sdelay $0x2  }
0x127: {  	v2 =	vadd.f32 v21, v24;
	v3 =	vmul.f32 v17, v14;
	v4 =	vadd.f32 v25, v22  }
0x128: {  	[tilespmem:v16+s1+$0x0] =	vst.idx.msk $0xffff, v15;
	v5 =	vadd.f32 v26, v23  }
0x129: {  	s2 =	sadd.s32 $0x1, s2;
	v2 =	vadd.f32 v3, v2;
	[tilespmem:v20+s1+$0x0] =	vst.idx.msk $0xffff, v4  }
0x12a: {  	s14 =	rddreg [dreg:$0x2];
	p0 =	slt.u32 s2, s10;
	[tilespmem:v18+s1+$0x0] =	vst.idx.msk $0xffff, v5  }
.Ltmp1:
0x12b: {  	s13 =	sadd.s32 s14, s13;
	[tilespmem:v19+s1+$0x0] =	vst.idx.msk $0xffff, v2;
	(pc) =	sbr.rel @p0 .LBB2_2-.Ltmp1, $4  }
0x12c: {  	[hbm4b:s13+s3] =	stream.linear.scatter [tilespmem:s1], [sflag:$0x1], $0x4000, $0x38;
	[tilespmem:$0x140F0] =	vst v63  }
0x12d: {  	_ =	swait.ge [sflag:s12], $0x4000  }
0x12e: {  	[sflag:s12] =	ssyncset.done $0x0  }
0x12f: {  	[sflag:s12] =	ssyncadd.s32 $0xFFFFC000  }
0x130: {  	s13 =	rddreg [dreg:$0x7]  }
0x131: {  	s2 =	rddreg [dreg:$0x6];
	s13 =	sadd.s32 $0x1, s13  }
0x132: {  	p0 =	sne.s32 s13, s2  }
.Ltmp2:
0x133: {  	_ = 	snop;
	(pc) =	sbr.rel @p0 .LBB2_1-.Ltmp2, $1  }
0x134: {  	_ =	sdelay $0x3  }
0x135: {  	_ =	sfence.sel $0x180000  }
0x136: {  	[bflag:$0x0] =	sbarrier.arrive $0xFFFF  }
0x137: {  	_ =	strace $0x90000047  }
0x138: {  	s0 =	stileid.u32;
	[bflag:$0x2] =	sbarrier.arrive $0xFFFF  }
0x139: {  	p0 =	sne.s32 s0, $0x0;
	s0 =	rddreg [dreg:$0x3]  }
0x13a: {  	s0 =	sadd.s32 @!p0 $0x100000, s0  }
0x13b: {  	[sflag:s0] =	ssyncadd.tile.s32 @!p0 $0x1;
	_ =	shalt  }
.Lfunc_end2:
_tile_overlayer_lowered:
.L_overlay_start_2:
0x13c: {  	(tag) =	ssettag $0x2  }
0x13d: {  	s0 =	rddreg [dreg:$0x0];
	s2 =	stileid.u32  }
0x13e: {  	s1 =	rddreg [dreg:$0x1];
	p0 =	sne.s32 s2, $0x0  }
0x13f: {  	s3 =	rddreg [dreg:$0x2];
	[bflag:$0x3] =	sbarrier.arrive $0xFFFF;
	s2 =	simm.s32 @!p0 $0x1C01  }
0x140: {  	[timem:s3], [sflag:s2] =	dma.local @!p0 [hbm:s0], s1  }
0x141: {  	s0 =	simm.s32 @!p0 $0x1  }
0x142: {  	_ =	swait.ge @!p0 [sflag:s0], s1  }
0x143: {  	s1 =	ssub.s32 @!p0 $0x0, s1;
	[sflag:s0] =	ssyncset.done @!p0 $0x0  }
0x144: {  	[sflag:s0] =	ssyncadd.s32 @!p0 s1  }
0x145: {  	[bflag:$0x3] =	sbarrier.arrive $0xFFFF  }
0x146: {  	_ =	shalt  }

</sc_bundles>
